<compile_context>
chip_gen: v7x
topology: tpu7x:2x2x1
jax: 0.10.2.dev20260603
libtpu: 0.0.44.dev20260713+nightly
codegen_flags: <defaults>
</compile_context>

<pallas_src>
import functools

import jax
import jax.numpy as jnp
from jax import lax
from jax.experimental import pallas as pl
from jax.experimental.pallas import tpu as pltpu
from jax.experimental.pallas import tpu_sc as plsc

N = 10000
E = 320000
D = 128
EB = 128
NB = E // EB
NC = 2
NS = 16
NW = NC * NS
RB = 1000
HI = jax.lax.Precision.HIGHEST

_mesh = plsc.VectorSubcoreMesh(
    core_axis_name="c", subcore_axis_name="s", num_cores=NC, num_subcores=NS)


def _zero_2d(ref, nrows):
  def body(k, _):
    i = k // (D // 16)
    j = k % (D // 16)
    ref[i, pl.ds(j * 16, 16)] = jnp.zeros((16,), jnp.float32)
    return 0
  lax.fori_loop(0, nrows * (D // 16), body, 0)


def _fill_1d(ref, n, value):
  def body(k, _):
    ref[pl.ds(k * 16, 16)] = jnp.full((16,), value, jnp.float32)
    return 0
  lax.fori_loop(0, n // 16, body, 0)


@functools.partial(
    pl.kernel,
    out_type=(
        jax.ShapeDtypeStruct((NC, N, D), jnp.float32),
        jax.ShapeDtypeStruct((N,), jnp.float32),
        jax.ShapeDtypeStruct((N,), jnp.float32),
    ),
    mesh=_mesh,
    scratch_types=(
        pltpu.VMEM_SHARED((N, D), jnp.float32),
        pltpu.VMEM_SHARED((N,), jnp.float32),
        pltpu.VMEM((E // NW,), jnp.int32),
        [pltpu.VMEM((EB,), jnp.int32) for _ in range(4)],
        pltpu.VMEM((16,), jnp.int32),
        pltpu.VMEM((2, EB, D), jnp.float32),
        pltpu.VMEM((EB,), jnp.float32),
        pltpu.VMEM((1024,), jnp.float32),
        pltpu.SemaphoreType.DMA,
        pltpu.SemaphoreType.DMA,
        pltpu.SemaphoreType.DMA,
        pltpu.SemaphoreType.DMA,
    ),
)
def _sc1(z1, srcs, dsts, aggz_out, deg_out0, deg_out1,
         acc, degacc, src_v, dst_b, dst_t, rows_v, ones_v, zvec_v,
         sem_g, sem_s, sem_d, sem_i):
  c = lax.axis_index("c")
  s = lax.axis_index("s")
  gw = c * NS + s
  epw = E // NW
  nb = 78
  e_lo = gw * epw

  pltpu.async_copy(srcs.at[pl.ds(e_lo, epw)], src_v, sem_i)

  _zero_2d(rows_v.at[0], EB)
  _fill_1d(ones_v, EB, 1.0)
  _fill_1d(zvec_v, 1024, 0.0)

  def sidx(j):
    return src_v.at[pl.ds(j * EB, EB)]

  for j in range(6):
    pltpu.async_copy(rows_v.at[0].at[pl.ds(0, 104)],
                     acc.at[pl.ds(s * 624 + j * 104, 104)], sem_s)
  @pl.when(s == 0)
  def _():
    pltpu.sync_copy(rows_v.at[0].at[pl.ds(0, 16)], acc.at[pl.ds(NS * 624, 16)])
  @pl.when(s < 10)
  def _():
    pltpu.sync_copy(zvec_v.at[pl.ds(0, 1000)], degacc.at[pl.ds(s * 1000, 1000)])
  for j in range(6):
    pltpu.make_async_copy(rows_v.at[0].at[pl.ds(0, 104)],
                          acc.at[pl.ds(s * 624 + j * 104, 104)], sem_s).wait()
  pltpu.make_async_copy(srcs.at[pl.ds(e_lo, epw)], src_v, sem_i).wait()
  plsc.subcore_barrier()

  def idx_start(j, k):
    pltpu.async_copy(dsts.at[pl.ds(e_lo + j * EB, EB)], dst_b[k], sem_i)

  def idx_wait(k):
    pltpu.make_async_copy(dsts.at[pl.ds(0, EB)], dst_b[k], sem_i).wait()

  idx_start(0, 0)
  idx_start(1, 1)
  pltpu.async_copy(z1.at[sidx(0)], rows_v.at[0], sem_g)

  def outer(J, _):
    for k in range(4):
      j = J * 4 + k
      r = k % 2
      r1 = (k + 1) % 2
      kp = (k + 3) % 4
      k2 = (k + 2) % 4
      @pl.when(jnp.logical_and(j >= 1, j < nb + 1))
      def _():
        pltpu.make_async_copy(rows_v.at[r1], acc.at[dst_b[kp]], sem_s).wait()
      @pl.when(j + 1 < nb)
      def _():
        pltpu.async_copy(z1.at[sidx(j + 1)], rows_v.at[r1], sem_g)
      @pl.when(j < nb)
      def _():
        idx_wait(k)
        pltpu.make_async_copy(z1.at[sidx(j)], rows_v.at[r], sem_g).wait()
        pltpu.make_async_copy(rows_v.at[r], acc.at[dst_b[k]], sem_s
                              ).start(add=True)
        pltpu.make_async_copy(ones_v, degacc.at[dst_b[k]], sem_d
                              ).start(add=True)
      @pl.when(jnp.logical_and(j >= 1, j < nb + 1))
      def _():
        pltpu.make_async_copy(ones_v, degacc.at[dst_b[kp]], sem_d).wait()
      @pl.when(j + 2 < nb)
      def _():
        idx_start(j + 2, k2)
    return 0
  lax.fori_loop(0, (78 + 1 + 3) // 4 + 1, outer, 0)

  et = nb * EB
  rt = rows_v.at[0].at[pl.ds(0, 16)]
  pltpu.sync_copy(dsts.at[pl.ds(e_lo + et, 16)], dst_t)
  pltpu.async_copy(z1.at[src_v.at[pl.ds(et, 16)]], rt, sem_g).wait()
  pltpu.sync_copy(rt, acc.at[dst_t], add=True)
  pltpu.sync_copy(ones_v.at[pl.ds(0, 16)], degacc.at[dst_t], add=True)

  plsc.subcore_barrier()
  pltpu.sync_copy(acc.at[pl.ds(s * 624, 624)],
                  aggz_out.at[c, pl.ds(s * 624, 624)])
  @pl.when(s == 0)
  def _():
    pltpu.sync_copy(acc.at[pl.ds(NS * 624, 16)],
                    aggz_out.at[c, pl.ds(NS * 624, 16)])
  @pl.when(s < 10)
  def _():
    pltpu.sync_copy(degacc.at[pl.ds(s * 1000, 1000)], zvec_v.at[pl.ds(0, 1000)])
  @pl.when(jnp.logical_and(c == 0, s < 10))
  def _():
    pltpu.sync_copy(zvec_v.at[pl.ds(0, 1000)], deg_out0.at[pl.ds(s * 1000, 1000)])
  @pl.when(jnp.logical_and(c == 1, s < 10))
  def _():
    pltpu.sync_copy(zvec_v.at[pl.ds(0, 1000)], deg_out1.at[pl.ds(s * 1000, 1000)])


@functools.partial(
    pl.kernel,
    out_type=(
        jax.ShapeDtypeStruct((N,), jnp.float32),
        jax.ShapeDtypeStruct((N,), jnp.float32),
    ),
    mesh=_mesh,
    scratch_types=(
        pltpu.VMEM_SHARED((N,), jnp.float32),
        pltpu.VMEM((10240,), jnp.int32),
        pltpu.VMEM((10240,), jnp.int32),
        pltpu.VMEM((10240,), jnp.float32),
        pltpu.VMEM((2560,), jnp.int32),
        pltpu.VMEM((2560,), jnp.int32),
        pltpu.VMEM((2560,), jnp.float32),
        pltpu.VMEM((1024,), jnp.float32),
        pltpu.SemaphoreType.DMA,
    ),
)
def _sc2(n2, srcs, dsts, agg_out0, agg_out1, acc, src_v, dst_v, vals_v,
         src_s, dst_s, vals_s, zvec_v, sem):
  c = lax.axis_index("c")
  s = lax.axis_index("s")
  gw = c * NS + s

  _fill_1d(zvec_v, 1024, 0.0)
  @pl.when(s < 10)
  def _():
    pltpu.sync_copy(zvec_v.at[pl.ds(0, 1000)], acc.at[pl.ds(s * 1000, 1000)])
  plsc.subcore_barrier()

  @pl.when(gw < 31)
  def _():
    e0 = gw * 10240
    pltpu.sync_copy(srcs.at[pl.ds(e0, 10240)], src_v)
    pltpu.sync_copy(dsts.at[pl.ds(e0, 10240)], dst_v)
    pltpu.async_copy(n2.at[src_v], vals_v, sem).wait()
    pltpu.sync_copy(vals_v, acc.at[dst_v], add=True)
  @pl.when(gw == 31)
  def _():
    pltpu.sync_copy(srcs.at[pl.ds(317440, 2560)], src_s)
    pltpu.sync_copy(dsts.at[pl.ds(317440, 2560)], dst_s)
    pltpu.async_copy(n2.at[src_s], vals_s, sem).wait()
    pltpu.sync_copy(vals_s, acc.at[dst_s], add=True)

  plsc.subcore_barrier()
  @pl.when(s < 10)
  def _():
    pltpu.sync_copy(acc.at[pl.ds(s * 1000, 1000)], zvec_v.at[pl.ds(0, 1000)])
  @pl.when(jnp.logical_and(c == 0, s < 10))
  def _():
    pltpu.sync_copy(zvec_v.at[pl.ds(0, 1000)], agg_out0.at[pl.ds(s * 1000, 1000)])
  @pl.when(jnp.logical_and(c == 1, s < 10))
  def _():
    pltpu.sync_copy(zvec_v.at[pl.ds(0, 1000)], agg_out1.at[pl.ds(s * 1000, 1000)])


def _tc1_body(x_ref, wn_ref, ws_ref, z1_ref, s1_ref):
  xb = x_ref[...]
  z1_ref[...] = jnp.dot(xb, wn_ref[...], preferred_element_type=jnp.float32,
                        precision=HI)
  s1_ref[...] = jnp.dot(xb, ws_ref[...], preferred_element_type=jnp.float32,
                        precision=HI)


def _tc2_body(s1_ref, aggz_ref, d0_ref, d1_ref, bs1_ref, bn1_ref,
              ws2_ref, wn2_ref, n2_ref, s2_ref):
  deg = jnp.maximum(d0_ref[...] + d1_ref[...], 1.0)
  inv = 1.0 / deg
  agg = (aggz_ref[0] + aggz_ref[1]) * inv
  h = jnp.maximum(s1_ref[...] + bs1_ref[...] + bn1_ref[...] + agg, 0.0)
  s2_ref[...] = jnp.dot(h, ws2_ref[...], preferred_element_type=jnp.float32,
                        precision=HI)
  n2_ref[...] = jnp.dot(h, wn2_ref[...], preferred_element_type=jnp.float32,
                        precision=HI)


def _tc3_body(s2_ref, q0_ref, q1_ref, d0_ref, d1_ref, bs2_ref, bn2_ref,
              out_ref):
  deg = jnp.maximum(d0_ref[...] + d1_ref[...], 1.0)
  agg2 = q0_ref[...] + q1_ref[...]
  out_ref[...] = s2_ref[...] + bs2_ref[...] + bn2_ref[...] + agg2 / deg


def _tc1(x, wn, ws):
  return pl.pallas_call(
      _tc1_body,
      grid=(N // RB,),
      in_specs=[
          pl.BlockSpec((RB, D), lambda i: (i, 0)),
          pl.BlockSpec((D, D), lambda i: (0, 0)),
          pl.BlockSpec((D, D), lambda i: (0, 0)),
      ],
      out_specs=[
          pl.BlockSpec((RB, D), lambda i: (i, 0)),
          pl.BlockSpec((RB, D), lambda i: (i, 0)),
      ],
      out_shape=[
          jax.ShapeDtypeStruct((N, D), jnp.float32),
          jax.ShapeDtypeStruct((N, D), jnp.float32),
      ],
  )(x, wn, ws)


def _tc2(s1, aggz_p, d0, d1, bs1, bn1, ws2, wn2):
  return pl.pallas_call(
      _tc2_body,
      grid=(N // RB,),
      in_specs=[
          pl.BlockSpec((RB, D), lambda i: (i, 0)),
          pl.BlockSpec((NC, RB, D), lambda i: (0, i, 0)),
          pl.BlockSpec((RB, 1), lambda i: (i, 0)),
          pl.BlockSpec((RB, 1), lambda i: (i, 0)),
          pl.BlockSpec((1, D), lambda i: (0, 0)),
          pl.BlockSpec((1, D), lambda i: (0, 0)),
          pl.BlockSpec((D, 1), lambda i: (0, 0)),
          pl.BlockSpec((D, 1), lambda i: (0, 0)),
      ],
      out_specs=[
          pl.BlockSpec((RB, 1), lambda i: (i, 0)),
          pl.BlockSpec((RB, 1), lambda i: (i, 0)),
      ],
      out_shape=[
          jax.ShapeDtypeStruct((N, 1), jnp.float32),
          jax.ShapeDtypeStruct((N, 1), jnp.float32),
      ],
  )(s1, aggz_p, d0, d1, bs1, bn1, ws2, wn2)


def _tc3(s2, q0, q1, d0, d1, bs2, bn2):
  return pl.pallas_call(
      _tc3_body,
      grid=(N // RB,),
      in_specs=[
          pl.BlockSpec((RB, 1), lambda i: (i, 0)),
          pl.BlockSpec((RB, 1), lambda i: (i, 0)),
          pl.BlockSpec((RB, 1), lambda i: (i, 0)),
          pl.BlockSpec((RB, 1), lambda i: (i, 0)),
          pl.BlockSpec((RB, 1), lambda i: (i, 0)),
          pl.BlockSpec((1, 1), lambda i: (0, 0)),
          pl.BlockSpec((1, 1), lambda i: (0, 0)),
      ],
      out_specs=pl.BlockSpec((RB, 1), lambda i: (i, 0)),
      out_shape=jax.ShapeDtypeStruct((N, 1), jnp.float32),
  )(s2, q0, q1, d0, d1, bs2, bn2)


def kernel(x, edge_index, W_self1, b_self1, W_neigh1, b_neigh1,
           W_self2, b_self2, W_neigh2, b_neigh2):
  src = edge_index[0].astype(jnp.int32)
  dst = edge_index[1].astype(jnp.int32)

  z1, s1 = _tc1(x, W_neigh1, W_self1)
  aggz_p, deg0, deg1 = _sc1(z1, src, dst)
  d0 = deg0.reshape(N, 1)
  d1 = deg1.reshape(N, 1)

  n2, s2 = _tc2(s1, aggz_p, d0, d1, b_self1.reshape(1, D),
                b_neigh1.reshape(1, D), W_self2, W_neigh2)

  agg20, agg21 = _sc2(n2.reshape(N), src, dst)
  return _tc3(s2, agg20.reshape(N, 1), agg21.reshape(N, 1), d0, d1,
              b_self2.reshape(1, 1), b_neigh2.reshape(1, 1))

# --- scband reference (transcript-rebuilt; emitter-appended) ---
"""Pipeline reference for scband-graph-sageclassifier-34557306864326 (READ-ONLY COPY).

The authoritative reference and input builder live on the scoring server;
editing this copy changes nothing except your own understanding.
"""

import jax, jax.numpy as jnp
import numpy as np

N_NODES = 10000
N_EDGES = 320000
D_IN = 128
D_HID = 128


def setup_inputs(seed: int = 0) -> dict:
    key = jax.random.key(seed)
    ks = jax.random.split(key, 12)
    x = jax.random.normal(ks[0], (N_NODES, D_IN), dtype=jnp.float32)
    edge_index = jax.random.randint(ks[1], (2, N_EDGES), 0, N_NODES, dtype=jnp.int64)
    s1 = 1.0 / np.sqrt(D_IN)
    s2 = 1.0 / np.sqrt(D_HID)
    W_self1 = jax.random.uniform(ks[2], (D_IN, D_HID), minval=-s1, maxval=s1, dtype=jnp.float32)
    b_self1 = jax.random.uniform(ks[3], (D_HID,), minval=-s1, maxval=s1, dtype=jnp.float32)
    W_neigh1 = jax.random.uniform(ks[4], (D_IN, D_HID), minval=-s1, maxval=s1, dtype=jnp.float32)
    b_neigh1 = jax.random.uniform(ks[5], (D_HID,), minval=-s1, maxval=s1, dtype=jnp.float32)
    W_self2 = jax.random.uniform(ks[6], (D_HID, 1), minval=-s2, maxval=s2, dtype=jnp.float32)
    b_self2 = jax.random.uniform(ks[7], (1,), minval=-s2, maxval=s2, dtype=jnp.float32)
    W_neigh2 = jax.random.uniform(ks[8], (D_HID, 1), minval=-s2, maxval=s2, dtype=jnp.float32)
    b_neigh2 = jax.random.uniform(ks[9], (1,), minval=-s2, maxval=s2, dtype=jnp.float32)
    return {
        'x': x, 'edge_index': edge_index,
        'W_self1': W_self1, 'b_self1': b_self1,
        'W_neigh1': W_neigh1, 'b_neigh1': b_neigh1,
        'W_self2': W_self2, 'b_self2': b_self2,
        'W_neigh2': W_neigh2, 'b_neigh2': b_neigh2,
    }


def _mean_aggregate(x, edge_index):
    src = edge_index[0]
    dst = edge_index[1]
    num_nodes = x.shape[0]
    aggregated = jnp.zeros_like(x).at[dst].add(x[src])
    deg = jnp.zeros((num_nodes,), dtype=x.dtype).at[dst].add(jnp.ones((dst.shape[0],), dtype=x.dtype))
    deg = jnp.clip(deg, 1.0)[:, None]
    return aggregated / deg


def _sage_conv(x, edge_index, W_self, b_self, W_neigh, b_neigh):
    # dropout=0.0 -> identity
    aggregated = _mean_aggregate(x, edge_index)
    return x @ W_self + b_self + aggregated @ W_neigh + b_neigh


def reference(x, edge_index, W_self1, b_self1, W_neigh1, b_neigh1, W_self2, b_self2, W_neigh2, b_neigh2):
    h = _sage_conv(x, edge_index, W_self1, b_self1, W_neigh1, b_neigh1)
    h = jax.nn.relu(h)
    logits = _sage_conv(h, edge_index, W_self2, b_self2, W_neigh2, b_neigh2)
    return logits

if __name__ == "__main__":
    import jax
    _d = setup_inputs()
    print(jax.jit(kernel)(*tuple(_d.values())))

</pallas_src>

<mosaic_0001>
#map = affine_map<(d0, d1) -> (0)>
module attributes {stable_mosaic.version = 14 : i64} {
  func.func @_sc2(%arg0: i32, %arg1: i32, %arg2: memref<10000xf32, #tpu.memory_space<hbm>>, %arg3: memref<320000xi32, #tpu.memory_space<hbm>>, %arg4: memref<320000xi32, #tpu.memory_space<hbm>>, %arg5: memref<10000xf32, #tpu.memory_space<hbm>>, %arg6: memref<10000xf32, #tpu.memory_space<hbm>>, %arg7: memref<10000xf32, #tpu.memory_space<vmem_shared>>, %arg8: memref<10240xi32, #tpu.memory_space<vmem>>, %arg9: memref<10240xi32, #tpu.memory_space<vmem>>, %arg10: memref<10240xf32, #tpu.memory_space<vmem>>, %arg11: memref<2560xi32, #tpu.memory_space<vmem>>, %arg12: memref<2560xi32, #tpu.memory_space<vmem>>, %arg13: memref<2560xf32, #tpu.memory_space<vmem>>, %arg14: memref<1024xf32, #tpu.memory_space<vmem>>, %arg15: memref<!tpu.dma_semaphore, #tpu.memory_space<semaphore_mem>>) attributes {dimension_semantics = [#tpu.dimension_semantics<core_parallel>, #tpu.dimension_semantics<subcore_parallel>], iteration_bounds = array<i64: 2, 16>, scalar_prefetch = 0 : i64, scratch_operands = 9 : i64, tpu.core_type = #tpu.core_type<sc_vector_subcore>, window_params = [{transform_indices = #map}, {transform_indices = #map}, {transform_indices = #map}, {transform_indices = #map}, {transform_indices = #map}]} {
    %mul3A = arith.constant 16 : i32
    %mul3A_0 = arith.muli %arg0, %mul3A : i32
    %add3A = arith.addi %mul3A_0, %arg1 : i32
    %scan3A = arith.constant 0 : i32
    %scan3A_1 = arith.constant 0 : i32
    %scan3A_2 = arith.constant 64 : i32
    %scan3A_3 = arith.addi %scan3A_1, %scan3A_2 : i32
    %scan3A_4 = arith.constant 1 : i32
    %scan3A_5 = scf.for %scan3A_39 = %scan3A_1 to %scan3A_3 step %scan3A_4 iter_args(%scan3A_40 = %scan3A) -> (i32)  : i32 {
      %broadcast_in_dim3A = arith.constant 0.000000e+00 : f32
      %broadcast_in_dim3A_41 = vector.broadcast %broadcast_in_dim3A : f32 to vector<16xf32>
      %mul3A_42 = arith.constant 16 : i32
      %mul3A_43 = arith.muli %scan3A_39, %mul3A_42 : i32
      %swap3A = arith.index_cast %mul3A_43 : i32 to index
      %swap3A_44 = tpu.vector_load %arg14[%swap3A] {strides = array<i32>} : memref<1024xf32, #tpu.memory_space<vmem>>, vector<16xf32>,
      %swap3A_45 = vector.shape_cast %swap3A_44 : vector<16xf32> to vector<16xf32>
      %swap3A_46 = vector.shape_cast %broadcast_in_dim3A_41 : vector<16xf32> to vector<16xf32>
      tpu.vector_store %arg14[%swap3A], %swap3A_46 {strides = array<i32>} : memref<1024xf32, #tpu.memory_space<vmem>>, vector<16xf32>,
      %scan3A_47 = arith.constant 0 : i32
      scf.yield %scan3A_47 : i32
    }
    %scan3A_6 = arith.constant 64 : i32
    %lt3A = arith.constant 10 : i32
    %lt3A_7 = arith.cmpi slt, %arg1, %lt3A : i32
    %convert_element_type3A = arith.extui %lt3A_7 : i1 to i32
    %cond3A = arith.constant 0 : i32
    %cond3A_8 = arith.cmpi ne, %convert_element_type3A, %cond3A : i32
    scf.if %cond3A_8 {
      %mul3A_39 = arith.constant 1000 : i32
      %mul3A_40 = arith.muli %arg1, %mul3A_39 : i32
      "tpu.region"() ({
        %run_scoped3A = tpu.sem_alloc : memref<!tpu.dma_semaphore, #tpu.memory_space<semaphore_mem>>
        %dma_start3A = arith.constant 0 : i32
        %dma_start3A_41 = tpu.memref_slice %arg14[%dma_start3A] : memref<1024xf32, #tpu.memory_space<vmem>> -> memref<1000xf32, #tpu.memory_space<vmem>>
        %dma_start3A_42 = tpu.memref_slice %arg7[%mul3A_40] : memref<10000xf32, #tpu.memory_space<vmem_shared>> -> memref<1000xf32, #tpu.memory_space<vmem_shared>>
        %dma_start3A_43 = tpu.memref_slice %arg7[%mul3A_40] : memref<10000xf32, #tpu.memory_space<vmem_shared>> -> memref<1000xf32, #tpu.memory_space<vmem_shared>>
        %dma_start3A_44 = arith.constant 0 : i32
        %dma_start3A_45 = tpu.memref_slice %arg14[%dma_start3A_44] : memref<1024xf32, #tpu.memory_space<vmem>> -> memref<1000xf32, #tpu.memory_space<vmem>>
        tpu.enqueue_dma source(%dma_start3A_45 : memref<1000xf32, #tpu.memory_space<vmem>>) target(%dma_start3A_43 : memref<1000xf32, #tpu.memory_space<vmem_shared>>) target_semaphore(%run_scoped3A : memref<!tpu.dma_semaphore, #tpu.memory_space<semaphore_mem>>)
        %dma_wait3A = arith.constant 0 : i32
        %dma_wait3A_46 = tpu.memref_slice %arg14[%dma_wait3A] : memref<1024xf32, #tpu.memory_space<vmem>> -> memref<1000xf32, #tpu.memory_space<vmem>>
        %dma_wait3A_47 = tpu.memref_slice %arg7[%mul3A_40] : memref<10000xf32, #tpu.memory_space<vmem_shared>> -> memref<1000xf32, #tpu.memory_space<vmem_shared>>
        %dma_wait3A_48 = tpu.memref_slice %arg7[%mul3A_40] : memref<10000xf32, #tpu.memory_space<vmem_shared>> -> memref<1000xf32, #tpu.memory_space<vmem_shared>>
        %dma_wait3A_49 = arith.constant 0 : i32
        %dma_wait3A_50 = tpu.memref_slice %arg14[%dma_wait3A_49] : memref<1024xf32, #tpu.memory_space<vmem>> -> memref<1000xf32, #tpu.memory_space<vmem>>
        tpu.wait_dma2 semaphore(%run_scoped3A : memref<!tpu.dma_semaphore, #tpu.memory_space<semaphore_mem>>) src(%dma_wait3A_50 : memref<1000xf32, #tpu.memory_space<vmem>>) dst(%dma_wait3A_48 : memref<1000xf32, #tpu.memory_space<vmem_shared>>)
        tpu.yield
      }) : () -> ()
    } else {
    }
    %barrier3A = arith.constant 0 : index
    tpu.barrier barrier_id(%barrier3A)
    %lt3A_9 = arith.constant 31 : i32
    %lt3A_10 = arith.cmpi slt, %add3A, %lt3A_9 : i32
    %convert_element_type3A_11 = arith.extui %lt3A_10 : i1 to i32
    %cond3A_12 = arith.constant 0 : i32
    %cond3A_13 = arith.cmpi ne, %convert_element_type3A_11, %cond3A_12 : i32
    scf.if %cond3A_13 {
      %mul3A_39 = arith.constant 10240 : i32
      %mul3A_40 = arith.muli %add3A, %mul3A_39 : i32
      "tpu.region"() ({
        %run_scoped3A = tpu.sem_alloc : memref<!tpu.dma_semaphore, #tpu.memory_space<semaphore_mem>>
        %dma_start3A_43 = tpu.memref_slice %arg3[%mul3A_40] : memref<320000xi32, #tpu.memory_space<hbm>> -> memref<10240xi32, #tpu.memory_space<hbm>>
        %dma_start3A_44 = tpu.memref_slice %arg3[%mul3A_40] : memref<320000xi32, #tpu.memory_space<hbm>> -> memref<10240xi32, #tpu.memory_space<hbm>>
        tpu.enqueue_dma source(%dma_start3A_44 : memref<10240xi32, #tpu.memory_space<hbm>>) target(%arg8 : memref<10240xi32, #tpu.memory_space<vmem>>) target_semaphore(%run_scoped3A : memref<!tpu.dma_semaphore, #tpu.memory_space<semaphore_mem>>)
        %dma_wait3A_45 = tpu.memref_slice %arg3[%mul3A_40] : memref<320000xi32, #tpu.memory_space<hbm>> -> memref<10240xi32, #tpu.memory_space<hbm>>
        %dma_wait3A_46 = tpu.memref_slice %arg3[%mul3A_40] : memref<320000xi32, #tpu.memory_space<hbm>> -> memref<10240xi32, #tpu.memory_space<hbm>>
        tpu.wait_dma2 semaphore(%run_scoped3A : memref<!tpu.dma_semaphore, #tpu.memory_space<semaphore_mem>>) src(%dma_wait3A_46 : memref<10240xi32, #tpu.memory_space<hbm>>) dst(%arg8 : memref<10240xi32, #tpu.memory_space<vmem>>)
        tpu.yield
      }) : () -> ()
      "tpu.region"() ({
        %run_scoped3A = tpu.sem_alloc : memref<!tpu.dma_semaphore, #tpu.memory_space<semaphore_mem>>
        %dma_start3A_43 = tpu.memref_slice %arg4[%mul3A_40] : memref<320000xi32, #tpu.memory_space<hbm>> -> memref<10240xi32, #tpu.memory_space<hbm>>
        %dma_start3A_44 = tpu.memref_slice %arg4[%mul3A_40] : memref<320000xi32, #tpu.memory_space<hbm>> -> memref<10240xi32, #tpu.memory_space<hbm>>
        tpu.enqueue_dma source(%dma_start3A_44 : memref<10240xi32, #tpu.memory_space<hbm>>) target(%arg9 : memref<10240xi32, #tpu.memory_space<vmem>>) target_semaphore(%run_scoped3A : memref<!tpu.dma_semaphore, #tpu.memory_space<semaphore_mem>>)
        %dma_wait3A_45 = tpu.memref_slice %arg4[%mul3A_40] : memref<320000xi32, #tpu.memory_space<hbm>> -> memref<10240xi32, #tpu.memory_space<hbm>>
        %dma_wait3A_46 = tpu.memref_slice %arg4[%mul3A_40] : memref<320000xi32, #tpu.memory_space<hbm>> -> memref<10240xi32, #tpu.memory_space<hbm>>
        tpu.wait_dma2 semaphore(%run_scoped3A : memref<!tpu.dma_semaphore, #tpu.memory_space<semaphore_mem>>) src(%dma_wait3A_46 : memref<10240xi32, #tpu.memory_space<hbm>>) dst(%arg9 : memref<10240xi32, #tpu.memory_space<vmem>>)
        tpu.yield
      }) : () -> ()
      %dma_start3A = arith.constant 0 : i32
      %dma_start3A_41 = tpu.memref_slice %arg2[%dma_start3A] : memref<10000xf32, #tpu.memory_space<hbm>> -> memref<10000xf32, #tpu.memory_space<hbm>>
      tpu.enqueue_indirect_dma source(%dma_start3A_41 : memref<10000xf32, #tpu.memory_space<hbm>>) target(%arg10 : memref<10240xf32, #tpu.memory_space<vmem>>) offsets(%arg8 : memref<10240xi32, #tpu.memory_space<vmem>>) semaphore(%arg15 : memref<!tpu.dma_semaphore, #tpu.memory_space<semaphore_mem>>)
      %dma_wait3A = arith.constant 0 : i32
      %dma_wait3A_42 = tpu.memref_slice %arg2[%dma_wait3A] : memref<10000xf32, #tpu.memory_space<hbm>> -> memref<10000xf32, #tpu.memory_space<hbm>>
      tpu.wait_indirect_dma semaphore(%arg15 : memref<!tpu.dma_semaphore, #tpu.memory_space<semaphore_mem>>) src(%dma_wait3A_42 : memref<10000xf32, #tpu.memory_space<hbm>>) dst(%arg10 : memref<10240xf32, #tpu.memory_space<vmem>>)
      "tpu.region"() ({
        %run_scoped3A = tpu.sem_alloc : memref<!tpu.dma_semaphore, #tpu.memory_space<semaphore_mem>>
        %dma_start3A_43 = arith.constant 0 : i32
        %dma_start3A_44 = tpu.memref_slice %arg7[%dma_start3A_43] : memref<10000xf32, #tpu.memory_space<vmem_shared>> -> memref<10000xf32, #tpu.memory_space<vmem_shared>>
        tpu.enqueue_indirect_dma source(%arg10 : memref<10240xf32, #tpu.memory_space<vmem>>) target(%dma_start3A_44 : memref<10000xf32, #tpu.memory_space<vmem_shared>>) offsets(%arg9 : memref<10240xi32, #tpu.memory_space<vmem>>) semaphore(%run_scoped3A : memref<!tpu.dma_semaphore, #tpu.memory_space<semaphore_mem>>) {add = true}
        %dma_wait3A_45 = arith.constant 0 : i32
        %dma_wait3A_46 = tpu.memref_slice %arg7[%dma_wait3A_45] : memref<10000xf32, #tpu.memory_space<vmem_shared>> -> memref<10000xf32, #tpu.memory_space<vmem_shared>>
        tpu.wait_indirect_dma semaphore(%run_scoped3A : memref<!tpu.dma_semaphore, #tpu.memory_space<semaphore_mem>>) src(%arg10 : memref<10240xf32, #tpu.memory_space<vmem>>) dst(%dma_wait3A_46 : memref<10000xf32, #tpu.memory_space<vmem_shared>>)
        tpu.yield
      }) : () -> ()
    } else {
    }
    %eq3A = arith.constant 31 : i32
    %eq3A_14 = arith.cmpi eq, %add3A, %eq3A : i32
    %convert_element_type3A_15 = arith.extui %eq3A_14 : i1 to i32
    %cond3A_16 = arith.constant 0 : i32
    %cond3A_17 = arith.cmpi ne, %convert_element_type3A_15, %cond3A_16 : i32
    scf.if %cond3A_17 {
      "tpu.region"() ({
        %run_scoped3A = tpu.sem_alloc : memref<!tpu.dma_semaphore, #tpu.memory_space<semaphore_mem>>
        %dma_start3A_41 = arith.constant 317440 : i32
        %dma_start3A_42 = tpu.memref_slice %arg3[%dma_start3A_41] : memref<320000xi32, #tpu.memory_space<hbm>> -> memref<2560xi32, #tpu.memory_space<hbm>>
        %dma_start3A_43 = arith.constant 317440 : i32
        %dma_start3A_44 = tpu.memref_slice %arg3[%dma_start3A_43] : memref<320000xi32, #tpu.memory_space<hbm>> -> memref<2560xi32, #tpu.memory_space<hbm>>
        tpu.enqueue_dma source(%dma_start3A_44 : memref<2560xi32, #tpu.memory_space<hbm>>) target(%arg11 : memref<2560xi32, #tpu.memory_space<vmem>>) target_semaphore(%run_scoped3A : memref<!tpu.dma_semaphore, #tpu.memory_space<semaphore_mem>>)
        %dma_wait3A_45 = arith.constant 317440 : i32
        %dma_wait3A_46 = tpu.memref_slice %arg3[%dma_wait3A_45] : memref<320000xi32, #tpu.memory_space<hbm>> -> memref<2560xi32, #tpu.memory_space<hbm>>
        %dma_wait3A_47 = arith.constant 317440 : i32
        %dma_wait3A_48 = tpu.memref_slice %arg3[%dma_wait3A_47] : memref<320000xi32, #tpu.memory_space<hbm>> -> memref<2560xi32, #tpu.memory_space<hbm>>
        tpu.wait_dma2 semaphore(%run_scoped3A : memref<!tpu.dma_semaphore, #tpu.memory_space<semaphore_mem>>) src(%dma_wait3A_48 : memref<2560xi32, #tpu.memory_space<hbm>>) dst(%arg11 : memref<2560xi32, #tpu.memory_space<vmem>>)
        tpu.yield
      }) : () -> ()
      "tpu.region"() ({
        %run_scoped3A = tpu.sem_alloc : memref<!tpu.dma_semaphore, #tpu.memory_space<semaphore_mem>>
        %dma_start3A_41 = arith.constant 317440 : i32
        %dma_start3A_42 = tpu.memref_slice %arg4[%dma_start3A_41] : memref<320000xi32, #tpu.memory_space<hbm>> -> memref<2560xi32, #tpu.memory_space<hbm>>
        %dma_start3A_43 = arith.constant 317440 : i32
        %dma_start3A_44 = tpu.memref_slice %arg4[%dma_start3A_43] : memref<320000xi32, #tpu.memory_space<hbm>> -> memref<2560xi32, #tpu.memory_space<hbm>>
        tpu.enqueue_dma source(%dma_start3A_44 : memref<2560xi32, #tpu.memory_space<hbm>>) target(%arg12 : memref<2560xi32, #tpu.memory_space<vmem>>) target_semaphore(%run_scoped3A : memref<!tpu.dma_semaphore, #tpu.memory_space<semaphore_mem>>)
        %dma_wait3A_45 = arith.constant 317440 : i32
        %dma_wait3A_46 = tpu.memref_slice %arg4[%dma_wait3A_45] : memref<320000xi32, #tpu.memory_space<hbm>> -> memref<2560xi32, #tpu.memory_space<hbm>>
        %dma_wait3A_47 = arith.constant 317440 : i32
        %dma_wait3A_48 = tpu.memref_slice %arg4[%dma_wait3A_47] : memref<320000xi32, #tpu.memory_space<hbm>> -> memref<2560xi32, #tpu.memory_space<hbm>>
        tpu.wait_dma2 semaphore(%run_scoped3A : memref<!tpu.dma_semaphore, #tpu.memory_space<semaphore_mem>>) src(%dma_wait3A_48 : memref<2560xi32, #tpu.memory_space<hbm>>) dst(%arg12 : memref<2560xi32, #tpu.memory_space<vmem>>)
        tpu.yield
      }) : () -> ()
      %dma_start3A = arith.constant 0 : i32
      %dma_start3A_39 = tpu.memref_slice %arg2[%dma_start3A] : memref<10000xf32, #tpu.memory_space<hbm>> -> memref<10000xf32, #tpu.memory_space<hbm>>
      tpu.enqueue_indirect_dma source(%dma_start3A_39 : memref<10000xf32, #tpu.memory_space<hbm>>) target(%arg13 : memref<2560xf32, #tpu.memory_space<vmem>>) offsets(%arg11 : memref<2560xi32, #tpu.memory_space<vmem>>) semaphore(%arg15 : memref<!tpu.dma_semaphore, #tpu.memory_space<semaphore_mem>>)
      %dma_wait3A = arith.constant 0 : i32
      %dma_wait3A_40 = tpu.memref_slice %arg2[%dma_wait3A] : memref<10000xf32, #tpu.memory_space<hbm>> -> memref<10000xf32, #tpu.memory_space<hbm>>
      tpu.wait_indirect_dma semaphore(%arg15 : memref<!tpu.dma_semaphore, #tpu.memory_space<semaphore_mem>>) src(%dma_wait3A_40 : memref<10000xf32, #tpu.memory_space<hbm>>) dst(%arg13 : memref<2560xf32, #tpu.memory_space<vmem>>)
      "tpu.region"() ({
        %run_scoped3A = tpu.sem_alloc : memref<!tpu.dma_semaphore, #tpu.memory_space<semaphore_mem>>
        %dma_start3A_41 = arith.constant 0 : i32
        %dma_start3A_42 = tpu.memref_slice %arg7[%dma_start3A_41] : memref<10000xf32, #tpu.memory_space<vmem_shared>> -> memref<10000xf32, #tpu.memory_space<vmem_shared>>
        tpu.enqueue_indirect_dma source(%arg13 : memref<2560xf32, #tpu.memory_space<vmem>>) target(%dma_start3A_42 : memref<10000xf32, #tpu.memory_space<vmem_shared>>) offsets(%arg12 : memref<2560xi32, #tpu.memory_space<vmem>>) semaphore(%run_scoped3A : memref<!tpu.dma_semaphore, #tpu.memory_space<semaphore_mem>>) {add = true}
        %dma_wait3A_43 = arith.constant 0 : i32
        %dma_wait3A_44 = tpu.memref_slice %arg7[%dma_wait3A_43] : memref<10000xf32, #tpu.memory_space<vmem_shared>> -> memref<10000xf32, #tpu.memory_space<vmem_shared>>
        tpu.wait_indirect_dma semaphore(%run_scoped3A : memref<!tpu.dma_semaphore, #tpu.memory_space<semaphore_mem>>) src(%arg13 : memref<2560xf32, #tpu.memory_space<vmem>>) dst(%dma_wait3A_44 : memref<10000xf32, #tpu.memory_space<vmem_shared>>)
        tpu.yield
      }) : () -> ()
    } else {
    }
    %barrier3A_18 = arith.constant 0 : index
    tpu.barrier barrier_id(%barrier3A_18)
    %lt3A_19 = arith.constant 10 : i32
    %lt3A_20 = arith.cmpi slt, %arg1, %lt3A_19 : i32
    %convert_element_type3A_21 = arith.extui %lt3A_20 : i1 to i32
    %cond3A_22 = arith.constant 0 : i32
    %cond3A_23 = arith.cmpi ne, %convert_element_type3A_21, %cond3A_22 : i32
    scf.if %cond3A_23 {
      %mul3A_39 = arith.constant 1000 : i32
      %mul3A_40 = arith.muli %arg1, %mul3A_39 : i32
      "tpu.region"() ({
        %run_scoped3A = tpu.sem_alloc : memref<!tpu.dma_semaphore, #tpu.memory_space<semaphore_mem>>
        %dma_start3A = arith.constant 0 : i32
        %dma_start3A_41 = tpu.memref_slice %arg14[%dma_start3A] : memref<1024xf32, #tpu.memory_space<vmem>> -> memref<1000xf32, #tpu.memory_space<vmem>>
        %dma_start3A_42 = tpu.memref_slice %arg7[%mul3A_40] : memref<10000xf32, #tpu.memory_space<vmem_shared>> -> memref<1000xf32, #tpu.memory_space<vmem_shared>>
        %dma_start3A_43 = arith.constant 0 : i32
        %dma_start3A_44 = tpu.memref_slice %arg14[%dma_start3A_43] : memref<1024xf32, #tpu.memory_space<vmem>> -> memref<1000xf32, #tpu.memory_space<vmem>>
        %dma_start3A_45 = tpu.memref_slice %arg7[%mul3A_40] : memref<10000xf32, #tpu.memory_space<vmem_shared>> -> memref<1000xf32, #tpu.memory_space<vmem_shared>>
        tpu.enqueue_dma source(%dma_start3A_45 : memref<1000xf32, #tpu.memory_space<vmem_shared>>) target(%dma_start3A_44 : memref<1000xf32, #tpu.memory_space<vmem>>) target_semaphore(%run_scoped3A : memref<!tpu.dma_semaphore, #tpu.memory_space<semaphore_mem>>)
        %dma_wait3A = arith.constant 0 : i32
        %dma_wait3A_46 = tpu.memref_slice %arg14[%dma_wait3A] : memref<1024xf32, #tpu.memory_space<vmem>> -> memref<1000xf32, #tpu.memory_space<vmem>>
        %dma_wait3A_47 = tpu.memref_slice %arg7[%mul3A_40] : memref<10000xf32, #tpu.memory_space<vmem_shared>> -> memref<1000xf32, #tpu.memory_space<vmem_shared>>
        %dma_wait3A_48 = arith.constant 0 : i32
        %dma_wait3A_49 = tpu.memref_slice %arg14[%dma_wait3A_48] : memref<1024xf32, #tpu.memory_space<vmem>> -> memref<1000xf32, #tpu.memory_space<vmem>>
        %dma_wait3A_50 = tpu.memref_slice %arg7[%mul3A_40] : memref<10000xf32, #tpu.memory_space<vmem_shared>> -> memref<1000xf32, #tpu.memory_space<vmem_shared>>
        tpu.wait_dma2 semaphore(%run_scoped3A : memref<!tpu.dma_semaphore, #tpu.memory_space<semaphore_mem>>) src(%dma_wait3A_50 : memref<1000xf32, #tpu.memory_space<vmem_shared>>) dst(%dma_wait3A_49 : memref<1000xf32, #tpu.memory_space<vmem>>)
        tpu.yield
      }) : () -> ()
    } else {
    }
    %eq3A_24 = arith.constant 0 : i32
    %eq3A_25 = arith.cmpi eq, %arg0, %eq3A_24 : i32
    %lt3A_26 = arith.constant 10 : i32
    %lt3A_27 = arith.cmpi slt, %arg1, %lt3A_26 : i32
    %and3A = arith.andi %eq3A_25, %lt3A_27 : i1
    %convert_element_type3A_28 = arith.extui %and3A : i1 to i32
    %cond3A_29 = arith.constant 0 : i32
    %cond3A_30 = arith.cmpi ne, %convert_element_type3A_28, %cond3A_29 : i32
    scf.if %cond3A_30 {
      %mul3A_39 = arith.constant 1000 : i32
      %mul3A_40 = arith.muli %arg1, %mul3A_39 : i32
      "tpu.region"() ({
        %run_scoped3A = tpu.sem_alloc : memref<!tpu.dma_semaphore, #tpu.memory_space<semaphore_mem>>
        %dma_start3A = arith.constant 0 : i32
        %dma_start3A_41 = tpu.memref_slice %arg14[%dma_start3A] : memref<1024xf32, #tpu.memory_space<vmem>> -> memref<1000xf32, #tpu.memory_space<vmem>>
        %dma_start3A_42 = tpu.memref_slice %arg5[%mul3A_40] : memref<10000xf32, #tpu.memory_space<hbm>> -> memref<1000xf32, #tpu.memory_space<hbm>>
        %dma_start3A_43 = tpu.memref_slice %arg5[%mul3A_40] : memref<10000xf32, #tpu.memory_space<hbm>> -> memref<1000xf32, #tpu.memory_space<hbm>>
        %dma_start3A_44 = arith.constant 0 : i32
        %dma_start3A_45 = tpu.memref_slice %arg14[%dma_start3A_44] : memref<1024xf32, #tpu.memory_space<vmem>> -> memref<1000xf32, #tpu.memory_space<vmem>>
        tpu.enqueue_dma source(%dma_start3A_45 : memref<1000xf32, #tpu.memory_space<vmem>>) target(%dma_start3A_43 : memref<1000xf32, #tpu.memory_space<hbm>>) target_semaphore(%run_scoped3A : memref<!tpu.dma_semaphore, #tpu.memory_space<semaphore_mem>>)
        %dma_wait3A = arith.constant 0 : i32
        %dma_wait3A_46 = tpu.memref_slice %arg14[%dma_wait3A] : memref<1024xf32, #tpu.memory_space<vmem>> -> memref<1000xf32, #tpu.memory_space<vmem>>
        %dma_wait3A_47 = tpu.memref_slice %arg5[%mul3A_40] : memref<10000xf32, #tpu.memory_space<hbm>> -> memref<1000xf32, #tpu.memory_space<hbm>>
        %dma_wait3A_48 = tpu.memref_slice %arg5[%mul3A_40] : memref<10000xf32, #tpu.memory_space<hbm>> -> memref<1000xf32, #tpu.memory_space<hbm>>
        %dma_wait3A_49 = arith.constant 0 : i32
        %dma_wait3A_50 = tpu.memref_slice %arg14[%dma_wait3A_49] : memref<1024xf32, #tpu.memory_space<vmem>> -> memref<1000xf32, #tpu.memory_space<vmem>>
        tpu.wait_dma2 semaphore(%run_scoped3A : memref<!tpu.dma_semaphore, #tpu.memory_space<semaphore_mem>>) src(%dma_wait3A_50 : memref<1000xf32, #tpu.memory_space<vmem>>) dst(%dma_wait3A_48 : memref<1000xf32, #tpu.memory_space<hbm>>)
        tpu.yield
      }) : () -> ()
    } else {
    }
    %eq3A_31 = arith.constant 1 : i32
    %eq3A_32 = arith.cmpi eq, %arg0, %eq3A_31 : i32
    %lt3A_33 = arith.constant 10 : i32
    %lt3A_34 = arith.cmpi slt, %arg1, %lt3A_33 : i32
    %and3A_35 = arith.andi %eq3A_32, %lt3A_34 : i1
    %convert_element_type3A_36 = arith.extui %and3A_35 : i1 to i32
    %cond3A_37 = arith.constant 0 : i32
    %cond3A_38 = arith.cmpi ne, %convert_element_type3A_36, %cond3A_37 : i32
    scf.if %cond3A_38 {
      %mul3A_39 = arith.constant 1000 : i32
      %mul3A_40 = arith.muli %arg1, %mul3A_39 : i32
      "tpu.region"() ({
        %run_scoped3A = tpu.sem_alloc : memref<!tpu.dma_semaphore, #tpu.memory_space<semaphore_mem>>
        %dma_start3A = arith.constant 0 : i32
        %dma_start3A_41 = tpu.memref_slice %arg14[%dma_start3A] : memref<1024xf32, #tpu.memory_space<vmem>> -> memref<1000xf32, #tpu.memory_space<vmem>>
        %dma_start3A_42 = tpu.memref_slice %arg6[%mul3A_40] : memref<10000xf32, #tpu.memory_space<hbm>> -> memref<1000xf32, #tpu.memory_space<hbm>>
        %dma_start3A_43 = tpu.memref_slice %arg6[%mul3A_40] : memref<10000xf32, #tpu.memory_space<hbm>> -> memref<1000xf32, #tpu.memory_space<hbm>>
        %dma_start3A_44 = arith.constant 0 : i32
        %dma_start3A_45 = tpu.memref_slice %arg14[%dma_start3A_44] : memref<1024xf32, #tpu.memory_space<vmem>> -> memref<1000xf32, #tpu.memory_space<vmem>>
        tpu.enqueue_dma source(%dma_start3A_45 : memref<1000xf32, #tpu.memory_space<vmem>>) target(%dma_start3A_43 : memref<1000xf32, #tpu.memory_space<hbm>>) target_semaphore(%run_scoped3A : memref<!tpu.dma_semaphore, #tpu.memory_space<semaphore_mem>>)
        %dma_wait3A = arith.constant 0 : i32
        %dma_wait3A_46 = tpu.memref_slice %arg14[%dma_wait3A] : memref<1024xf32, #tpu.memory_space<vmem>> -> memref<1000xf32, #tpu.memory_space<vmem>>
        %dma_wait3A_47 = tpu.memref_slice %arg6[%mul3A_40] : memref<10000xf32, #tpu.memory_space<hbm>> -> memref<1000xf32, #tpu.memory_space<hbm>>
        %dma_wait3A_48 = tpu.memref_slice %arg6[%mul3A_40] : memref<10000xf32, #tpu.memory_space<hbm>> -> memref<1000xf32, #tpu.memory_space<hbm>>
        %dma_wait3A_49 = arith.constant 0 : i32
        %dma_wait3A_50 = tpu.memref_slice %arg14[%dma_wait3A_49] : memref<1024xf32, #tpu.memory_space<vmem>> -> memref<1000xf32, #tpu.memory_space<vmem>>
        tpu.wait_dma2 semaphore(%run_scoped3A : memref<!tpu.dma_semaphore, #tpu.memory_space<semaphore_mem>>) src(%dma_wait3A_50 : memref<1000xf32, #tpu.memory_space<vmem>>) dst(%dma_wait3A_48 : memref<1000xf32, #tpu.memory_space<hbm>>)
        tpu.yield
      }) : () -> ()
    } else {
    }
    return
  }
}

#map = affine_map<(d0, d1) -> (0, 0)>
#map1 = affine_map<(d0, d1) -> (0)>
#map2 = affine_map<(d0, d1) -> (0, 0, 0)>
module attributes {stable_mosaic.version = 14 : i64} {
  func.func @_sc1(%arg0: i32, %arg1: i32, %arg2: memref<10000x128xf32, #tpu.memory_space<hbm>>, %arg3: memref<320000xi32, #tpu.memory_space<hbm>>, %arg4: memref<320000xi32, #tpu.memory_space<hbm>>, %arg5: memref<2x10000x128xf32, #tpu.memory_space<hbm>>, %arg6: memref<10000xf32, #tpu.memory_space<hbm>>, %arg7: memref<10000xf32, #tpu.memory_space<hbm>>, %arg8: memref<10000x128xf32, #tpu.memory_space<vmem_shared>>, %arg9: memref<10000xf32, #tpu.memory_space<vmem_shared>>, %arg10: memref<10000xi32, #tpu.memory_space<vmem>>, %arg11: memref<128xi32, #tpu.memory_space<vmem>>, %arg12: memref<128xi32, #tpu.memory_space<vmem>>, %arg13: memref<128xi32, #tpu.memory_space<vmem>>, %arg14: memref<128xi32, #tpu.memory_space<vmem>>, %arg15: memref<16xi32, #tpu.memory_space<vmem>>, %arg16: memref<2x128x128xf32, #tpu.memory_space<vmem>>, %arg17: memref<128xf32, #tpu.memory_space<vmem>>, %arg18: memref<1024xf32, #tpu.memory_space<vmem>>, %arg19: memref<!tpu.dma_semaphore, #tpu.memory_space<semaphore_mem>>, %arg20: memref<!tpu.dma_semaphore, #tpu.memory_space<semaphore_mem>>, %arg21: memref<!tpu.dma_semaphore, #tpu.memory_space<semaphore_mem>>, %arg22: memref<!tpu.dma_semaphore, #tpu.memory_space<semaphore_mem>>) attributes {dimension_semantics = [#tpu.dimension_semantics<core_parallel>, #tpu.dimension_semantics<subcore_parallel>], iteration_bounds = array<i64: 2, 16>, scalar_prefetch = 0 : i64, scratch_operands = 15 : i64, tpu.core_type = #tpu.core_type<sc_vector_subcore>, window_params = [{transform_indices = #map}, {transform_indices = #map1}, {transform_indices = #map1}, {transform_indices = #map2}, {transform_indices = #map1}, {transform_indices = #map1}]} {
    %mul3A = arith.constant 16 : i32
    %mul3A_0 = arith.muli %arg0, %mul3A : i32
    %add3A = arith.addi %mul3A_0, %arg1 : i32
    %mul3A_1 = arith.constant 10000 : i32
    %mul3A_2 = arith.muli %add3A, %mul3A_1 : i32
    %dma_start3A = tpu.memref_slice %arg3[%mul3A_2] : memref<320000xi32, #tpu.memory_space<hbm>> -> memref<10000xi32, #tpu.memory_space<hbm>>
    %dma_start3A_3 = tpu.memref_slice %arg3[%mul3A_2] : memref<320000xi32, #tpu.memory_space<hbm>> -> memref<10000xi32, #tpu.memory_space<hbm>>
    tpu.enqueue_dma source(%dma_start3A_3 : memref<10000xi32, #tpu.memory_space<hbm>>) target(%arg10 : memref<10000xi32, #tpu.memory_space<vmem>>) target_semaphore(%arg22 : memref<!tpu.dma_semaphore, #tpu.memory_space<semaphore_mem>>)
    %scan3A = arith.constant 0 : i32
    %scan3A_4 = arith.constant 0 : i32
    %scan3A_5 = arith.constant 0 : i32
    %scan3A_6 = arith.constant 1024 : i32
    %scan3A_7 = arith.addi %scan3A_5, %scan3A_6 : i32
    %scan3A_8 = arith.constant 1 : i32
    %scan3A_9 = scf.for %scan3A_391 = %scan3A_5 to %scan3A_7 step %scan3A_8 iter_args(%scan3A_392 = %scan3A_4) -> (i32)  : i32 {
      %jit3A = arith.constant 8 : i32
      %div3A = arith.divsi %scan3A_391, %jit3A : i32
      %sign3A = arith.constant 0 : i32
      %sign3A_393 = arith.cmpi sgt, %scan3A_391, %sign3A : i32
      %sign3A_394 = arith.extui %sign3A_393 : i1 to i32
      %sign3A_395 = arith.constant 0 : i32
      %sign3A_396 = arith.cmpi slt, %scan3A_391, %sign3A_395 : i32
      %sign3A_397 = arith.extui %sign3A_396 : i1 to i32
      %sign3A_398 = arith.subi %sign3A_394, %sign3A_397 : i32
      %sign3A_399 = arith.constant 0 : i32
      %sign3A_400 = arith.cmpi sgt, %jit3A, %sign3A_399 : i32
      %sign3A_401 = arith.extui %sign3A_400 : i1 to i32
      %sign3A_402 = arith.constant 0 : i32
      %sign3A_403 = arith.cmpi slt, %jit3A, %sign3A_402 : i32
      %sign3A_404 = arith.extui %sign3A_403 : i1 to i32
      %sign3A_405 = arith.subi %sign3A_401, %sign3A_404 : i32
      %ne3A = arith.cmpi ne, %sign3A_398, %sign3A_405 : i32
      %rem3A = arith.remsi %scan3A_391, %jit3A : i32
      %ne3A_406 = arith.constant 0 : i32
      %ne3A_407 = arith.cmpi ne, %rem3A, %ne3A_406 : i32
      %and3A_408 = arith.andi %ne3A, %ne3A_407 : i1
      %sub3A = arith.constant 1 : i32
      %sub3A_409 = arith.subi %div3A, %sub3A : i32
      %select_n3A = arith.select %and3A_408, %sub3A_409, %div3A : i32
      %jit3A_410 = arith.constant 8 : i32
      %eq3A_411 = arith.constant 0 : i32
      %eq3A_412 = arith.cmpi eq, %jit3A_410, %eq3A_411 : i32
      %jit3A_413 = arith.constant 1 : i32
      %select_n3A_414 = arith.select %eq3A_412, %jit3A_413, %jit3A_410 : i32
      %rem3A_415 = arith.remsi %scan3A_391, %select_n3A_414 : i32
      %ne3A_416 = arith.constant 0 : i32
      %ne3A_417 = arith.cmpi ne, %rem3A_415, %ne3A_416 : i32
      %lt3A_418 = arith.constant 0 : i32
      %lt3A_419 = arith.cmpi slt, %rem3A_415, %lt3A_418 : i32
      %lt3A_420 = arith.constant 0 : i32
      %lt3A_421 = arith.cmpi slt, %select_n3A_414, %lt3A_420 : i32
      %ne3A_422 = arith.xori %lt3A_419, %lt3A_421 : i1
      %and3A_423 = arith.andi %ne3A_422, %ne3A_417 : i1
      %add3A_424 = arith.addi %rem3A_415, %select_n3A_414 : i32
      %select_n3A_425 = arith.select %and3A_423, %add3A_424, %rem3A_415 : i32
      %broadcast_in_dim3A = arith.constant 0.000000e+00 : f32
      %broadcast_in_dim3A_426 = vector.broadcast %broadcast_in_dim3A : f32 to vector<16xf32>
      %mul3A_427 = arith.constant 16 : i32
      %mul3A_428 = arith.muli %select_n3A_425, %mul3A_427 : i32
      %swap3A = arith.constant 0 : i32
      %swap3A_429 = arith.constant 0 : i32
      %swap3A_430 = tpu.memref_slice %arg16[%scan3A, %swap3A, %swap3A_429] : memref<2x128x128xf32, #tpu.memory_space<vmem>> -> memref<1x128x128xf32, #tpu.memory_space<vmem>>
      %swap3A_431 = tpu.memref_squeeze %swap3A_430 : memref<1x128x128xf32, #tpu.memory_space<vmem>> -> memref<128x128xf32, #tpu.memory_space<vmem>>
      %swap3A_432 = arith.index_cast %select_n3A : i32 to index
      %swap3A_433 = arith.index_cast %mul3A_428 : i32 to index
      %swap3A_434 = tpu.vector_load %swap3A_431[%swap3A_432, %swap3A_433] {strides = array<i32>} : memref<128x128xf32, #tpu.memory_space<vmem>>, vector<1x16xf32>,
      %swap3A_435 = vector.shape_cast %swap3A_434 : vector<1x16xf32> to vector<16xf32>
      %swap3A_436 = vector.shape_cast %broadcast_in_dim3A_426 : vector<16xf32> to vector<1x16xf32>
      tpu.vector_store %swap3A_431[%swap3A_432, %swap3A_433], %swap3A_436 {strides = array<i32>} : memref<128x128xf32, #tpu.memory_space<vmem>>, vector<1x16xf32>,
      %scan3A_437 = arith.constant 0 : i32
      scf.yield %scan3A_437 : i32
    }
    %scan3A_10 = arith.constant 1024 : i32
    %scan3A_11 = arith.constant 0 : i32
    %scan3A_12 = arith.constant 0 : i32
    %scan3A_13 = arith.constant 8 : i32
    %scan3A_14 = arith.addi %scan3A_12, %scan3A_13 : i32
    %scan3A_15 = arith.constant 1 : i32
    %scan3A_16 = scf.for %scan3A_391 = %scan3A_12 to %scan3A_14 step %scan3A_15 iter_args(%scan3A_392 = %scan3A_11) -> (i32)  : i32 {
      %broadcast_in_dim3A = arith.constant 1.000000e+00 : f32
      %broadcast_in_dim3A_393 = vector.broadcast %broadcast_in_dim3A : f32 to vector<16xf32>
      %mul3A_394 = arith.constant 16 : i32
      %mul3A_395 = arith.muli %scan3A_391, %mul3A_394 : i32
      %swap3A = arith.index_cast %mul3A_395 : i32 to index
      %swap3A_396 = tpu.vector_load %arg17[%swap3A] {strides = array<i32>} : memref<128xf32, #tpu.memory_space<vmem>>, vector<16xf32>,
      %swap3A_397 = vector.shape_cast %swap3A_396 : vector<16xf32> to vector<16xf32>
      %swap3A_398 = vector.shape_cast %broadcast_in_dim3A_393 : vector<16xf32> to vector<16xf32>
      tpu.vector_store %arg17[%swap3A], %swap3A_398 {strides = array<i32>} : memref<128xf32, #tpu.memory_space<vmem>>, vector<16xf32>,
      %scan3A_399 = arith.constant 0 : i32
      scf.yield %scan3A_399 : i32
    }
    %scan3A_17 = arith.constant 8 : i32
    %scan3A_18 = arith.constant 0 : i32
    %scan3A_19 = arith.constant 0 : i32
    %scan3A_20 = arith.constant 64 : i32
    %scan3A_21 = arith.addi %scan3A_19, %scan3A_20 : i32
    %scan3A_22 = arith.constant 1 : i32
    %scan3A_23 = scf.for %scan3A_391 = %scan3A_19 to %scan3A_21 step %scan3A_22 iter_args(%scan3A_392 = %scan3A_18) -> (i32)  : i32 {
      %broadcast_in_dim3A = arith.constant 0.000000e+00 : f32
      %broadcast_in_dim3A_393 = vector.broadcast %broadcast_in_dim3A : f32 to vector<16xf32>
      %mul3A_394 = arith.constant 16 : i32
      %mul3A_395 = arith.muli %scan3A_391, %mul3A_394 : i32
      %swap3A = arith.index_cast %mul3A_395 : i32 to index
      %swap3A_396 = tpu.vector_load %arg18[%swap3A] {strides = array<i32>} : memref<1024xf32, #tpu.memory_space<vmem>>, vector<16xf32>,
      %swap3A_397 = vector.shape_cast %swap3A_396 : vector<16xf32> to vector<16xf32>
      %swap3A_398 = vector.shape_cast %broadcast_in_dim3A_393 : vector<16xf32> to vector<16xf32>
      tpu.vector_store %arg18[%swap3A], %swap3A_398 {strides = array<i32>} : memref<1024xf32, #tpu.memory_space<vmem>>, vector<16xf32>,
      %scan3A_399 = arith.constant 0 : i32
      scf.yield %scan3A_399 : i32
    }
    %scan3A_24 = arith.constant 64 : i32
    %mul3A_25 = arith.constant 624 : i32
    %mul3A_26 = arith.muli %arg1, %mul3A_25 : i32
    %add3A_27 = arith.constant 0 : i32
    %add3A_28 = arith.addi %mul3A_26, %add3A_27 : i32
    %dma_start3A_29 = arith.constant 0 : i32
    %dma_start3A_30 = arith.constant 0 : i32
    %dma_start3A_31 = arith.constant 0 : i32
    %dma_start3A_32 = tpu.memref_slice %arg16[%dma_start3A_29, %dma_start3A_30, %dma_start3A_31] : memref<2x128x128xf32, #tpu.memory_space<vmem>> -> memref<1x128x128xf32, #tpu.memory_space<vmem>>
    %dma_start3A_33 = tpu.memref_squeeze %dma_start3A_32 : memref<1x128x128xf32, #tpu.memory_space<vmem>> -> memref<128x128xf32, #tpu.memory_space<vmem>>
    %dma_start3A_34 = arith.constant 0 : i32
    %dma_start3A_35 = arith.constant 0 : i32
    %dma_start3A_36 = tpu.memref_slice %dma_start3A_33[%dma_start3A_34, %dma_start3A_35] : memref<128x128xf32, #tpu.memory_space<vmem>> -> memref<104x128xf32, #tpu.memory_space<vmem>>
    %dma_start3A_37 = arith.constant 0 : i32
    %dma_start3A_38 = tpu.memref_slice %arg8[%add3A_28, %dma_start3A_37] : memref<10000x128xf32, #tpu.memory_space<vmem_shared>> -> memref<104x128xf32, #tpu.memory_space<vmem_shared>>
    %dma_start3A_39 = arith.constant 0 : i32
    %dma_start3A_40 = tpu.memref_slice %arg8[%add3A_28, %dma_start3A_39] : memref<10000x128xf32, #tpu.memory_space<vmem_shared>> -> memref<104x128xf32, #tpu.memory_space<vmem_shared>>
    %dma_start3A_41 = arith.constant 0 : i32
    %dma_start3A_42 = arith.constant 0 : i32
    %dma_start3A_43 = tpu.memref_slice %arg16[%dma_start3A_29, %dma_start3A_41, %dma_start3A_42] : memref<2x128x128xf32, #tpu.memory_space<vmem>> -> memref<1x128x128xf32, #tpu.memory_space<vmem>>
    %dma_start3A_44 = tpu.memref_squeeze %dma_start3A_43 : memref<1x128x128xf32, #tpu.memory_space<vmem>> -> memref<128x128xf32, #tpu.memory_space<vmem>>
    %dma_start3A_45 = arith.constant 0 : i32
    %dma_start3A_46 = arith.constant 0 : i32
    %dma_start3A_47 = tpu.memref_slice %dma_start3A_44[%dma_start3A_45, %dma_start3A_46] : memref<128x128xf32, #tpu.memory_space<vmem>> -> memref<104x128xf32, #tpu.memory_space<vmem>>
    tpu.enqueue_dma source(%dma_start3A_47 : memref<104x128xf32, #tpu.memory_space<vmem>>) target(%dma_start3A_40 : memref<104x128xf32, #tpu.memory_space<vmem_shared>>) target_semaphore(%arg20 : memref<!tpu.dma_semaphore, #tpu.memory_space<semaphore_mem>>)
    %mul3A_48 = arith.constant 624 : i32
    %mul3A_49 = arith.muli %arg1, %mul3A_48 : i32
    %add3A_50 = arith.constant 104 : i32
    %add3A_51 = arith.addi %mul3A_49, %add3A_50 : i32
    %dma_start3A_52 = arith.constant 0 : i32
    %dma_start3A_53 = arith.constant 0 : i32
    %dma_start3A_54 = arith.constant 0 : i32
    %dma_start3A_55 = tpu.memref_slice %arg16[%dma_start3A_52, %dma_start3A_53, %dma_start3A_54] : memref<2x128x128xf32, #tpu.memory_space<vmem>> -> memref<1x128x128xf32, #tpu.memory_space<vmem>>
    %dma_start3A_56 = tpu.memref_squeeze %dma_start3A_55 : memref<1x128x128xf32, #tpu.memory_space<vmem>> -> memref<128x128xf32, #tpu.memory_space<vmem>>
    %dma_start3A_57 = arith.constant 0 : i32
    %dma_start3A_58 = arith.constant 0 : i32
    %dma_start3A_59 = tpu.memref_slice %dma_start3A_56[%dma_start3A_57, %dma_start3A_58] : memref<128x128xf32, #tpu.memory_space<vmem>> -> memref<104x128xf32, #tpu.memory_space<vmem>>
    %dma_start3A_60 = arith.constant 0 : i32
    %dma_start3A_61 = tpu.memref_slice %arg8[%add3A_51, %dma_start3A_60] : memref<10000x128xf32, #tpu.memory_space<vmem_shared>> -> memref<104x128xf32, #tpu.memory_space<vmem_shared>>
    %dma_start3A_62 = arith.constant 0 : i32
    %dma_start3A_63 = tpu.memref_slice %arg8[%add3A_51, %dma_start3A_62] : memref<10000x128xf32, #tpu.memory_space<vmem_shared>> -> memref<104x128xf32, #tpu.memory_space<vmem_shared>>
    %dma_start3A_64 = arith.constant 0 : i32
    %dma_start3A_65 = arith.constant 0 : i32
    %dma_start3A_66 = tpu.memref_slice %arg16[%dma_start3A_52, %dma_start3A_64, %dma_start3A_65] : memref<2x128x128xf32, #tpu.memory_space<vmem>> -> memref<1x128x128xf32, #tpu.memory_space<vmem>>
    %dma_start3A_67 = tpu.memref_squeeze %dma_start3A_66 : memref<1x128x128xf32, #tpu.memory_space<vmem>> -> memref<128x128xf32, #tpu.memory_space<vmem>>
    %dma_start3A_68 = arith.constant 0 : i32
    %dma_start3A_69 = arith.constant 0 : i32
    %dma_start3A_70 = tpu.memref_slice %dma_start3A_67[%dma_start3A_68, %dma_start3A_69] : memref<128x128xf32, #tpu.memory_space<vmem>> -> memref<104x128xf32, #tpu.memory_space<vmem>>
    tpu.enqueue_dma source(%dma_start3A_70 : memref<104x128xf32, #tpu.memory_space<vmem>>) target(%dma_start3A_63 : memref<104x128xf32, #tpu.memory_space<vmem_shared>>) target_semaphore(%arg20 : memref<!tpu.dma_semaphore, #tpu.memory_space<semaphore_mem>>)
    %mul3A_71 = arith.constant 624 : i32
    %mul3A_72 = arith.muli %arg1, %mul3A_71 : i32
    %add3A_73 = arith.constant 208 : i32
    %add3A_74 = arith.addi %mul3A_72, %add3A_73 : i32
    %dma_start3A_75 = arith.constant 0 : i32
    %dma_start3A_76 = arith.constant 0 : i32
    %dma_start3A_77 = arith.constant 0 : i32
    %dma_start3A_78 = tpu.memref_slice %arg16[%dma_start3A_75, %dma_start3A_76, %dma_start3A_77] : memref<2x128x128xf32, #tpu.memory_space<vmem>> -> memref<1x128x128xf32, #tpu.memory_space<vmem>>
    %dma_start3A_79 = tpu.memref_squeeze %dma_start3A_78 : memref<1x128x128xf32, #tpu.memory_space<vmem>> -> memref<128x128xf32, #tpu.memory_space<vmem>>
    %dma_start3A_80 = arith.constant 0 : i32
    %dma_start3A_81 = arith.constant 0 : i32
    %dma_start3A_82 = tpu.memref_slice %dma_start3A_79[%dma_start3A_80, %dma_start3A_81] : memref<128x128xf32, #tpu.memory_space<vmem>> -> memref<104x128xf32, #tpu.memory_space<vmem>>
    %dma_start3A_83 = arith.constant 0 : i32
    %dma_start3A_84 = tpu.memref_slice %arg8[%add3A_74, %dma_start3A_83] : memref<10000x128xf32, #tpu.memory_space<vmem_shared>> -> memref<104x128xf32, #tpu.memory_space<vmem_shared>>
    %dma_start3A_85 = arith.constant 0 : i32
    %dma_start3A_86 = tpu.memref_slice %arg8[%add3A_74, %dma_start3A_85] : memref<10000x128xf32, #tpu.memory_space<vmem_shared>> -> memref<104x128xf32, #tpu.memory_space<vmem_shared>>
    %dma_start3A_87 = arith.constant 0 : i32
    %dma_start3A_88 = arith.constant 0 : i32
    %dma_start3A_89 = tpu.memref_slice %arg16[%dma_start3A_75, %dma_start3A_87, %dma_start3A_88] : memref<2x128x128xf32, #tpu.memory_space<vmem>> -> memref<1x128x128xf32, #tpu.memory_space<vmem>>
    %dma_start3A_90 = tpu.memref_squeeze %dma_start3A_89 : memref<1x128x128xf32, #tpu.memory_space<vmem>> -> memref<128x128xf32, #tpu.memory_space<vmem>>
    %dma_start3A_91 = arith.constant 0 : i32
    %dma_start3A_92 = arith.constant 0 : i32
    %dma_start3A_93 = tpu.memref_slice %dma_start3A_90[%dma_start3A_91, %dma_start3A_92] : memref<128x128xf32, #tpu.memory_space<vmem>> -> memref<104x128xf32, #tpu.memory_space<vmem>>
    tpu.enqueue_dma source(%dma_start3A_93 : memref<104x128xf32, #tpu.memory_space<vmem>>) target(%dma_start3A_86 : memref<104x128xf32, #tpu.memory_space<vmem_shared>>) target_semaphore(%arg20 : memref<!tpu.dma_semaphore, #tpu.memory_space<semaphore_mem>>)
    %mul3A_94 = arith.constant 624 : i32
    %mul3A_95 = arith.muli %arg1, %mul3A_94 : i32
    %add3A_96 = arith.constant 312 : i32
    %add3A_97 = arith.addi %mul3A_95, %add3A_96 : i32
    %dma_start3A_98 = arith.constant 0 : i32
    %dma_start3A_99 = arith.constant 0 : i32
    %dma_start3A_100 = arith.constant 0 : i32
    %dma_start3A_101 = tpu.memref_slice %arg16[%dma_start3A_98, %dma_start3A_99, %dma_start3A_100] : memref<2x128x128xf32, #tpu.memory_space<vmem>> -> memref<1x128x128xf32, #tpu.memory_space<vmem>>
    %dma_start3A_102 = tpu.memref_squeeze %dma_start3A_101 : memref<1x128x128xf32, #tpu.memory_space<vmem>> -> memref<128x128xf32, #tpu.memory_space<vmem>>
    %dma_start3A_103 = arith.constant 0 : i32
    %dma_start3A_104 = arith.constant 0 : i32
    %dma_start3A_105 = tpu.memref_slice %dma_start3A_102[%dma_start3A_103, %dma_start3A_104] : memref<128x128xf32, #tpu.memory_space<vmem>> -> memref<104x128xf32, #tpu.memory_space<vmem>>
    %dma_start3A_106 = arith.constant 0 : i32
    %dma_start3A_107 = tpu.memref_slice %arg8[%add3A_97, %dma_start3A_106] : memref<10000x128xf32, #tpu.memory_space<vmem_shared>> -> memref<104x128xf32, #tpu.memory_space<vmem_shared>>
    %dma_start3A_108 = arith.constant 0 : i32
    %dma_start3A_109 = tpu.memref_slice %arg8[%add3A_97, %dma_start3A_108] : memref<10000x128xf32, #tpu.memory_space<vmem_shared>> -> memref<104x128xf32, #tpu.memory_space<vmem_shared>>
    %dma_start3A_110 = arith.constant 0 : i32
    %dma_start3A_111 = arith.constant 0 : i32
    %dma_start3A_112 = tpu.memref_slice %arg16[%dma_start3A_98, %dma_start3A_110, %dma_start3A_111] : memref<2x128x128xf32, #tpu.memory_space<vmem>> -> memref<1x128x128xf32, #tpu.memory_space<vmem>>
    %dma_start3A_113 = tpu.memref_squeeze %dma_start3A_112 : memref<1x128x128xf32, #tpu.memory_space<vmem>> -> memref<128x128xf32, #tpu.memory_space<vmem>>
    %dma_start3A_114 = arith.constant 0 : i32
    %dma_start3A_115 = arith.constant 0 : i32
    %dma_start3A_116 = tpu.memref_slice %dma_start3A_113[%dma_start3A_114, %dma_start3A_115] : memref<128x128xf32, #tpu.memory_space<vmem>> -> memref<104x128xf32, #tpu.memory_space<vmem>>
    tpu.enqueue_dma source(%dma_start3A_116 : memref<104x128xf32, #tpu.memory_space<vmem>>) target(%dma_start3A_109 : memref<104x128xf32, #tpu.memory_space<vmem_shared>>) target_semaphore(%arg20 : memref<!tpu.dma_semaphore, #tpu.memory_space<semaphore_mem>>)
    %mul3A_117 = arith.constant 624 : i32
    %mul3A_118 = arith.muli %arg1, %mul3A_117 : i32
    %add3A_119 = arith.constant 416 : i32
    %add3A_120 = arith.addi %mul3A_118, %add3A_119 : i32
    %dma_start3A_121 = arith.constant 0 : i32
    %dma_start3A_122 = arith.constant 0 : i32
    %dma_start3A_123 = arith.constant 0 : i32
    %dma_start3A_124 = tpu.memref_slice %arg16[%dma_start3A_121, %dma_start3A_122, %dma_start3A_123] : memref<2x128x128xf32, #tpu.memory_space<vmem>> -> memref<1x128x128xf32, #tpu.memory_space<vmem>>
    %dma_start3A_125 = tpu.memref_squeeze %dma_start3A_124 : memref<1x128x128xf32, #tpu.memory_space<vmem>> -> memref<128x128xf32, #tpu.memory_space<vmem>>
    %dma_start3A_126 = arith.constant 0 : i32
    %dma_start3A_127 = arith.constant 0 : i32
    %dma_start3A_128 = tpu.memref_slice %dma_start3A_125[%dma_start3A_126, %dma_start3A_127] : memref<128x128xf32, #tpu.memory_space<vmem>> -> memref<104x128xf32, #tpu.memory_space<vmem>>
    %dma_start3A_129 = arith.constant 0 : i32
    %dma_start3A_130 = tpu.memref_slice %arg8[%add3A_120, %dma_start3A_129] : memref<10000x128xf32, #tpu.memory_space<vmem_shared>> -> memref<104x128xf32, #tpu.memory_space<vmem_shared>>
    %dma_start3A_131 = arith.constant 0 : i32
    %dma_start3A_132 = tpu.memref_slice %arg8[%add3A_120, %dma_start3A_131] : memref<10000x128xf32, #tpu.memory_space<vmem_shared>> -> memref<104x128xf32, #tpu.memory_space<vmem_shared>>
    %dma_start3A_133 = arith.constant 0 : i32
    %dma_start3A_134 = arith.constant 0 : i32
    %dma_start3A_135 = tpu.memref_slice %arg16[%dma_start3A_121, %dma_start3A_133, %dma_start3A_134] : memref<2x128x128xf32, #tpu.memory_space<vmem>> -> memref<1x128x128xf32, #tpu.memory_space<vmem>>
    %dma_start3A_136 = tpu.memref_squeeze %dma_start3A_135 : memref<1x128x128xf32, #tpu.memory_space<vmem>> -> memref<128x128xf32, #tpu.memory_space<vmem>>
    %dma_start3A_137 = arith.constant 0 : i32
    %dma_start3A_138 = arith.constant 0 : i32
    %dma_start3A_139 = tpu.memref_slice %dma_start3A_136[%dma_start3A_137, %dma_start3A_138] : memref<128x128xf32, #tpu.memory_space<vmem>> -> memref<104x128xf32, #tpu.memory_space<vmem>>
    tpu.enqueue_dma source(%dma_start3A_139 : memref<104x128xf32, #tpu.memory_space<vmem>>) target(%dma_start3A_132 : memref<104x128xf32, #tpu.memory_space<vmem_shared>>) target_semaphore(%arg20 : memref<!tpu.dma_semaphore, #tpu.memory_space<semaphore_mem>>)
    %mul3A_140 = arith.constant 624 : i32
    %mul3A_141 = arith.muli %arg1, %mul3A_140 : i32
    %add3A_142 = arith.constant 520 : i32
    %add3A_143 = arith.addi %mul3A_141, %add3A_142 : i32
    %dma_start3A_144 = arith.constant 0 : i32
    %dma_start3A_145 = arith.constant 0 : i32
    %dma_start3A_146 = arith.constant 0 : i32
    %dma_start3A_147 = tpu.memref_slice %arg16[%dma_start3A_144, %dma_start3A_145, %dma_start3A_146] : memref<2x128x128xf32, #tpu.memory_space<vmem>> -> memref<1x128x128xf32, #tpu.memory_space<vmem>>
    %dma_start3A_148 = tpu.memref_squeeze %dma_start3A_147 : memref<1x128x128xf32, #tpu.memory_space<vmem>> -> memref<128x128xf32, #tpu.memory_space<vmem>>
    %dma_start3A_149 = arith.constant 0 : i32
    %dma_start3A_150 = arith.constant 0 : i32
    %dma_start3A_151 = tpu.memref_slice %dma_start3A_148[%dma_start3A_149, %dma_start3A_150] : memref<128x128xf32, #tpu.memory_space<vmem>> -> memref<104x128xf32, #tpu.memory_space<vmem>>
    %dma_start3A_152 = arith.constant 0 : i32
    %dma_start3A_153 = tpu.memref_slice %arg8[%add3A_143, %dma_start3A_152] : memref<10000x128xf32, #tpu.memory_space<vmem_shared>> -> memref<104x128xf32, #tpu.memory_space<vmem_shared>>
    %dma_start3A_154 = arith.constant 0 : i32
    %dma_start3A_155 = tpu.memref_slice %arg8[%add3A_143, %dma_start3A_154] : memref<10000x128xf32, #tpu.memory_space<vmem_shared>> -> memref<104x128xf32, #tpu.memory_space<vmem_shared>>
    %dma_start3A_156 = arith.constant 0 : i32
    %dma_start3A_157 = arith.constant 0 : i32
    %dma_start3A_158 = tpu.memref_slice %arg16[%dma_start3A_144, %dma_start3A_156, %dma_start3A_157] : memref<2x128x128xf32, #tpu.memory_space<vmem>> -> memref<1x128x128xf32, #tpu.memory_space<vmem>>
    %dma_start3A_159 = tpu.memref_squeeze %dma_start3A_158 : memref<1x128x128xf32, #tpu.memory_space<vmem>> -> memref<128x128xf32, #tpu.memory_space<vmem>>
    %dma_start3A_160 = arith.constant 0 : i32
    %dma_start3A_161 = arith.constant 0 : i32
    %dma_start3A_162 = tpu.memref_slice %dma_start3A_159[%dma_start3A_160, %dma_start3A_161] : memref<128x128xf32, #tpu.memory_space<vmem>> -> memref<104x128xf32, #tpu.memory_space<vmem>>
    tpu.enqueue_dma source(%dma_start3A_162 : memref<104x128xf32, #tpu.memory_space<vmem>>) target(%dma_start3A_155 : memref<104x128xf32, #tpu.memory_space<vmem_shared>>) target_semaphore(%arg20 : memref<!tpu.dma_semaphore, #tpu.memory_space<semaphore_mem>>)
    %eq3A = arith.constant 0 : i32
    %eq3A_163 = arith.cmpi eq, %arg1, %eq3A : i32
    %convert_element_type3A = arith.extui %eq3A_163 : i1 to i32
    %cond3A = arith.constant 0 : i32
    %cond3A_164 = arith.cmpi ne, %convert_element_type3A, %cond3A : i32
    scf.if %cond3A_164 {
      %run_scoped3A_391 = arith.constant 0 : i32
      "tpu.region"() ({
        %run_scoped3A_392 = tpu.sem_alloc : memref<!tpu.dma_semaphore, #tpu.memory_space<semaphore_mem>>
        %dma_start3A_393 = arith.constant 0 : i32
        %dma_start3A_394 = arith.constant 0 : i32
        %dma_start3A_395 = tpu.memref_slice %arg16[%run_scoped3A_391, %dma_start3A_393, %dma_start3A_394] : memref<2x128x128xf32, #tpu.memory_space<vmem>> -> memref<1x128x128xf32, #tpu.memory_space<vmem>>
        %dma_start3A_396 = tpu.memref_squeeze %dma_start3A_395 : memref<1x128x128xf32, #tpu.memory_space<vmem>> -> memref<128x128xf32, #tpu.memory_space<vmem>>
        %dma_start3A_397 = arith.constant 0 : i32
        %dma_start3A_398 = arith.constant 0 : i32
        %dma_start3A_399 = tpu.memref_slice %dma_start3A_396[%dma_start3A_397, %dma_start3A_398] : memref<128x128xf32, #tpu.memory_space<vmem>> -> memref<16x128xf32, #tpu.memory_space<vmem>>
        %dma_start3A_400 = arith.constant 9984 : i32
        %dma_start3A_401 = arith.constant 0 : i32
        %dma_start3A_402 = tpu.memref_slice %arg8[%dma_start3A_400, %dma_start3A_401] : memref<10000x128xf32, #tpu.memory_space<vmem_shared>> -> memref<16x128xf32, #tpu.memory_space<vmem_shared>>
        %dma_start3A_403 = arith.constant 9984 : i32
        %dma_start3A_404 = arith.constant 0 : i32
        %dma_start3A_405 = tpu.memref_slice %arg8[%dma_start3A_403, %dma_start3A_404] : memref<10000x128xf32, #tpu.memory_space<vmem_shared>> -> memref<16x128xf32, #tpu.memory_space<vmem_shared>>
        %dma_start3A_406 = arith.constant 0 : i32
        %dma_start3A_407 = arith.constant 0 : i32
        %dma_start3A_408 = tpu.memref_slice %arg16[%run_scoped3A_391, %dma_start3A_406, %dma_start3A_407] : memref<2x128x128xf32, #tpu.memory_space<vmem>> -> memref<1x128x128xf32, #tpu.memory_space<vmem>>
        %dma_start3A_409 = tpu.memref_squeeze %dma_start3A_408 : memref<1x128x128xf32, #tpu.memory_space<vmem>> -> memref<128x128xf32, #tpu.memory_space<vmem>>
        %dma_start3A_410 = arith.constant 0 : i32
        %dma_start3A_411 = arith.constant 0 : i32
        %dma_start3A_412 = tpu.memref_slice %dma_start3A_409[%dma_start3A_410, %dma_start3A_411] : memref<128x128xf32, #tpu.memory_space<vmem>> -> memref<16x128xf32, #tpu.memory_space<vmem>>
        tpu.enqueue_dma source(%dma_start3A_412 : memref<16x128xf32, #tpu.memory_space<vmem>>) target(%dma_start3A_405 : memref<16x128xf32, #tpu.memory_space<vmem_shared>>) target_semaphore(%run_scoped3A_392 : memref<!tpu.dma_semaphore, #tpu.memory_space<semaphore_mem>>)
        %dma_wait3A_413 = arith.constant 0 : i32
        %dma_wait3A_414 = arith.constant 0 : i32
        %dma_wait3A_415 = tpu.memref_slice %arg16[%run_scoped3A_391, %dma_wait3A_413, %dma_wait3A_414] : memref<2x128x128xf32, #tpu.memory_space<vmem>> -> memref<1x128x128xf32, #tpu.memory_space<vmem>>
        %dma_wait3A_416 = tpu.memref_squeeze %dma_wait3A_415 : memref<1x128x128xf32, #tpu.memory_space<vmem>> -> memref<128x128xf32, #tpu.memory_space<vmem>>
        %dma_wait3A_417 = arith.constant 0 : i32
        %dma_wait3A_418 = arith.constant 0 : i32
        %dma_wait3A_419 = tpu.memref_slice %dma_wait3A_416[%dma_wait3A_417, %dma_wait3A_418] : memref<128x128xf32, #tpu.memory_space<vmem>> -> memref<16x128xf32, #tpu.memory_space<vmem>>
        %dma_wait3A_420 = arith.constant 9984 : i32
        %dma_wait3A_421 = arith.constant 0 : i32
        %dma_wait3A_422 = tpu.memref_slice %arg8[%dma_wait3A_420, %dma_wait3A_421] : memref<10000x128xf32, #tpu.memory_space<vmem_shared>> -> memref<16x128xf32, #tpu.memory_space<vmem_shared>>
        %dma_wait3A_423 = arith.constant 9984 : i32
        %dma_wait3A_424 = arith.constant 0 : i32
        %dma_wait3A_425 = tpu.memref_slice %arg8[%dma_wait3A_423, %dma_wait3A_424] : memref<10000x128xf32, #tpu.memory_space<vmem_shared>> -> memref<16x128xf32, #tpu.memory_space<vmem_shared>>
        %dma_wait3A_426 = arith.constant 0 : i32
        %dma_wait3A_427 = arith.constant 0 : i32
        %dma_wait3A_428 = tpu.memref_slice %arg16[%run_scoped3A_391, %dma_wait3A_426, %dma_wait3A_427] : memref<2x128x128xf32, #tpu.memory_space<vmem>> -> memref<1x128x128xf32, #tpu.memory_space<vmem>>
        %dma_wait3A_429 = tpu.memref_squeeze %dma_wait3A_428 : memref<1x128x128xf32, #tpu.memory_space<vmem>> -> memref<128x128xf32, #tpu.memory_space<vmem>>
        %dma_wait3A_430 = arith.constant 0 : i32
        %dma_wait3A_431 = arith.constant 0 : i32
        %dma_wait3A_432 = tpu.memref_slice %dma_wait3A_429[%dma_wait3A_430, %dma_wait3A_431] : memref<128x128xf32, #tpu.memory_space<vmem>> -> memref<16x128xf32, #tpu.memory_space<vmem>>
        tpu.wait_dma2 semaphore(%run_scoped3A_392 : memref<!tpu.dma_semaphore, #tpu.memory_space<semaphore_mem>>) src(%dma_wait3A_432 : memref<16x128xf32, #tpu.memory_space<vmem>>) dst(%dma_wait3A_425 : memref<16x128xf32, #tpu.memory_space<vmem_shared>>)
        tpu.yield
      }) : () -> ()
    } else {
    }
    %lt3A = arith.constant 10 : i32
    %lt3A_165 = arith.cmpi slt, %arg1, %lt3A : i32
    %convert_element_type3A_166 = arith.extui %lt3A_165 : i1 to i32
    %cond3A_167 = arith.constant 0 : i32
    %cond3A_168 = arith.cmpi ne, %convert_element_type3A_166, %cond3A_167 : i32
    scf.if %cond3A_168 {
      %mul3A_391 = arith.constant 1000 : i32
      %mul3A_392 = arith.muli %arg1, %mul3A_391 : i32
      "tpu.region"() ({
        %run_scoped3A_393 = tpu.sem_alloc : memref<!tpu.dma_semaphore, #tpu.memory_space<semaphore_mem>>
        %dma_start3A_394 = arith.constant 0 : i32
        %dma_start3A_395 = tpu.memref_slice %arg18[%dma_start3A_394] : memref<1024xf32, #tpu.memory_space<vmem>> -> memref<1000xf32, #tpu.memory_space<vmem>>
        %dma_start3A_396 = tpu.memref_slice %arg9[%mul3A_392] : memref<10000xf32, #tpu.memory_space<vmem_shared>> -> memref<1000xf32, #tpu.memory_space<vmem_shared>>
        %dma_start3A_397 = tpu.memref_slice %arg9[%mul3A_392] : memref<10000xf32, #tpu.memory_space<vmem_shared>> -> memref<1000xf32, #tpu.memory_space<vmem_shared>>
        %dma_start3A_398 = arith.constant 0 : i32
        %dma_start3A_399 = tpu.memref_slice %arg18[%dma_start3A_398] : memref<1024xf32, #tpu.memory_space<vmem>> -> memref<1000xf32, #tpu.memory_space<vmem>>
        tpu.enqueue_dma source(%dma_start3A_399 : memref<1000xf32, #tpu.memory_space<vmem>>) target(%dma_start3A_397 : memref<1000xf32, #tpu.memory_space<vmem_shared>>) target_semaphore(%run_scoped3A_393 : memref<!tpu.dma_semaphore, #tpu.memory_space<semaphore_mem>>)
        %dma_wait3A_400 = arith.constant 0 : i32
        %dma_wait3A_401 = tpu.memref_slice %arg18[%dma_wait3A_400] : memref<1024xf32, #tpu.memory_space<vmem>> -> memref<1000xf32, #tpu.memory_space<vmem>>
        %dma_wait3A_402 = tpu.memref_slice %arg9[%mul3A_392] : memref<10000xf32, #tpu.memory_space<vmem_shared>> -> memref<1000xf32, #tpu.memory_space<vmem_shared>>
        %dma_wait3A_403 = tpu.memref_slice %arg9[%mul3A_392] : memref<10000xf32, #tpu.memory_space<vmem_shared>> -> memref<1000xf32, #tpu.memory_space<vmem_shared>>
        %dma_wait3A_404 = arith.constant 0 : i32
        %dma_wait3A_405 = tpu.memref_slice %arg18[%dma_wait3A_404] : memref<1024xf32, #tpu.memory_space<vmem>> -> memref<1000xf32, #tpu.memory_space<vmem>>
        tpu.wait_dma2 semaphore(%run_scoped3A_393 : memref<!tpu.dma_semaphore, #tpu.memory_space<semaphore_mem>>) src(%dma_wait3A_405 : memref<1000xf32, #tpu.memory_space<vmem>>) dst(%dma_wait3A_403 : memref<1000xf32, #tpu.memory_space<vmem_shared>>)
        tpu.yield
      }) : () -> ()
    } else {
    }
    %mul3A_169 = arith.constant 624 : i32
    %mul3A_170 = arith.muli %arg1, %mul3A_169 : i32
    %add3A_171 = arith.constant 0 : i32
    %add3A_172 = arith.addi %mul3A_170, %add3A_171 : i32
    %dma_wait3A = arith.constant 0 : i32
    %dma_wait3A_173 = arith.constant 0 : i32
    %dma_wait3A_174 = arith.constant 0 : i32
    %dma_wait3A_175 = tpu.memref_slice %arg16[%dma_wait3A, %dma_wait3A_173, %dma_wait3A_174] : memref<2x128x128xf32, #tpu.memory_space<vmem>> -> memref<1x128x128xf32, #tpu.memory_space<vmem>>
    %dma_wait3A_176 = tpu.memref_squeeze %dma_wait3A_175 : memref<1x128x128xf32, #tpu.memory_space<vmem>> -> memref<128x128xf32, #tpu.memory_space<vmem>>
    %dma_wait3A_177 = arith.constant 0 : i32
    %dma_wait3A_178 = arith.constant 0 : i32
    %dma_wait3A_179 = tpu.memref_slice %dma_wait3A_176[%dma_wait3A_177, %dma_wait3A_178] : memref<128x128xf32, #tpu.memory_space<vmem>> -> memref<104x128xf32, #tpu.memory_space<vmem>>
    %dma_wait3A_180 = arith.constant 0 : i32
    %dma_wait3A_181 = tpu.memref_slice %arg8[%add3A_172, %dma_wait3A_180] : memref<10000x128xf32, #tpu.memory_space<vmem_shared>> -> memref<104x128xf32, #tpu.memory_space<vmem_shared>>
    %dma_wait3A_182 = arith.constant 0 : i32
    %dma_wait3A_183 = tpu.memref_slice %arg8[%add3A_172, %dma_wait3A_182] : memref<10000x128xf32, #tpu.memory_space<vmem_shared>> -> memref<104x128xf32, #tpu.memory_space<vmem_shared>>
    %dma_wait3A_184 = arith.constant 0 : i32
    %dma_wait3A_185 = arith.constant 0 : i32
    %dma_wait3A_186 = tpu.memref_slice %arg16[%dma_wait3A, %dma_wait3A_184, %dma_wait3A_185] : memref<2x128x128xf32, #tpu.memory_space<vmem>> -> memref<1x128x128xf32, #tpu.memory_space<vmem>>
    %dma_wait3A_187 = tpu.memref_squeeze %dma_wait3A_186 : memref<1x128x128xf32, #tpu.memory_space<vmem>> -> memref<128x128xf32, #tpu.memory_space<vmem>>
    %dma_wait3A_188 = arith.constant 0 : i32
    %dma_wait3A_189 = arith.constant 0 : i32
    %dma_wait3A_190 = tpu.memref_slice %dma_wait3A_187[%dma_wait3A_188, %dma_wait3A_189] : memref<128x128xf32, #tpu.memory_space<vmem>> -> memref<104x128xf32, #tpu.memory_space<vmem>>
    tpu.wait_dma2 semaphore(%arg20 : memref<!tpu.dma_semaphore, #tpu.memory_space<semaphore_mem>>) src(%dma_wait3A_190 : memref<104x128xf32, #tpu.memory_space<vmem>>) dst(%dma_wait3A_183 : memref<104x128xf32, #tpu.memory_space<vmem_shared>>)
    %mul3A_191 = arith.constant 624 : i32
    %mul3A_192 = arith.muli %arg1, %mul3A_191 : i32
    %add3A_193 = arith.constant 104 : i32
    %add3A_194 = arith.addi %mul3A_192, %add3A_193 : i32
    %dma_wait3A_195 = arith.constant 0 : i32
    %dma_wait3A_196 = arith.constant 0 : i32
    %dma_wait3A_197 = arith.constant 0 : i32
    %dma_wait3A_198 = tpu.memref_slice %arg16[%dma_wait3A_195, %dma_wait3A_196, %dma_wait3A_197] : memref<2x128x128xf32, #tpu.memory_space<vmem>> -> memref<1x128x128xf32, #tpu.memory_space<vmem>>
    %dma_wait3A_199 = tpu.memref_squeeze %dma_wait3A_198 : memref<1x128x128xf32, #tpu.memory_space<vmem>> -> memref<128x128xf32, #tpu.memory_space<vmem>>
    %dma_wait3A_200 = arith.constant 0 : i32
    %dma_wait3A_201 = arith.constant 0 : i32
    %dma_wait3A_202 = tpu.memref_slice %dma_wait3A_199[%dma_wait3A_200, %dma_wait3A_201] : memref<128x128xf32, #tpu.memory_space<vmem>> -> memref<104x128xf32, #tpu.memory_space<vmem>>
    %dma_wait3A_203 = arith.constant 0 : i32
    %dma_wait3A_204 = tpu.memref_slice %arg8[%add3A_194, %dma_wait3A_203] : memref<10000x128xf32, #tpu.memory_space<vmem_shared>> -> memref<104x128xf32, #tpu.memory_space<vmem_shared>>
    %dma_wait3A_205 = arith.constant 0 : i32
    %dma_wait3A_206 = tpu.memref_slice %arg8[%add3A_194, %dma_wait3A_205] : memref<10000x128xf32, #tpu.memory_space<vmem_shared>> -> memref<104x128xf32, #tpu.memory_space<vmem_shared>>
    %dma_wait3A_207 = arith.constant 0 : i32
    %dma_wait3A_208 = arith.constant 0 : i32
    %dma_wait3A_209 = tpu.memref_slice %arg16[%dma_wait3A_195, %dma_wait3A_207, %dma_wait3A_208] : memref<2x128x128xf32, #tpu.memory_space<vmem>> -> memref<1x128x128xf32, #tpu.memory_space<vmem>>
    %dma_wait3A_210 = tpu.memref_squeeze %dma_wait3A_209 : memref<1x128x128xf32, #tpu.memory_space<vmem>> -> memref<128x128xf32, #tpu.memory_space<vmem>>
    %dma_wait3A_211 = arith.constant 0 : i32
    %dma_wait3A_212 = arith.constant 0 : i32
    %dma_wait3A_213 = tpu.memref_slice %dma_wait3A_210[%dma_wait3A_211, %dma_wait3A_212] : memref<128x128xf32, #tpu.memory_space<vmem>> -> memref<104x128xf32, #tpu.memory_space<vmem>>
    tpu.wait_dma2 semaphore(%arg20 : memref<!tpu.dma_semaphore, #tpu.memory_space<semaphore_mem>>) src(%dma_wait3A_213 : memref<104x128xf32, #tpu.memory_space<vmem>>) dst(%dma_wait3A_206 : memref<104x128xf32, #tpu.memory_space<vmem_shared>>)
    %mul3A_214 = arith.constant 624 : i32
    %mul3A_215 = arith.muli %arg1, %mul3A_214 : i32
    %add3A_216 = arith.constant 208 : i32
    %add3A_217 = arith.addi %mul3A_215, %add3A_216 : i32
    %dma_wait3A_218 = arith.constant 0 : i32
    %dma_wait3A_219 = arith.constant 0 : i32
    %dma_wait3A_220 = arith.constant 0 : i32
    %dma_wait3A_221 = tpu.memref_slice %arg16[%dma_wait3A_218, %dma_wait3A_219, %dma_wait3A_220] : memref<2x128x128xf32, #tpu.memory_space<vmem>> -> memref<1x128x128xf32, #tpu.memory_space<vmem>>
    %dma_wait3A_222 = tpu.memref_squeeze %dma_wait3A_221 : memref<1x128x128xf32, #tpu.memory_space<vmem>> -> memref<128x128xf32, #tpu.memory_space<vmem>>
    %dma_wait3A_223 = arith.constant 0 : i32
    %dma_wait3A_224 = arith.constant 0 : i32
    %dma_wait3A_225 = tpu.memref_slice %dma_wait3A_222[%dma_wait3A_223, %dma_wait3A_224] : memref<128x128xf32, #tpu.memory_space<vmem>> -> memref<104x128xf32, #tpu.memory_space<vmem>>
    %dma_wait3A_226 = arith.constant 0 : i32
    %dma_wait3A_227 = tpu.memref_slice %arg8[%add3A_217, %dma_wait3A_226] : memref<10000x128xf32, #tpu.memory_space<vmem_shared>> -> memref<104x128xf32, #tpu.memory_space<vmem_shared>>
    %dma_wait3A_228 = arith.constant 0 : i32
    %dma_wait3A_229 = tpu.memref_slice %arg8[%add3A_217, %dma_wait3A_228] : memref<10000x128xf32, #tpu.memory_space<vmem_shared>> -> memref<104x128xf32, #tpu.memory_space<vmem_shared>>
    %dma_wait3A_230 = arith.constant 0 : i32
    %dma_wait3A_231 = arith.constant 0 : i32
    %dma_wait3A_232 = tpu.memref_slice %arg16[%dma_wait3A_218, %dma_wait3A_230, %dma_wait3A_231] : memref<2x128x128xf32, #tpu.memory_space<vmem>> -> memref<1x128x128xf32, #tpu.memory_space<vmem>>
    %dma_wait3A_233 = tpu.memref_squeeze %dma_wait3A_232 : memref<1x128x128xf32, #tpu.memory_space<vmem>> -> memref<128x128xf32, #tpu.memory_space<vmem>>
    %dma_wait3A_234 = arith.constant 0 : i32
    %dma_wait3A_235 = arith.constant 0 : i32
    %dma_wait3A_236 = tpu.memref_slice %dma_wait3A_233[%dma_wait3A_234, %dma_wait3A_235] : memref<128x128xf32, #tpu.memory_space<vmem>> -> memref<104x128xf32, #tpu.memory_space<vmem>>
    tpu.wait_dma2 semaphore(%arg20 : memref<!tpu.dma_semaphore, #tpu.memory_space<semaphore_mem>>) src(%dma_wait3A_236 : memref<104x128xf32, #tpu.memory_space<vmem>>) dst(%dma_wait3A_229 : memref<104x128xf32, #tpu.memory_space<vmem_shared>>)
    %mul3A_237 = arith.constant 624 : i32
    %mul3A_238 = arith.muli %arg1, %mul3A_237 : i32
    %add3A_239 = arith.constant 312 : i32
    %add3A_240 = arith.addi %mul3A_238, %add3A_239 : i32
    %dma_wait3A_241 = arith.constant 0 : i32
    %dma_wait3A_242 = arith.constant 0 : i32
    %dma_wait3A_243 = arith.constant 0 : i32
    %dma_wait3A_244 = tpu.memref_slice %arg16[%dma_wait3A_241, %dma_wait3A_242, %dma_wait3A_243] : memref<2x128x128xf32, #tpu.memory_space<vmem>> -> memref<1x128x128xf32, #tpu.memory_space<vmem>>
    %dma_wait3A_245 = tpu.memref_squeeze %dma_wait3A_244 : memref<1x128x128xf32, #tpu.memory_space<vmem>> -> memref<128x128xf32, #tpu.memory_space<vmem>>
    %dma_wait3A_246 = arith.constant 0 : i32
    %dma_wait3A_247 = arith.constant 0 : i32
    %dma_wait3A_248 = tpu.memref_slice %dma_wait3A_245[%dma_wait3A_246, %dma_wait3A_247] : memref<128x128xf32, #tpu.memory_space<vmem>> -> memref<104x128xf32, #tpu.memory_space<vmem>>
    %dma_wait3A_249 = arith.constant 0 : i32
    %dma_wait3A_250 = tpu.memref_slice %arg8[%add3A_240, %dma_wait3A_249] : memref<10000x128xf32, #tpu.memory_space<vmem_shared>> -> memref<104x128xf32, #tpu.memory_space<vmem_shared>>
    %dma_wait3A_251 = arith.constant 0 : i32
    %dma_wait3A_252 = tpu.memref_slice %arg8[%add3A_240, %dma_wait3A_251] : memref<10000x128xf32, #tpu.memory_space<vmem_shared>> -> memref<104x128xf32, #tpu.memory_space<vmem_shared>>
    %dma_wait3A_253 = arith.constant 0 : i32
    %dma_wait3A_254 = arith.constant 0 : i32
    %dma_wait3A_255 = tpu.memref_slice %arg16[%dma_wait3A_241, %dma_wait3A_253, %dma_wait3A_254] : memref<2x128x128xf32, #tpu.memory_space<vmem>> -> memref<1x128x128xf32, #tpu.memory_space<vmem>>
    %dma_wait3A_256 = tpu.memref_squeeze %dma_wait3A_255 : memref<1x128x128xf32, #tpu.memory_space<vmem>> -> memref<128x128xf32, #tpu.memory_space<vmem>>
    %dma_wait3A_257 = arith.constant 0 : i32
    %dma_wait3A_258 = arith.constant 0 : i32
    %dma_wait3A_259 = tpu.memref_slice %dma_wait3A_256[%dma_wait3A_257, %dma_wait3A_258] : memref<128x128xf32, #tpu.memory_space<vmem>> -> memref<104x128xf32, #tpu.memory_space<vmem>>
    tpu.wait_dma2 semaphore(%arg20 : memref<!tpu.dma_semaphore, #tpu.memory_space<semaphore_mem>>) src(%dma_wait3A_259 : memref<104x128xf32, #tpu.memory_space<vmem>>) dst(%dma_wait3A_252 : memref<104x128xf32, #tpu.memory_space<vmem_shared>>)
    %mul3A_260 = arith.constant 624 : i32
    %mul3A_261 = arith.muli %arg1, %mul3A_260 : i32
    %add3A_262 = arith.constant 416 : i32
    %add3A_263 = arith.addi %mul3A_261, %add3A_262 : i32
    %dma_wait3A_264 = arith.constant 0 : i32
    %dma_wait3A_265 = arith.constant 0 : i32
    %dma_wait3A_266 = arith.constant 0 : i32
    %dma_wait3A_267 = tpu.memref_slice %arg16[%dma_wait3A_264, %dma_wait3A_265, %dma_wait3A_266] : memref<2x128x128xf32, #tpu.memory_space<vmem>> -> memref<1x128x128xf32, #tpu.memory_space<vmem>>
    %dma_wait3A_268 = tpu.memref_squeeze %dma_wait3A_267 : memref<1x128x128xf32, #tpu.memory_space<vmem>> -> memref<128x128xf32, #tpu.memory_space<vmem>>
    %dma_wait3A_269 = arith.constant 0 : i32
    %dma_wait3A_270 = arith.constant 0 : i32
    %dma_wait3A_271 = tpu.memref_slice %dma_wait3A_268[%dma_wait3A_269, %dma_wait3A_270] : memref<128x128xf32, #tpu.memory_space<vmem>> -> memref<104x128xf32, #tpu.memory_space<vmem>>
    %dma_wait3A_272 = arith.constant 0 : i32
    %dma_wait3A_273 = tpu.memref_slice %arg8[%add3A_263, %dma_wait3A_272] : memref<10000x128xf32, #tpu.memory_space<vmem_shared>> -> memref<104x128xf32, #tpu.memory_space<vmem_shared>>
    %dma_wait3A_274 = arith.constant 0 : i32
    %dma_wait3A_275 = tpu.memref_slice %arg8[%add3A_263, %dma_wait3A_274] : memref<10000x128xf32, #tpu.memory_space<vmem_shared>> -> memref<104x128xf32, #tpu.memory_space<vmem_shared>>
    %dma_wait3A_276 = arith.constant 0 : i32
    %dma_wait3A_277 = arith.constant 0 : i32
    %dma_wait3A_278 = tpu.memref_slice %arg16[%dma_wait3A_264, %dma_wait3A_276, %dma_wait3A_277] : memref<2x128x128xf32, #tpu.memory_space<vmem>> -> memref<1x128x128xf32, #tpu.memory_space<vmem>>
    %dma_wait3A_279 = tpu.memref_squeeze %dma_wait3A_278 : memref<1x128x128xf32, #tpu.memory_space<vmem>> -> memref<128x128xf32, #tpu.memory_space<vmem>>
    %dma_wait3A_280 = arith.constant 0 : i32
    %dma_wait3A_281 = arith.constant 0 : i32
    %dma_wait3A_282 = tpu.memref_slice %dma_wait3A_279[%dma_wait3A_280, %dma_wait3A_281] : memref<128x128xf32, #tpu.memory_space<vmem>> -> memref<104x128xf32, #tpu.memory_space<vmem>>
    tpu.wait_dma2 semaphore(%arg20 : memref<!tpu.dma_semaphore, #tpu.memory_space<semaphore_mem>>) src(%dma_wait3A_282 : memref<104x128xf32, #tpu.memory_space<vmem>>) dst(%dma_wait3A_275 : memref<104x128xf32, #tpu.memory_space<vmem_shared>>)
    %mul3A_283 = arith.constant 624 : i32
    %mul3A_284 = arith.muli %arg1, %mul3A_283 : i32
    %add3A_285 = arith.constant 520 : i32
    %add3A_286 = arith.addi %mul3A_284, %add3A_285 : i32
    %dma_wait3A_287 = arith.constant 0 : i32
    %dma_wait3A_288 = arith.constant 0 : i32
    %dma_wait3A_289 = arith.constant 0 : i32
    %dma_wait3A_290 = tpu.memref_slice %arg16[%dma_wait3A_287, %dma_wait3A_288, %dma_wait3A_289] : memref<2x128x128xf32, #tpu.memory_space<vmem>> -> memref<1x128x128xf32, #tpu.memory_space<vmem>>
    %dma_wait3A_291 = tpu.memref_squeeze %dma_wait3A_290 : memref<1x128x128xf32, #tpu.memory_space<vmem>> -> memref<128x128xf32, #tpu.memory_space<vmem>>
    %dma_wait3A_292 = arith.constant 0 : i32
    %dma_wait3A_293 = arith.constant 0 : i32
    %dma_wait3A_294 = tpu.memref_slice %dma_wait3A_291[%dma_wait3A_292, %dma_wait3A_293] : memref<128x128xf32, #tpu.memory_space<vmem>> -> memref<104x128xf32, #tpu.memory_space<vmem>>
    %dma_wait3A_295 = arith.constant 0 : i32
    %dma_wait3A_296 = tpu.memref_slice %arg8[%add3A_286, %dma_wait3A_295] : memref<10000x128xf32, #tpu.memory_space<vmem_shared>> -> memref<104x128xf32, #tpu.memory_space<vmem_shared>>
    %dma_wait3A_297 = arith.constant 0 : i32
    %dma_wait3A_298 = tpu.memref_slice %arg8[%add3A_286, %dma_wait3A_297] : memref<10000x128xf32, #tpu.memory_space<vmem_shared>> -> memref<104x128xf32, #tpu.memory_space<vmem_shared>>
    %dma_wait3A_299 = arith.constant 0 : i32
    %dma_wait3A_300 = arith.constant 0 : i32
    %dma_wait3A_301 = tpu.memref_slice %arg16[%dma_wait3A_287, %dma_wait3A_299, %dma_wait3A_300] : memref<2x128x128xf32, #tpu.memory_space<vmem>> -> memref<1x128x128xf32, #tpu.memory_space<vmem>>
    %dma_wait3A_302 = tpu.memref_squeeze %dma_wait3A_301 : memref<1x128x128xf32, #tpu.memory_space<vmem>> -> memref<128x128xf32, #tpu.memory_space<vmem>>
    %dma_wait3A_303 = arith.constant 0 : i32
    %dma_wait3A_304 = arith.constant 0 : i32
    %dma_wait3A_305 = tpu.memref_slice %dma_wait3A_302[%dma_wait3A_303, %dma_wait3A_304] : memref<128x128xf32, #tpu.memory_space<vmem>> -> memref<104x128xf32, #tpu.memory_space<vmem>>
    tpu.wait_dma2 semaphore(%arg20 : memref<!tpu.dma_semaphore, #tpu.memory_space<semaphore_mem>>) src(%dma_wait3A_305 : memref<104x128xf32, #tpu.memory_space<vmem>>) dst(%dma_wait3A_298 : memref<104x128xf32, #tpu.memory_space<vmem_shared>>)
    %dma_wait3A_306 = tpu.memref_slice %arg3[%mul3A_2] : memref<320000xi32, #tpu.memory_space<hbm>> -> memref<10000xi32, #tpu.memory_space<hbm>>
    %dma_wait3A_307 = tpu.memref_slice %arg3[%mul3A_2] : memref<320000xi32, #tpu.memory_space<hbm>> -> memref<10000xi32, #tpu.memory_space<hbm>>
    tpu.wait_dma2 semaphore(%arg22 : memref<!tpu.dma_semaphore, #tpu.memory_space<semaphore_mem>>) src(%dma_wait3A_307 : memref<10000xi32, #tpu.memory_space<hbm>>) dst(%arg10 : memref<10000xi32, #tpu.memory_space<vmem>>)
    %barrier3A = arith.constant 0 : index
    tpu.barrier barrier_id(%barrier3A)
    %add3A_308 = arith.constant 0 : i32
    %add3A_309 = arith.addi %mul3A_2, %add3A_308 : i32
    %dma_start3A_310 = tpu.memref_slice %arg4[%add3A_309] : memref<320000xi32, #tpu.memory_space<hbm>> -> memref<128xi32, #tpu.memory_space<hbm>>
    %dma_start3A_311 = tpu.memref_slice %arg4[%add3A_309] : memref<320000xi32, #tpu.memory_space<hbm>> -> memref<128xi32, #tpu.memory_space<hbm>>
    tpu.enqueue_dma source(%dma_start3A_311 : memref<128xi32, #tpu.memory_space<hbm>>) target(%arg11 : memref<128xi32, #tpu.memory_space<vmem>>) target_semaphore(%arg22 : memref<!tpu.dma_semaphore, #tpu.memory_space<semaphore_mem>>)
    %add3A_312 = arith.constant 128 : i32
    %add3A_313 = arith.addi %mul3A_2, %add3A_312 : i32
    %dma_start3A_314 = tpu.memref_slice %arg4[%add3A_313] : memref<320000xi32, #tpu.memory_space<hbm>> -> memref<128xi32, #tpu.memory_space<hbm>>
    %dma_start3A_315 = tpu.memref_slice %arg4[%add3A_313] : memref<320000xi32, #tpu.memory_space<hbm>> -> memref<128xi32, #tpu.memory_space<hbm>>
    tpu.enqueue_dma source(%dma_start3A_315 : memref<128xi32, #tpu.memory_space<hbm>>) target(%arg12 : memref<128xi32, #tpu.memory_space<vmem>>) target_semaphore(%arg22 : memref<!tpu.dma_semaphore, #tpu.memory_space<semaphore_mem>>)
    %dma_start3A_316 = arith.constant 0 : i32
    %dma_start3A_317 = arith.constant 0 : i32
    %dma_start3A_318 = arith.constant 0 : i32
    %dma_start3A_319 = tpu.memref_slice %arg16[%dma_start3A_316, %dma_start3A_317, %dma_start3A_318] : memref<2x128x128xf32, #tpu.memory_space<vmem>> -> memref<1x128x128xf32, #tpu.memory_space<vmem>>
    %dma_start3A_320 = tpu.memref_squeeze %dma_start3A_319 : memref<1x128x128xf32, #tpu.memory_space<vmem>> -> memref<128x128xf32, #tpu.memory_space<vmem>>
    %dma_start3A_321 = arith.constant 0 : i32
    %dma_start3A_322 = tpu.memref_slice %arg10[%dma_start3A_321] : memref<10000xi32, #tpu.memory_space<vmem>> -> memref<128xi32, #tpu.memory_space<vmem>>
    %dma_start3A_323 = arith.constant 0 : i32
    %dma_start3A_324 = arith.constant 0 : i32
    %dma_start3A_325 = tpu.memref_slice %arg2[%dma_start3A_323, %dma_start3A_324] : memref<10000x128xf32, #tpu.memory_space<hbm>> -> memref<10000x128xf32, #tpu.memory_space<hbm>>
    tpu.enqueue_indirect_dma source(%dma_start3A_325 : memref<10000x128xf32, #tpu.memory_space<hbm>>) target(%dma_start3A_320 : memref<128x128xf32, #tpu.memory_space<vmem>>) offsets(%dma_start3A_322 : memref<128xi32, #tpu.memory_space<vmem>>) semaphore(%arg19 : memref<!tpu.dma_semaphore, #tpu.memory_space<semaphore_mem>>)
    %scan3A_326 = arith.constant 0 : i32
    %scan3A_327 = arith.constant 0 : i32
    %scan3A_328 = arith.constant 21 : i32
    %scan3A_329 = arith.addi %scan3A_327, %scan3A_328 : i32
    %scan3A_330 = arith.constant 1 : i32
    %scan3A_331 = scf.for %scan3A_391 = %scan3A_327 to %scan3A_329 step %scan3A_330 iter_args(%scan3A_392 = %scan3A_326) -> (i32)  : i32 {
      %mul3A_393 = arith.constant 4 : i32
      %mul3A_394 = arith.muli %scan3A_391, %mul3A_393 : i32
      %add3A_395 = arith.constant 0 : i32
      %add3A_396 = arith.addi %mul3A_394, %add3A_395 : i32
      %ge3A = arith.constant 1 : i32
      %ge3A_397 = arith.cmpi sge, %add3A_396, %ge3A : i32
      %lt3A_398 = arith.constant 79 : i32
      %lt3A_399 = arith.cmpi slt, %add3A_396, %lt3A_398 : i32
      %and3A_400 = arith.andi %ge3A_397, %lt3A_399 : i1
      %convert_element_type3A_401 = arith.extui %and3A_400 : i1 to i32
      %cond3A_402 = arith.constant 0 : i32
      %cond3A_403 = arith.cmpi ne, %convert_element_type3A_401, %cond3A_402 : i32
      scf.if %cond3A_403 {
        %dma_wait3A_549 = arith.constant 1 : i32
        %dma_wait3A_550 = arith.constant 0 : i32
        %dma_wait3A_551 = arith.constant 0 : i32
        %dma_wait3A_552 = tpu.memref_slice %arg16[%dma_wait3A_549, %dma_wait3A_550, %dma_wait3A_551] : memref<2x128x128xf32, #tpu.memory_space<vmem>> -> memref<1x128x128xf32, #tpu.memory_space<vmem>>
        %dma_wait3A_553 = tpu.memref_squeeze %dma_wait3A_552 : memref<1x128x128xf32, #tpu.memory_space<vmem>> -> memref<128x128xf32, #tpu.memory_space<vmem>>
        %dma_wait3A_554 = arith.constant 0 : i32
        %dma_wait3A_555 = arith.constant 0 : i32
        %dma_wait3A_556 = tpu.memref_slice %arg8[%dma_wait3A_554, %dma_wait3A_555] : memref<10000x128xf32, #tpu.memory_space<vmem_shared>> -> memref<10000x128xf32, #tpu.memory_space<vmem_shared>>
        tpu.wait_indirect_dma semaphore(%arg20 : memref<!tpu.dma_semaphore, #tpu.memory_space<semaphore_mem>>) src(%dma_wait3A_553 : memref<128x128xf32, #tpu.memory_space<vmem>>) dst(%dma_wait3A_556 : memref<10000x128xf32, #tpu.memory_space<vmem_shared>>)
      } else {
      }
      %add3A_404 = arith.constant 1 : i32
      %add3A_405 = arith.addi %add3A_396, %add3A_404 : i32
      %lt3A_406 = arith.constant 78 : i32
      %lt3A_407 = arith.cmpi slt, %add3A_405, %lt3A_406 : i32
      %convert_element_type3A_408 = arith.extui %lt3A_407 : i1 to i32
      %cond3A_409 = arith.constant 0 : i32
      %cond3A_410 = arith.cmpi ne, %convert_element_type3A_408, %cond3A_409 : i32
      scf.if %cond3A_410 {
        %add3A_549 = arith.constant 1 : i32
        %add3A_550 = arith.addi %add3A_396, %add3A_549 : i32
        %mul3A_551 = arith.constant 128 : i32
        %mul3A_552 = arith.muli %add3A_550, %mul3A_551 : i32
        %dma_start3A_553 = arith.constant 1 : i32
        %dma_start3A_554 = arith.constant 0 : i32
        %dma_start3A_555 = arith.constant 0 : i32
        %dma_start3A_556 = tpu.memref_slice %arg16[%dma_start3A_553, %dma_start3A_554, %dma_start3A_555] : memref<2x128x128xf32, #tpu.memory_space<vmem>> -> memref<1x128x128xf32, #tpu.memory_space<vmem>>
        %dma_start3A_557 = tpu.memref_squeeze %dma_start3A_556 : memref<1x128x128xf32, #tpu.memory_space<vmem>> -> memref<128x128xf32, #tpu.memory_space<vmem>>
        %dma_start3A_558 = tpu.memref_slice %arg10[%mul3A_552] : memref<10000xi32, #tpu.memory_space<vmem>> -> memref<128xi32, #tpu.memory_space<vmem>>
        %dma_start3A_559 = arith.constant 0 : i32
        %dma_start3A_560 = arith.constant 0 : i32
        %dma_start3A_561 = tpu.memref_slice %arg2[%dma_start3A_559, %dma_start3A_560] : memref<10000x128xf32, #tpu.memory_space<hbm>> -> memref<10000x128xf32, #tpu.memory_space<hbm>>
        tpu.enqueue_indirect_dma source(%dma_start3A_561 : memref<10000x128xf32, #tpu.memory_space<hbm>>) target(%dma_start3A_557 : memref<128x128xf32, #tpu.memory_space<vmem>>) offsets(%dma_start3A_558 : memref<128xi32, #tpu.memory_space<vmem>>) semaphore(%arg19 : memref<!tpu.dma_semaphore, #tpu.memory_space<semaphore_mem>>)
      } else {
      }
      %lt3A_411 = arith.constant 78 : i32
      %lt3A_412 = arith.cmpi slt, %add3A_396, %lt3A_411 : i32
      %convert_element_type3A_413 = arith.extui %lt3A_412 : i1 to i32
      %cond3A_414 = arith.constant 0 : i32
      %cond3A_415 = arith.cmpi ne, %convert_element_type3A_413, %cond3A_414 : i32
      scf.if %cond3A_415 {
        %dma_wait3A_549 = arith.constant 0 : i32
        %dma_wait3A_550 = tpu.memref_slice %arg4[%dma_wait3A_549] : memref<320000xi32, #tpu.memory_space<hbm>> -> memref<128xi32, #tpu.memory_space<hbm>>
        %dma_wait3A_551 = arith.constant 0 : i32
        %dma_wait3A_552 = tpu.memref_slice %arg4[%dma_wait3A_551] : memref<320000xi32, #tpu.memory_space<hbm>> -> memref<128xi32, #tpu.memory_space<hbm>>
        tpu.wait_dma2 semaphore(%arg22 : memref<!tpu.dma_semaphore, #tpu.memory_space<semaphore_mem>>) src(%dma_wait3A_552 : memref<128xi32, #tpu.memory_space<hbm>>) dst(%arg11 : memref<128xi32, #tpu.memory_space<vmem>>)
        %mul3A_553 = arith.constant 128 : i32
        %mul3A_554 = arith.muli %add3A_396, %mul3A_553 : i32
        %dma_wait3A_555 = arith.constant 0 : i32
        %dma_wait3A_556 = arith.constant 0 : i32
        %dma_wait3A_557 = arith.constant 0 : i32
        %dma_wait3A_558 = tpu.memref_slice %arg16[%dma_wait3A_555, %dma_wait3A_556, %dma_wait3A_557] : memref<2x128x128xf32, #tpu.memory_space<vmem>> -> memref<1x128x128xf32, #tpu.memory_space<vmem>>
        %dma_wait3A_559 = tpu.memref_squeeze %dma_wait3A_558 : memref<1x128x128xf32, #tpu.memory_space<vmem>> -> memref<128x128xf32, #tpu.memory_space<vmem>>
        %dma_wait3A_560 = tpu.memref_slice %arg10[%mul3A_554] : memref<10000xi32, #tpu.memory_space<vmem>> -> memref<128xi32, #tpu.memory_space<vmem>>
        %dma_wait3A_561 = arith.constant 0 : i32
        %dma_wait3A_562 = arith.constant 0 : i32
        %dma_wait3A_563 = tpu.memref_slice %arg2[%dma_wait3A_561, %dma_wait3A_562] : memref<10000x128xf32, #tpu.memory_space<hbm>> -> memref<10000x128xf32, #tpu.memory_space<hbm>>
        tpu.wait_indirect_dma semaphore(%arg19 : memref<!tpu.dma_semaphore, #tpu.memory_space<semaphore_mem>>) src(%dma_wait3A_563 : memref<10000x128xf32, #tpu.memory_space<hbm>>) dst(%dma_wait3A_559 : memref<128x128xf32, #tpu.memory_space<vmem>>)
        %dma_start3A_564 = arith.constant 0 : i32
        %dma_start3A_565 = arith.constant 0 : i32
        %dma_start3A_566 = arith.constant 0 : i32
        %dma_start3A_567 = tpu.memref_slice %arg16[%dma_start3A_564, %dma_start3A_565, %dma_start3A_566] : memref<2x128x128xf32, #tpu.memory_space<vmem>> -> memref<1x128x128xf32, #tpu.memory_space<vmem>>
        %dma_start3A_568 = tpu.memref_squeeze %dma_start3A_567 : memref<1x128x128xf32, #tpu.memory_space<vmem>> -> memref<128x128xf32, #tpu.memory_space<vmem>>
        %dma_start3A_569 = arith.constant 0 : i32
        %dma_start3A_570 = arith.constant 0 : i32
        %dma_start3A_571 = tpu.memref_slice %arg8[%dma_start3A_569, %dma_start3A_570] : memref<10000x128xf32, #tpu.memory_space<vmem_shared>> -> memref<10000x128xf32, #tpu.memory_space<vmem_shared>>
        tpu.enqueue_indirect_dma source(%dma_start3A_568 : memref<128x128xf32, #tpu.memory_space<vmem>>) target(%dma_start3A_571 : memref<10000x128xf32, #tpu.memory_space<vmem_shared>>) offsets(%arg11 : memref<128xi32, #tpu.memory_space<vmem>>) semaphore(%arg20 : memref<!tpu.dma_semaphore, #tpu.memory_space<semaphore_mem>>) {add = true}
        %dma_start3A_572 = arith.constant 0 : i32
        %dma_start3A_573 = tpu.memref_slice %arg9[%dma_start3A_572] : memref<10000xf32, #tpu.memory_space<vmem_shared>> -> memref<10000xf32, #tpu.memory_space<vmem_shared>>
        tpu.enqueue_indirect_dma source(%arg17 : memref<128xf32, #tpu.memory_space<vmem>>) target(%dma_start3A_573 : memref<10000xf32, #tpu.memory_space<vmem_shared>>) offsets(%arg11 : memref<128xi32, #tpu.memory_space<vmem>>) semaphore(%arg21 : memref<!tpu.dma_semaphore, #tpu.memory_space<semaphore_mem>>) {add = true}
      } else {
      }
      %ge3A_416 = arith.constant 1 : i32
      %ge3A_417 = arith.cmpi sge, %add3A_396, %ge3A_416 : i32
      %lt3A_418 = arith.constant 79 : i32
      %lt3A_419 = arith.cmpi slt, %add3A_396, %lt3A_418 : i32
      %and3A_420 = arith.andi %ge3A_417, %lt3A_419 : i1
      %convert_element_type3A_421 = arith.extui %and3A_420 : i1 to i32
      %cond3A_422 = arith.constant 0 : i32
      %cond3A_423 = arith.cmpi ne, %convert_element_type3A_421, %cond3A_422 : i32
      scf.if %cond3A_423 {
        %dma_wait3A_549 = arith.constant 0 : i32
        %dma_wait3A_550 = tpu.memref_slice %arg9[%dma_wait3A_549] : memref<10000xf32, #tpu.memory_space<vmem_shared>> -> memref<10000xf32, #tpu.memory_space<vmem_shared>>
        tpu.wait_indirect_dma semaphore(%arg21 : memref<!tpu.dma_semaphore, #tpu.memory_space<semaphore_mem>>) src(%arg17 : memref<128xf32, #tpu.memory_space<vmem>>) dst(%dma_wait3A_550 : memref<10000xf32, #tpu.memory_space<vmem_shared>>)
      } else {
      }
      %add3A_424 = arith.constant 2 : i32
      %add3A_425 = arith.addi %add3A_396, %add3A_424 : i32
      %lt3A_426 = arith.constant 78 : i32
      %lt3A_427 = arith.cmpi slt, %add3A_425, %lt3A_426 : i32
      %convert_element_type3A_428 = arith.extui %lt3A_427 : i1 to i32
      %cond3A_429 = arith.constant 0 : i32
      %cond3A_430 = arith.cmpi ne, %convert_element_type3A_428, %cond3A_429 : i32
      scf.if %cond3A_430 {
        %add3A_549 = arith.constant 2 : i32
        %add3A_550 = arith.addi %add3A_396, %add3A_549 : i32
        %mul3A_551 = arith.constant 128 : i32
        %mul3A_552 = arith.muli %add3A_550, %mul3A_551 : i32
        %add3A_553 = arith.addi %mul3A_2, %mul3A_552 : i32
        %dma_start3A_554 = tpu.memref_slice %arg4[%add3A_553] : memref<320000xi32, #tpu.memory_space<hbm>> -> memref<128xi32, #tpu.memory_space<hbm>>
        %dma_start3A_555 = tpu.memref_slice %arg4[%add3A_553] : memref<320000xi32, #tpu.memory_space<hbm>> -> memref<128xi32, #tpu.memory_space<hbm>>
        tpu.enqueue_dma source(%dma_start3A_555 : memref<128xi32, #tpu.memory_space<hbm>>) target(%arg13 : memref<128xi32, #tpu.memory_space<vmem>>) target_semaphore(%arg22 : memref<!tpu.dma_semaphore, #tpu.memory_space<semaphore_mem>>)
      } else {
      }
      %mul3A_431 = arith.constant 4 : i32
      %mul3A_432 = arith.muli %scan3A_391, %mul3A_431 : i32
      %add3A_433 = arith.constant 1 : i32
      %add3A_434 = arith.addi %mul3A_432, %add3A_433 : i32
      %ge3A_435 = arith.constant 1 : i32
      %ge3A_436 = arith.cmpi sge, %add3A_434, %ge3A_435 : i32
      %lt3A_437 = arith.constant 79 : i32
      %lt3A_438 = arith.cmpi slt, %add3A_434, %lt3A_437 : i32
      %and3A_439 = arith.andi %ge3A_436, %lt3A_438 : i1
      %convert_element_type3A_440 = arith.extui %and3A_439 : i1 to i32
      %cond3A_441 = arith.constant 0 : i32
      %cond3A_442 = arith.cmpi ne, %convert_element_type3A_440, %cond3A_441 : i32
      scf.if %cond3A_442 {
        %dma_wait3A_549 = arith.constant 0 : i32
        %dma_wait3A_550 = arith.constant 0 : i32
        %dma_wait3A_551 = arith.constant 0 : i32
        %dma_wait3A_552 = tpu.memref_slice %arg16[%dma_wait3A_549, %dma_wait3A_550, %dma_wait3A_551] : memref<2x128x128xf32, #tpu.memory_space<vmem>> -> memref<1x128x128xf32, #tpu.memory_space<vmem>>
        %dma_wait3A_553 = tpu.memref_squeeze %dma_wait3A_552 : memref<1x128x128xf32, #tpu.memory_space<vmem>> -> memref<128x128xf32, #tpu.memory_space<vmem>>
        %dma_wait3A_554 = arith.constant 0 : i32
        %dma_wait3A_555 = arith.constant 0 : i32
        %dma_wait3A_556 = tpu.memref_slice %arg8[%dma_wait3A_554, %dma_wait3A_555] : memref<10000x128xf32, #tpu.memory_space<vmem_shared>> -> memref<10000x128xf32, #tpu.memory_space<vmem_shared>>
        tpu.wait_indirect_dma semaphore(%arg20 : memref<!tpu.dma_semaphore, #tpu.memory_space<semaphore_mem>>) src(%dma_wait3A_553 : memref<128x128xf32, #tpu.memory_space<vmem>>) dst(%dma_wait3A_556 : memref<10000x128xf32, #tpu.memory_space<vmem_shared>>)
      } else {
      }
      %add3A_443 = arith.constant 1 : i32
      %add3A_444 = arith.addi %add3A_434, %add3A_443 : i32
      %lt3A_445 = arith.constant 78 : i32
      %lt3A_446 = arith.cmpi slt, %add3A_444, %lt3A_445 : i32
      %convert_element_type3A_447 = arith.extui %lt3A_446 : i1 to i32
      %cond3A_448 = arith.constant 0 : i32
      %cond3A_449 = arith.cmpi ne, %convert_element_type3A_447, %cond3A_448 : i32
      scf.if %cond3A_449 {
        %add3A_549 = arith.constant 1 : i32
        %add3A_550 = arith.addi %add3A_434, %add3A_549 : i32
        %mul3A_551 = arith.constant 128 : i32
        %mul3A_552 = arith.muli %add3A_550, %mul3A_551 : i32
        %dma_start3A_553 = arith.constant 0 : i32
        %dma_start3A_554 = arith.constant 0 : i32
        %dma_start3A_555 = arith.constant 0 : i32
        %dma_start3A_556 = tpu.memref_slice %arg16[%dma_start3A_553, %dma_start3A_554, %dma_start3A_555] : memref<2x128x128xf32, #tpu.memory_space<vmem>> -> memref<1x128x128xf32, #tpu.memory_space<vmem>>
        %dma_start3A_557 = tpu.memref_squeeze %dma_start3A_556 : memref<1x128x128xf32, #tpu.memory_space<vmem>> -> memref<128x128xf32, #tpu.memory_space<vmem>>
        %dma_start3A_558 = tpu.memref_slice %arg10[%mul3A_552] : memref<10000xi32, #tpu.memory_space<vmem>> -> memref<128xi32, #tpu.memory_space<vmem>>
        %dma_start3A_559 = arith.constant 0 : i32
        %dma_start3A_560 = arith.constant 0 : i32
        %dma_start3A_561 = tpu.memref_slice %arg2[%dma_start3A_559, %dma_start3A_560] : memref<10000x128xf32, #tpu.memory_space<hbm>> -> memref<10000x128xf32, #tpu.memory_space<hbm>>
        tpu.enqueue_indirect_dma source(%dma_start3A_561 : memref<10000x128xf32, #tpu.memory_space<hbm>>) target(%dma_start3A_557 : memref<128x128xf32, #tpu.memory_space<vmem>>) offsets(%dma_start3A_558 : memref<128xi32, #tpu.memory_space<vmem>>) semaphore(%arg19 : memref<!tpu.dma_semaphore, #tpu.memory_space<semaphore_mem>>)
      } else {
      }
      %lt3A_450 = arith.constant 78 : i32
      %lt3A_451 = arith.cmpi slt, %add3A_434, %lt3A_450 : i32
      %convert_element_type3A_452 = arith.extui %lt3A_451 : i1 to i32
      %cond3A_453 = arith.constant 0 : i32
      %cond3A_454 = arith.cmpi ne, %convert_element_type3A_452, %cond3A_453 : i32
      scf.if %cond3A_454 {
        %dma_wait3A_549 = arith.constant 0 : i32
        %dma_wait3A_550 = tpu.memref_slice %arg4[%dma_wait3A_549] : memref<320000xi32, #tpu.memory_space<hbm>> -> memref<128xi32, #tpu.memory_space<hbm>>
        %dma_wait3A_551 = arith.constant 0 : i32
        %dma_wait3A_552 = tpu.memref_slice %arg4[%dma_wait3A_551] : memref<320000xi32, #tpu.memory_space<hbm>> -> memref<128xi32, #tpu.memory_space<hbm>>
        tpu.wait_dma2 semaphore(%arg22 : memref<!tpu.dma_semaphore, #tpu.memory_space<semaphore_mem>>) src(%dma_wait3A_552 : memref<128xi32, #tpu.memory_space<hbm>>) dst(%arg12 : memref<128xi32, #tpu.memory_space<vmem>>)
        %mul3A_553 = arith.constant 128 : i32
        %mul3A_554 = arith.muli %add3A_434, %mul3A_553 : i32
        %dma_wait3A_555 = arith.constant 1 : i32
        %dma_wait3A_556 = arith.constant 0 : i32
        %dma_wait3A_557 = arith.constant 0 : i32
        %dma_wait3A_558 = tpu.memref_slice %arg16[%dma_wait3A_555, %dma_wait3A_556, %dma_wait3A_557] : memref<2x128x128xf32, #tpu.memory_space<vmem>> -> memref<1x128x128xf32, #tpu.memory_space<vmem>>
        %dma_wait3A_559 = tpu.memref_squeeze %dma_wait3A_558 : memref<1x128x128xf32, #tpu.memory_space<vmem>> -> memref<128x128xf32, #tpu.memory_space<vmem>>
        %dma_wait3A_560 = tpu.memref_slice %arg10[%mul3A_554] : memref<10000xi32, #tpu.memory_space<vmem>> -> memref<128xi32, #tpu.memory_space<vmem>>
        %dma_wait3A_561 = arith.constant 0 : i32
        %dma_wait3A_562 = arith.constant 0 : i32
        %dma_wait3A_563 = tpu.memref_slice %arg2[%dma_wait3A_561, %dma_wait3A_562] : memref<10000x128xf32, #tpu.memory_space<hbm>> -> memref<10000x128xf32, #tpu.memory_space<hbm>>
        tpu.wait_indirect_dma semaphore(%arg19 : memref<!tpu.dma_semaphore, #tpu.memory_space<semaphore_mem>>) src(%dma_wait3A_563 : memref<10000x128xf32, #tpu.memory_space<hbm>>) dst(%dma_wait3A_559 : memref<128x128xf32, #tpu.memory_space<vmem>>)
        %dma_start3A_564 = arith.constant 1 : i32
        %dma_start3A_565 = arith.constant 0 : i32
        %dma_start3A_566 = arith.constant 0 : i32
        %dma_start3A_567 = tpu.memref_slice %arg16[%dma_start3A_564, %dma_start3A_565, %dma_start3A_566] : memref<2x128x128xf32, #tpu.memory_space<vmem>> -> memref<1x128x128xf32, #tpu.memory_space<vmem>>
        %dma_start3A_568 = tpu.memref_squeeze %dma_start3A_567 : memref<1x128x128xf32, #tpu.memory_space<vmem>> -> memref<128x128xf32, #tpu.memory_space<vmem>>
        %dma_start3A_569 = arith.constant 0 : i32
        %dma_start3A_570 = arith.constant 0 : i32
        %dma_start3A_571 = tpu.memref_slice %arg8[%dma_start3A_569, %dma_start3A_570] : memref<10000x128xf32, #tpu.memory_space<vmem_shared>> -> memref<10000x128xf32, #tpu.memory_space<vmem_shared>>
        tpu.enqueue_indirect_dma source(%dma_start3A_568 : memref<128x128xf32, #tpu.memory_space<vmem>>) target(%dma_start3A_571 : memref<10000x128xf32, #tpu.memory_space<vmem_shared>>) offsets(%arg12 : memref<128xi32, #tpu.memory_space<vmem>>) semaphore(%arg20 : memref<!tpu.dma_semaphore, #tpu.memory_space<semaphore_mem>>) {add = true}
        %dma_start3A_572 = arith.constant 0 : i32
        %dma_start3A_573 = tpu.memref_slice %arg9[%dma_start3A_572] : memref<10000xf32, #tpu.memory_space<vmem_shared>> -> memref<10000xf32, #tpu.memory_space<vmem_shared>>
        tpu.enqueue_indirect_dma source(%arg17 : memref<128xf32, #tpu.memory_space<vmem>>) target(%dma_start3A_573 : memref<10000xf32, #tpu.memory_space<vmem_shared>>) offsets(%arg12 : memref<128xi32, #tpu.memory_space<vmem>>) semaphore(%arg21 : memref<!tpu.dma_semaphore, #tpu.memory_space<semaphore_mem>>) {add = true}
      } else {
      }
      %ge3A_455 = arith.constant 1 : i32
      %ge3A_456 = arith.cmpi sge, %add3A_434, %ge3A_455 : i32
      %lt3A_457 = arith.constant 79 : i32
      %lt3A_458 = arith.cmpi slt, %add3A_434, %lt3A_457 : i32
      %and3A_459 = arith.andi %ge3A_456, %lt3A_458 : i1
      %convert_element_type3A_460 = arith.extui %and3A_459 : i1 to i32
      %cond3A_461 = arith.constant 0 : i32
      %cond3A_462 = arith.cmpi ne, %convert_element_type3A_460, %cond3A_461 : i32
      scf.if %cond3A_462 {
        %dma_wait3A_549 = arith.constant 0 : i32
        %dma_wait3A_550 = tpu.memref_slice %arg9[%dma_wait3A_549] : memref<10000xf32, #tpu.memory_space<vmem_shared>> -> memref<10000xf32, #tpu.memory_space<vmem_shared>>
        tpu.wait_indirect_dma semaphore(%arg21 : memref<!tpu.dma_semaphore, #tpu.memory_space<semaphore_mem>>) src(%arg17 : memref<128xf32, #tpu.memory_space<vmem>>) dst(%dma_wait3A_550 : memref<10000xf32, #tpu.memory_space<vmem_shared>>)
      } else {
      }
      %add3A_463 = arith.constant 2 : i32
      %add3A_464 = arith.addi %add3A_434, %add3A_463 : i32
      %lt3A_465 = arith.constant 78 : i32
      %lt3A_466 = arith.cmpi slt, %add3A_464, %lt3A_465 : i32
      %convert_element_type3A_467 = arith.extui %lt3A_466 : i1 to i32
      %cond3A_468 = arith.constant 0 : i32
      %cond3A_469 = arith.cmpi ne, %convert_element_type3A_467, %cond3A_468 : i32
      scf.if %cond3A_469 {
        %add3A_549 = arith.constant 2 : i32
        %add3A_550 = arith.addi %add3A_434, %add3A_549 : i32
        %mul3A_551 = arith.constant 128 : i32
        %mul3A_552 = arith.muli %add3A_550, %mul3A_551 : i32
        %add3A_553 = arith.addi %mul3A_2, %mul3A_552 : i32
        %dma_start3A_554 = tpu.memref_slice %arg4[%add3A_553] : memref<320000xi32, #tpu.memory_space<hbm>> -> memref<128xi32, #tpu.memory_space<hbm>>
        %dma_start3A_555 = tpu.memref_slice %arg4[%add3A_553] : memref<320000xi32, #tpu.memory_space<hbm>> -> memref<128xi32, #tpu.memory_space<hbm>>
        tpu.enqueue_dma source(%dma_start3A_555 : memref<128xi32, #tpu.memory_space<hbm>>) target(%arg14 : memref<128xi32, #tpu.memory_space<vmem>>) target_semaphore(%arg22 : memref<!tpu.dma_semaphore, #tpu.memory_space<semaphore_mem>>)
      } else {
      }
      %mul3A_470 = arith.constant 4 : i32
      %mul3A_471 = arith.muli %scan3A_391, %mul3A_470 : i32
      %add3A_472 = arith.constant 2 : i32
      %add3A_473 = arith.addi %mul3A_471, %add3A_472 : i32
      %ge3A_474 = arith.constant 1 : i32
      %ge3A_475 = arith.cmpi sge, %add3A_473, %ge3A_474 : i32
      %lt3A_476 = arith.constant 79 : i32
      %lt3A_477 = arith.cmpi slt, %add3A_473, %lt3A_476 : i32
      %and3A_478 = arith.andi %ge3A_475, %lt3A_477 : i1
      %convert_element_type3A_479 = arith.extui %and3A_478 : i1 to i32
      %cond3A_480 = arith.constant 0 : i32
      %cond3A_481 = arith.cmpi ne, %convert_element_type3A_479, %cond3A_480 : i32
      scf.if %cond3A_481 {
        %dma_wait3A_549 = arith.constant 1 : i32
        %dma_wait3A_550 = arith.constant 0 : i32
        %dma_wait3A_551 = arith.constant 0 : i32
        %dma_wait3A_552 = tpu.memref_slice %arg16[%dma_wait3A_549, %dma_wait3A_550, %dma_wait3A_551] : memref<2x128x128xf32, #tpu.memory_space<vmem>> -> memref<1x128x128xf32, #tpu.memory_space<vmem>>
        %dma_wait3A_553 = tpu.memref_squeeze %dma_wait3A_552 : memref<1x128x128xf32, #tpu.memory_space<vmem>> -> memref<128x128xf32, #tpu.memory_space<vmem>>
        %dma_wait3A_554 = arith.constant 0 : i32
        %dma_wait3A_555 = arith.constant 0 : i32
        %dma_wait3A_556 = tpu.memref_slice %arg8[%dma_wait3A_554, %dma_wait3A_555] : memref<10000x128xf32, #tpu.memory_space<vmem_shared>> -> memref<10000x128xf32, #tpu.memory_space<vmem_shared>>
        tpu.wait_indirect_dma semaphore(%arg20 : memref<!tpu.dma_semaphore, #tpu.memory_space<semaphore_mem>>) src(%dma_wait3A_553 : memref<128x128xf32, #tpu.memory_space<vmem>>) dst(%dma_wait3A_556 : memref<10000x128xf32, #tpu.memory_space<vmem_shared>>)
      } else {
      }
      %add3A_482 = arith.constant 1 : i32
      %add3A_483 = arith.addi %add3A_473, %add3A_482 : i32
      %lt3A_484 = arith.constant 78 : i32
      %lt3A_485 = arith.cmpi slt, %add3A_483, %lt3A_484 : i32
      %convert_element_type3A_486 = arith.extui %lt3A_485 : i1 to i32
      %cond3A_487 = arith.constant 0 : i32
      %cond3A_488 = arith.cmpi ne, %convert_element_type3A_486, %cond3A_487 : i32
      scf.if %cond3A_488 {
        %add3A_549 = arith.constant 1 : i32
        %add3A_550 = arith.addi %add3A_473, %add3A_549 : i32
        %mul3A_551 = arith.constant 128 : i32
        %mul3A_552 = arith.muli %add3A_550, %mul3A_551 : i32
        %dma_start3A_553 = arith.constant 1 : i32
        %dma_start3A_554 = arith.constant 0 : i32
        %dma_start3A_555 = arith.constant 0 : i32
        %dma_start3A_556 = tpu.memref_slice %arg16[%dma_start3A_553, %dma_start3A_554, %dma_start3A_555] : memref<2x128x128xf32, #tpu.memory_space<vmem>> -> memref<1x128x128xf32, #tpu.memory_space<vmem>>
        %dma_start3A_557 = tpu.memref_squeeze %dma_start3A_556 : memref<1x128x128xf32, #tpu.memory_space<vmem>> -> memref<128x128xf32, #tpu.memory_space<vmem>>
        %dma_start3A_558 = tpu.memref_slice %arg10[%mul3A_552] : memref<10000xi32, #tpu.memory_space<vmem>> -> memref<128xi32, #tpu.memory_space<vmem>>
        %dma_start3A_559 = arith.constant 0 : i32
        %dma_start3A_560 = arith.constant 0 : i32
        %dma_start3A_561 = tpu.memref_slice %arg2[%dma_start3A_559, %dma_start3A_560] : memref<10000x128xf32, #tpu.memory_space<hbm>> -> memref<10000x128xf32, #tpu.memory_space<hbm>>
        tpu.enqueue_indirect_dma source(%dma_start3A_561 : memref<10000x128xf32, #tpu.memory_space<hbm>>) target(%dma_start3A_557 : memref<128x128xf32, #tpu.memory_space<vmem>>) offsets(%dma_start3A_558 : memref<128xi32, #tpu.memory_space<vmem>>) semaphore(%arg19 : memref<!tpu.dma_semaphore, #tpu.memory_space<semaphore_mem>>)
      } else {
      }
      %lt3A_489 = arith.constant 78 : i32
      %lt3A_490 = arith.cmpi slt, %add3A_473, %lt3A_489 : i32
      %convert_element_type3A_491 = arith.extui %lt3A_490 : i1 to i32
      %cond3A_492 = arith.constant 0 : i32
      %cond3A_493 = arith.cmpi ne, %convert_element_type3A_491, %cond3A_492 : i32
      scf.if %cond3A_493 {
        %dma_wait3A_549 = arith.constant 0 : i32
        %dma_wait3A_550 = tpu.memref_slice %arg4[%dma_wait3A_549] : memref<320000xi32, #tpu.memory_space<hbm>> -> memref<128xi32, #tpu.memory_space<hbm>>
        %dma_wait3A_551 = arith.constant 0 : i32
        %dma_wait3A_552 = tpu.memref_slice %arg4[%dma_wait3A_551] : memref<320000xi32, #tpu.memory_space<hbm>> -> memref<128xi32, #tpu.memory_space<hbm>>
        tpu.wait_dma2 semaphore(%arg22 : memref<!tpu.dma_semaphore, #tpu.memory_space<semaphore_mem>>) src(%dma_wait3A_552 : memref<128xi32, #tpu.memory_space<hbm>>) dst(%arg13 : memref<128xi32, #tpu.memory_space<vmem>>)
        %mul3A_553 = arith.constant 128 : i32
        %mul3A_554 = arith.muli %add3A_473, %mul3A_553 : i32
        %dma_wait3A_555 = arith.constant 0 : i32
        %dma_wait3A_556 = arith.constant 0 : i32
        %dma_wait3A_557 = arith.constant 0 : i32
        %dma_wait3A_558 = tpu.memref_slice %arg16[%dma_wait3A_555, %dma_wait3A_556, %dma_wait3A_557] : memref<2x128x128xf32, #tpu.memory_space<vmem>> -> memref<1x128x128xf32, #tpu.memory_space<vmem>>
        %dma_wait3A_559 = tpu.memref_squeeze %dma_wait3A_558 : memref<1x128x128xf32, #tpu.memory_space<vmem>> -> memref<128x128xf32, #tpu.memory_space<vmem>>
        %dma_wait3A_560 = tpu.memref_slice %arg10[%mul3A_554] : memref<10000xi32, #tpu.memory_space<vmem>> -> memref<128xi32, #tpu.memory_space<vmem>>
        %dma_wait3A_561 = arith.constant 0 : i32
        %dma_wait3A_562 = arith.constant 0 : i32
        %dma_wait3A_563 = tpu.memref_slice %arg2[%dma_wait3A_561, %dma_wait3A_562] : memref<10000x128xf32, #tpu.memory_space<hbm>> -> memref<10000x128xf32, #tpu.memory_space<hbm>>
        tpu.wait_indirect_dma semaphore(%arg19 : memref<!tpu.dma_semaphore, #tpu.memory_space<semaphore_mem>>) src(%dma_wait3A_563 : memref<10000x128xf32, #tpu.memory_space<hbm>>) dst(%dma_wait3A_559 : memref<128x128xf32, #tpu.memory_space<vmem>>)
        %dma_start3A_564 = arith.constant 0 : i32
        %dma_start3A_565 = arith.constant 0 : i32
        %dma_start3A_566 = arith.constant 0 : i32
        %dma_start3A_567 = tpu.memref_slice %arg16[%dma_start3A_564, %dma_start3A_565, %dma_start3A_566] : memref<2x128x128xf32, #tpu.memory_space<vmem>> -> memref<1x128x128xf32, #tpu.memory_space<vmem>>
        %dma_start3A_568 = tpu.memref_squeeze %dma_start3A_567 : memref<1x128x128xf32, #tpu.memory_space<vmem>> -> memref<128x128xf32, #tpu.memory_space<vmem>>
        %dma_start3A_569 = arith.constant 0 : i32
        %dma_start3A_570 = arith.constant 0 : i32
        %dma_start3A_571 = tpu.memref_slice %arg8[%dma_start3A_569, %dma_start3A_570] : memref<10000x128xf32, #tpu.memory_space<vmem_shared>> -> memref<10000x128xf32, #tpu.memory_space<vmem_shared>>
        tpu.enqueue_indirect_dma source(%dma_start3A_568 : memref<128x128xf32, #tpu.memory_space<vmem>>) target(%dma_start3A_571 : memref<10000x128xf32, #tpu.memory_space<vmem_shared>>) offsets(%arg13 : memref<128xi32, #tpu.memory_space<vmem>>) semaphore(%arg20 : memref<!tpu.dma_semaphore, #tpu.memory_space<semaphore_mem>>) {add = true}
        %dma_start3A_572 = arith.constant 0 : i32
        %dma_start3A_573 = tpu.memref_slice %arg9[%dma_start3A_572] : memref<10000xf32, #tpu.memory_space<vmem_shared>> -> memref<10000xf32, #tpu.memory_space<vmem_shared>>
        tpu.enqueue_indirect_dma source(%arg17 : memref<128xf32, #tpu.memory_space<vmem>>) target(%dma_start3A_573 : memref<10000xf32, #tpu.memory_space<vmem_shared>>) offsets(%arg13 : memref<128xi32, #tpu.memory_space<vmem>>) semaphore(%arg21 : memref<!tpu.dma_semaphore, #tpu.memory_space<semaphore_mem>>) {add = true}
      } else {
      }
      %ge3A_494 = arith.constant 1 : i32
      %ge3A_495 = arith.cmpi sge, %add3A_473, %ge3A_494 : i32
      %lt3A_496 = arith.constant 79 : i32
      %lt3A_497 = arith.cmpi slt, %add3A_473, %lt3A_496 : i32
      %and3A_498 = arith.andi %ge3A_495, %lt3A_497 : i1
      %convert_element_type3A_499 = arith.extui %and3A_498 : i1 to i32
      %cond3A_500 = arith.constant 0 : i32
      %cond3A_501 = arith.cmpi ne, %convert_element_type3A_499, %cond3A_500 : i32
      scf.if %cond3A_501 {
        %dma_wait3A_549 = arith.constant 0 : i32
        %dma_wait3A_550 = tpu.memref_slice %arg9[%dma_wait3A_549] : memref<10000xf32, #tpu.memory_space<vmem_shared>> -> memref<10000xf32, #tpu.memory_space<vmem_shared>>
        tpu.wait_indirect_dma semaphore(%arg21 : memref<!tpu.dma_semaphore, #tpu.memory_space<semaphore_mem>>) src(%arg17 : memref<128xf32, #tpu.memory_space<vmem>>) dst(%dma_wait3A_550 : memref<10000xf32, #tpu.memory_space<vmem_shared>>)
      } else {
      }
      %add3A_502 = arith.constant 2 : i32
      %add3A_503 = arith.addi %add3A_473, %add3A_502 : i32
      %lt3A_504 = arith.constant 78 : i32
      %lt3A_505 = arith.cmpi slt, %add3A_503, %lt3A_504 : i32
      %convert_element_type3A_506 = arith.extui %lt3A_505 : i1 to i32
      %cond3A_507 = arith.constant 0 : i32
      %cond3A_508 = arith.cmpi ne, %convert_element_type3A_506, %cond3A_507 : i32
      scf.if %cond3A_508 {
        %add3A_549 = arith.constant 2 : i32
        %add3A_550 = arith.addi %add3A_473, %add3A_549 : i32
        %mul3A_551 = arith.constant 128 : i32
        %mul3A_552 = arith.muli %add3A_550, %mul3A_551 : i32
        %add3A_553 = arith.addi %mul3A_2, %mul3A_552 : i32
        %dma_start3A_554 = tpu.memref_slice %arg4[%add3A_553] : memref<320000xi32, #tpu.memory_space<hbm>> -> memref<128xi32, #tpu.memory_space<hbm>>
        %dma_start3A_555 = tpu.memref_slice %arg4[%add3A_553] : memref<320000xi32, #tpu.memory_space<hbm>> -> memref<128xi32, #tpu.memory_space<hbm>>
        tpu.enqueue_dma source(%dma_start3A_555 : memref<128xi32, #tpu.memory_space<hbm>>) target(%arg11 : memref<128xi32, #tpu.memory_space<vmem>>) target_semaphore(%arg22 : memref<!tpu.dma_semaphore, #tpu.memory_space<semaphore_mem>>)
      } else {
      }
      %mul3A_509 = arith.constant 4 : i32
      %mul3A_510 = arith.muli %scan3A_391, %mul3A_509 : i32
      %add3A_511 = arith.constant 3 : i32
      %add3A_512 = arith.addi %mul3A_510, %add3A_511 : i32
      %ge3A_513 = arith.constant 1 : i32
      %ge3A_514 = arith.cmpi sge, %add3A_512, %ge3A_513 : i32
      %lt3A_515 = arith.constant 79 : i32
      %lt3A_516 = arith.cmpi slt, %add3A_512, %lt3A_515 : i32
      %and3A_517 = arith.andi %ge3A_514, %lt3A_516 : i1
      %convert_element_type3A_518 = arith.extui %and3A_517 : i1 to i32
      %cond3A_519 = arith.constant 0 : i32
      %cond3A_520 = arith.cmpi ne, %convert_element_type3A_518, %cond3A_519 : i32
      scf.if %cond3A_520 {
        %dma_wait3A_549 = arith.constant 0 : i32
        %dma_wait3A_550 = arith.constant 0 : i32
        %dma_wait3A_551 = arith.constant 0 : i32
        %dma_wait3A_552 = tpu.memref_slice %arg16[%dma_wait3A_549, %dma_wait3A_550, %dma_wait3A_551] : memref<2x128x128xf32, #tpu.memory_space<vmem>> -> memref<1x128x128xf32, #tpu.memory_space<vmem>>
        %dma_wait3A_553 = tpu.memref_squeeze %dma_wait3A_552 : memref<1x128x128xf32, #tpu.memory_space<vmem>> -> memref<128x128xf32, #tpu.memory_space<vmem>>
        %dma_wait3A_554 = arith.constant 0 : i32
        %dma_wait3A_555 = arith.constant 0 : i32
        %dma_wait3A_556 = tpu.memref_slice %arg8[%dma_wait3A_554, %dma_wait3A_555] : memref<10000x128xf32, #tpu.memory_space<vmem_shared>> -> memref<10000x128xf32, #tpu.memory_space<vmem_shared>>
        tpu.wait_indirect_dma semaphore(%arg20 : memref<!tpu.dma_semaphore, #tpu.memory_space<semaphore_mem>>) src(%dma_wait3A_553 : memref<128x128xf32, #tpu.memory_space<vmem>>) dst(%dma_wait3A_556 : memref<10000x128xf32, #tpu.memory_space<vmem_shared>>)
      } else {
      }
      %add3A_521 = arith.constant 1 : i32
      %add3A_522 = arith.addi %add3A_512, %add3A_521 : i32
      %lt3A_523 = arith.constant 78 : i32
      %lt3A_524 = arith.cmpi slt, %add3A_522, %lt3A_523 : i32
      %convert_element_type3A_525 = arith.extui %lt3A_524 : i1 to i32
      %cond3A_526 = arith.constant 0 : i32
      %cond3A_527 = arith.cmpi ne, %convert_element_type3A_525, %cond3A_526 : i32
      scf.if %cond3A_527 {
        %add3A_549 = arith.constant 1 : i32
        %add3A_550 = arith.addi %add3A_512, %add3A_549 : i32
        %mul3A_551 = arith.constant 128 : i32
        %mul3A_552 = arith.muli %add3A_550, %mul3A_551 : i32
        %dma_start3A_553 = arith.constant 0 : i32
        %dma_start3A_554 = arith.constant 0 : i32
        %dma_start3A_555 = arith.constant 0 : i32
        %dma_start3A_556 = tpu.memref_slice %arg16[%dma_start3A_553, %dma_start3A_554, %dma_start3A_555] : memref<2x128x128xf32, #tpu.memory_space<vmem>> -> memref<1x128x128xf32, #tpu.memory_space<vmem>>
        %dma_start3A_557 = tpu.memref_squeeze %dma_start3A_556 : memref<1x128x128xf32, #tpu.memory_space<vmem>> -> memref<128x128xf32, #tpu.memory_space<vmem>>
        %dma_start3A_558 = tpu.memref_slice %arg10[%mul3A_552] : memref<10000xi32, #tpu.memory_space<vmem>> -> memref<128xi32, #tpu.memory_space<vmem>>
        %dma_start3A_559 = arith.constant 0 : i32
        %dma_start3A_560 = arith.constant 0 : i32
        %dma_start3A_561 = tpu.memref_slice %arg2[%dma_start3A_559, %dma_start3A_560] : memref<10000x128xf32, #tpu.memory_space<hbm>> -> memref<10000x128xf32, #tpu.memory_space<hbm>>
        tpu.enqueue_indirect_dma source(%dma_start3A_561 : memref<10000x128xf32, #tpu.memory_space<hbm>>) target(%dma_start3A_557 : memref<128x128xf32, #tpu.memory_space<vmem>>) offsets(%dma_start3A_558 : memref<128xi32, #tpu.memory_space<vmem>>) semaphore(%arg19 : memref<!tpu.dma_semaphore, #tpu.memory_space<semaphore_mem>>)
      } else {
      }
      %lt3A_528 = arith.constant 78 : i32
      %lt3A_529 = arith.cmpi slt, %add3A_512, %lt3A_528 : i32
      %convert_element_type3A_530 = arith.extui %lt3A_529 : i1 to i32
      %cond3A_531 = arith.constant 0 : i32
      %cond3A_532 = arith.cmpi ne, %convert_element_type3A_530, %cond3A_531 : i32
      scf.if %cond3A_532 {
        %dma_wait3A_549 = arith.constant 0 : i32
        %dma_wait3A_550 = tpu.memref_slice %arg4[%dma_wait3A_549] : memref<320000xi32, #tpu.memory_space<hbm>> -> memref<128xi32, #tpu.memory_space<hbm>>
        %dma_wait3A_551 = arith.constant 0 : i32
        %dma_wait3A_552 = tpu.memref_slice %arg4[%dma_wait3A_551] : memref<320000xi32, #tpu.memory_space<hbm>> -> memref<128xi32, #tpu.memory_space<hbm>>
        tpu.wait_dma2 semaphore(%arg22 : memref<!tpu.dma_semaphore, #tpu.memory_space<semaphore_mem>>) src(%dma_wait3A_552 : memref<128xi32, #tpu.memory_space<hbm>>) dst(%arg14 : memref<128xi32, #tpu.memory_space<vmem>>)
        %mul3A_553 = arith.constant 128 : i32
        %mul3A_554 = arith.muli %add3A_512, %mul3A_553 : i32
        %dma_wait3A_555 = arith.constant 1 : i32
        %dma_wait3A_556 = arith.constant 0 : i32
        %dma_wait3A_557 = arith.constant 0 : i32
        %dma_wait3A_558 = tpu.memref_slice %arg16[%dma_wait3A_555, %dma_wait3A_556, %dma_wait3A_557] : memref<2x128x128xf32, #tpu.memory_space<vmem>> -> memref<1x128x128xf32, #tpu.memory_space<vmem>>
        %dma_wait3A_559 = tpu.memref_squeeze %dma_wait3A_558 : memref<1x128x128xf32, #tpu.memory_space<vmem>> -> memref<128x128xf32, #tpu.memory_space<vmem>>
        %dma_wait3A_560 = tpu.memref_slice %arg10[%mul3A_554] : memref<10000xi32, #tpu.memory_space<vmem>> -> memref<128xi32, #tpu.memory_space<vmem>>
        %dma_wait3A_561 = arith.constant 0 : i32
        %dma_wait3A_562 = arith.constant 0 : i32
        %dma_wait3A_563 = tpu.memref_slice %arg2[%dma_wait3A_561, %dma_wait3A_562] : memref<10000x128xf32, #tpu.memory_space<hbm>> -> memref<10000x128xf32, #tpu.memory_space<hbm>>
        tpu.wait_indirect_dma semaphore(%arg19 : memref<!tpu.dma_semaphore, #tpu.memory_space<semaphore_mem>>) src(%dma_wait3A_563 : memref<10000x128xf32, #tpu.memory_space<hbm>>) dst(%dma_wait3A_559 : memref<128x128xf32, #tpu.memory_space<vmem>>)
        %dma_start3A_564 = arith.constant 1 : i32
        %dma_start3A_565 = arith.constant 0 : i32
        %dma_start3A_566 = arith.constant 0 : i32
        %dma_start3A_567 = tpu.memref_slice %arg16[%dma_start3A_564, %dma_start3A_565, %dma_start3A_566] : memref<2x128x128xf32, #tpu.memory_space<vmem>> -> memref<1x128x128xf32, #tpu.memory_space<vmem>>
        %dma_start3A_568 = tpu.memref_squeeze %dma_start3A_567 : memref<1x128x128xf32, #tpu.memory_space<vmem>> -> memref<128x128xf32, #tpu.memory_space<vmem>>
        %dma_start3A_569 = arith.constant 0 : i32
        %dma_start3A_570 = arith.constant 0 : i32
        %dma_start3A_571 = tpu.memref_slice %arg8[%dma_start3A_569, %dma_start3A_570] : memref<10000x128xf32, #tpu.memory_space<vmem_shared>> -> memref<10000x128xf32, #tpu.memory_space<vmem_shared>>
        tpu.enqueue_indirect_dma source(%dma_start3A_568 : memref<128x128xf32, #tpu.memory_space<vmem>>) target(%dma_start3A_571 : memref<10000x128xf32, #tpu.memory_space<vmem_shared>>) offsets(%arg14 : memref<128xi32, #tpu.memory_space<vmem>>) semaphore(%arg20 : memref<!tpu.dma_semaphore, #tpu.memory_space<semaphore_mem>>) {add = true}
        %dma_start3A_572 = arith.constant 0 : i32
        %dma_start3A_573 = tpu.memref_slice %arg9[%dma_start3A_572] : memref<10000xf32, #tpu.memory_space<vmem_shared>> -> memref<10000xf32, #tpu.memory_space<vmem_shared>>
        tpu.enqueue_indirect_dma source(%arg17 : memref<128xf32, #tpu.memory_space<vmem>>) target(%dma_start3A_573 : memref<10000xf32, #tpu.memory_space<vmem_shared>>) offsets(%arg14 : memref<128xi32, #tpu.memory_space<vmem>>) semaphore(%arg21 : memref<!tpu.dma_semaphore, #tpu.memory_space<semaphore_mem>>) {add = true}
      } else {
      }
      %ge3A_533 = arith.constant 1 : i32
      %ge3A_534 = arith.cmpi sge, %add3A_512, %ge3A_533 : i32
      %lt3A_535 = arith.constant 79 : i32
      %lt3A_536 = arith.cmpi slt, %add3A_512, %lt3A_535 : i32
      %and3A_537 = arith.andi %ge3A_534, %lt3A_536 : i1
      %convert_element_type3A_538 = arith.extui %and3A_537 : i1 to i32
      %cond3A_539 = arith.constant 0 : i32
      %cond3A_540 = arith.cmpi ne, %convert_element_type3A_538, %cond3A_539 : i32
      scf.if %cond3A_540 {
        %dma_wait3A_549 = arith.constant 0 : i32
        %dma_wait3A_550 = tpu.memref_slice %arg9[%dma_wait3A_549] : memref<10000xf32, #tpu.memory_space<vmem_shared>> -> memref<10000xf32, #tpu.memory_space<vmem_shared>>
        tpu.wait_indirect_dma semaphore(%arg21 : memref<!tpu.dma_semaphore, #tpu.memory_space<semaphore_mem>>) src(%arg17 : memref<128xf32, #tpu.memory_space<vmem>>) dst(%dma_wait3A_550 : memref<10000xf32, #tpu.memory_space<vmem_shared>>)
      } else {
      }
      %add3A_541 = arith.constant 2 : i32
      %add3A_542 = arith.addi %add3A_512, %add3A_541 : i32
      %lt3A_543 = arith.constant 78 : i32
      %lt3A_544 = arith.cmpi slt, %add3A_542, %lt3A_543 : i32
      %convert_element_type3A_545 = arith.extui %lt3A_544 : i1 to i32
      %cond3A_546 = arith.constant 0 : i32
      %cond3A_547 = arith.cmpi ne, %convert_element_type3A_545, %cond3A_546 : i32
      scf.if %cond3A_547 {
        %add3A_549 = arith.constant 2 : i32
        %add3A_550 = arith.addi %add3A_512, %add3A_549 : i32
        %mul3A_551 = arith.constant 128 : i32
        %mul3A_552 = arith.muli %add3A_550, %mul3A_551 : i32
        %add3A_553 = arith.addi %mul3A_2, %mul3A_552 : i32
        %dma_start3A_554 = tpu.memref_slice %arg4[%add3A_553] : memref<320000xi32, #tpu.memory_space<hbm>> -> memref<128xi32, #tpu.memory_space<hbm>>
        %dma_start3A_555 = tpu.memref_slice %arg4[%add3A_553] : memref<320000xi32, #tpu.memory_space<hbm>> -> memref<128xi32, #tpu.memory_space<hbm>>
        tpu.enqueue_dma source(%dma_start3A_555 : memref<128xi32, #tpu.memory_space<hbm>>) target(%arg12 : memref<128xi32, #tpu.memory_space<vmem>>) target_semaphore(%arg22 : memref<!tpu.dma_semaphore, #tpu.memory_space<semaphore_mem>>)
      } else {
      }
      %scan3A_548 = arith.constant 0 : i32
      scf.yield %scan3A_548 : i32
    }
    %scan3A_332 = arith.constant 21 : i32
    %add3A_333 = arith.constant 9984 : i32
    %add3A_334 = arith.addi %mul3A_2, %add3A_333 : i32
    "tpu.region"() ({
      %run_scoped3A_391 = tpu.sem_alloc : memref<!tpu.dma_semaphore, #tpu.memory_space<semaphore_mem>>
      %dma_start3A_392 = tpu.memref_slice %arg4[%add3A_334] : memref<320000xi32, #tpu.memory_space<hbm>> -> memref<16xi32, #tpu.memory_space<hbm>>
      %dma_start3A_393 = tpu.memref_slice %arg4[%add3A_334] : memref<320000xi32, #tpu.memory_space<hbm>> -> memref<16xi32, #tpu.memory_space<hbm>>
      tpu.enqueue_dma source(%dma_start3A_393 : memref<16xi32, #tpu.memory_space<hbm>>) target(%arg15 : memref<16xi32, #tpu.memory_space<vmem>>) target_semaphore(%run_scoped3A_391 : memref<!tpu.dma_semaphore, #tpu.memory_space<semaphore_mem>>)
      %dma_wait3A_394 = tpu.memref_slice %arg4[%add3A_334] : memref<320000xi32, #tpu.memory_space<hbm>> -> memref<16xi32, #tpu.memory_space<hbm>>
      %dma_wait3A_395 = tpu.memref_slice %arg4[%add3A_334] : memref<320000xi32, #tpu.memory_space<hbm>> -> memref<16xi32, #tpu.memory_space<hbm>>
      tpu.wait_dma2 semaphore(%run_scoped3A_391 : memref<!tpu.dma_semaphore, #tpu.memory_space<semaphore_mem>>) src(%dma_wait3A_395 : memref<16xi32, #tpu.memory_space<hbm>>) dst(%arg15 : memref<16xi32, #tpu.memory_space<vmem>>)
      tpu.yield
    }) : () -> ()
    %dma_start3A_335 = arith.constant 0 : i32
    %dma_start3A_336 = arith.constant 0 : i32
    %dma_start3A_337 = arith.constant 0 : i32
    %dma_start3A_338 = tpu.memref_slice %arg16[%dma_start3A_335, %dma_start3A_336, %dma_start3A_337] : memref<2x128x128xf32, #tpu.memory_space<vmem>> -> memref<1x128x128xf32, #tpu.memory_space<vmem>>
    %dma_start3A_339 = tpu.memref_squeeze %dma_start3A_338 : memref<1x128x128xf32, #tpu.memory_space<vmem>> -> memref<128x128xf32, #tpu.memory_space<vmem>>
    %dma_start3A_340 = arith.constant 0 : i32
    %dma_start3A_341 = arith.constant 0 : i32
    %dma_start3A_342 = tpu.memref_slice %dma_start3A_339[%dma_start3A_340, %dma_start3A_341] : memref<128x128xf32, #tpu.memory_space<vmem>> -> memref<16x128xf32, #tpu.memory_space<vmem>>
    %dma_start3A_343 = arith.constant 9984 : i32
    %dma_start3A_344 = tpu.memref_slice %arg10[%dma_start3A_343] : memref<10000xi32, #tpu.memory_space<vmem>> -> memref<16xi32, #tpu.memory_space<vmem>>
    %dma_start3A_345 = arith.constant 0 : i32
    %dma_start3A_346 = arith.constant 0 : i32
    %dma_start3A_347 = tpu.memref_slice %arg2[%dma_start3A_345, %dma_start3A_346] : memref<10000x128xf32, #tpu.memory_space<hbm>> -> memref<10000x128xf32, #tpu.memory_space<hbm>>
    tpu.enqueue_indirect_dma source(%dma_start3A_347 : memref<10000x128xf32, #tpu.memory_space<hbm>>) target(%dma_start3A_342 : memref<16x128xf32, #tpu.memory_space<vmem>>) offsets(%dma_start3A_344 : memref<16xi32, #tpu.memory_space<vmem>>) semaphore(%arg19 : memref<!tpu.dma_semaphore, #tpu.memory_space<semaphore_mem>>)
    %dma_wait3A_348 = arith.constant 0 : i32
    %dma_wait3A_349 = arith.constant 0 : i32
    %dma_wait3A_350 = arith.constant 0 : i32
    %dma_wait3A_351 = tpu.memref_slice %arg16[%dma_wait3A_348, %dma_wait3A_349, %dma_wait3A_350] : memref<2x128x128xf32, #tpu.memory_space<vmem>> -> memref<1x128x128xf32, #tpu.memory_space<vmem>>
    %dma_wait3A_352 = tpu.memref_squeeze %dma_wait3A_351 : memref<1x128x128xf32, #tpu.memory_space<vmem>> -> memref<128x128xf32, #tpu.memory_space<vmem>>
    %dma_wait3A_353 = arith.constant 0 : i32
    %dma_wait3A_354 = arith.constant 0 : i32
    %dma_wait3A_355 = tpu.memref_slice %dma_wait3A_352[%dma_wait3A_353, %dma_wait3A_354] : memref<128x128xf32, #tpu.memory_space<vmem>> -> memref<16x128xf32, #tpu.memory_space<vmem>>
    %dma_wait3A_356 = arith.constant 9984 : i32
    %dma_wait3A_357 = tpu.memref_slice %arg10[%dma_wait3A_356] : memref<10000xi32, #tpu.memory_space<vmem>> -> memref<16xi32, #tpu.memory_space<vmem>>
    %dma_wait3A_358 = arith.constant 0 : i32
    %dma_wait3A_359 = arith.constant 0 : i32
    %dma_wait3A_360 = tpu.memref_slice %arg2[%dma_wait3A_358, %dma_wait3A_359] : memref<10000x128xf32, #tpu.memory_space<hbm>> -> memref<10000x128xf32, #tpu.memory_space<hbm>>
    tpu.wait_indirect_dma semaphore(%arg19 : memref<!tpu.dma_semaphore, #tpu.memory_space<semaphore_mem>>) src(%dma_wait3A_360 : memref<10000x128xf32, #tpu.memory_space<hbm>>) dst(%dma_wait3A_355 : memref<16x128xf32, #tpu.memory_space<vmem>>)
    %run_scoped3A = arith.constant 0 : i32
    "tpu.region"() ({
      %run_scoped3A_391 = tpu.sem_alloc : memref<!tpu.dma_semaphore, #tpu.memory_space<semaphore_mem>>
      %dma_start3A_392 = arith.constant 0 : i32
      %dma_start3A_393 = arith.constant 0 : i32
      %dma_start3A_394 = tpu.memref_slice %arg16[%run_scoped3A, %dma_start3A_392, %dma_start3A_393] : memref<2x128x128xf32, #tpu.memory_space<vmem>> -> memref<1x128x128xf32, #tpu.memory_space<vmem>>
      %dma_start3A_395 = tpu.memref_squeeze %dma_start3A_394 : memref<1x128x128xf32, #tpu.memory_space<vmem>> -> memref<128x128xf32, #tpu.memory_space<vmem>>
      %dma_start3A_396 = arith.constant 0 : i32
      %dma_start3A_397 = arith.constant 0 : i32
      %dma_start3A_398 = tpu.memref_slice %dma_start3A_395[%dma_start3A_396, %dma_start3A_397] : memref<128x128xf32, #tpu.memory_space<vmem>> -> memref<16x128xf32, #tpu.memory_space<vmem>>
      %dma_start3A_399 = arith.constant 0 : i32
      %dma_start3A_400 = arith.constant 0 : i32
      %dma_start3A_401 = tpu.memref_slice %arg8[%dma_start3A_399, %dma_start3A_400] : memref<10000x128xf32, #tpu.memory_space<vmem_shared>> -> memref<10000x128xf32, #tpu.memory_space<vmem_shared>>
      tpu.enqueue_indirect_dma source(%dma_start3A_398 : memref<16x128xf32, #tpu.memory_space<vmem>>) target(%dma_start3A_401 : memref<10000x128xf32, #tpu.memory_space<vmem_shared>>) offsets(%arg15 : memref<16xi32, #tpu.memory_space<vmem>>) semaphore(%run_scoped3A_391 : memref<!tpu.dma_semaphore, #tpu.memory_space<semaphore_mem>>) {add = true}
      %dma_wait3A_402 = arith.constant 0 : i32
      %dma_wait3A_403 = arith.constant 0 : i32
      %dma_wait3A_404 = tpu.memref_slice %arg16[%run_scoped3A, %dma_wait3A_402, %dma_wait3A_403] : memref<2x128x128xf32, #tpu.memory_space<vmem>> -> memref<1x128x128xf32, #tpu.memory_space<vmem>>
      %dma_wait3A_405 = tpu.memref_squeeze %dma_wait3A_404 : memref<1x128x128xf32, #tpu.memory_space<vmem>> -> memref<128x128xf32, #tpu.memory_space<vmem>>
      %dma_wait3A_406 = arith.constant 0 : i32
      %dma_wait3A_407 = arith.constant 0 : i32
      %dma_wait3A_408 = tpu.memref_slice %dma_wait3A_405[%dma_wait3A_406, %dma_wait3A_407] : memref<128x128xf32, #tpu.memory_space<vmem>> -> memref<16x128xf32, #tpu.memory_space<vmem>>
      %dma_wait3A_409 = arith.constant 0 : i32
      %dma_wait3A_410 = arith.constant 0 : i32
      %dma_wait3A_411 = tpu.memref_slice %arg8[%dma_wait3A_409, %dma_wait3A_410] : memref<10000x128xf32, #tpu.memory_space<vmem_shared>> -> memref<10000x128xf32, #tpu.memory_space<vmem_shared>>
      tpu.wait_indirect_dma semaphore(%run_scoped3A_391 : memref<!tpu.dma_semaphore, #tpu.memory_space<semaphore_mem>>) src(%dma_wait3A_408 : memref<16x128xf32, #tpu.memory_space<vmem>>) dst(%dma_wait3A_411 : memref<10000x128xf32, #tpu.memory_space<vmem_shared>>)
      tpu.yield
    }) : () -> ()
    "tpu.region"() ({
      %run_scoped3A_391 = tpu.sem_alloc : memref<!tpu.dma_semaphore, #tpu.memory_space<semaphore_mem>>
      %dma_start3A_392 = arith.constant 0 : i32
      %dma_start3A_393 = tpu.memref_slice %arg17[%dma_start3A_392] : memref<128xf32, #tpu.memory_space<vmem>> -> memref<16xf32, #tpu.memory_space<vmem>>
      %dma_start3A_394 = arith.constant 0 : i32
      %dma_start3A_395 = tpu.memref_slice %arg9[%dma_start3A_394] : memref<10000xf32, #tpu.memory_space<vmem_shared>> -> memref<10000xf32, #tpu.memory_space<vmem_shared>>
      tpu.enqueue_indirect_dma source(%dma_start3A_393 : memref<16xf32, #tpu.memory_space<vmem>>) target(%dma_start3A_395 : memref<10000xf32, #tpu.memory_space<vmem_shared>>) offsets(%arg15 : memref<16xi32, #tpu.memory_space<vmem>>) semaphore(%run_scoped3A_391 : memref<!tpu.dma_semaphore, #tpu.memory_space<semaphore_mem>>) {add = true}
      %dma_wait3A_396 = arith.constant 0 : i32
      %dma_wait3A_397 = tpu.memref_slice %arg17[%dma_wait3A_396] : memref<128xf32, #tpu.memory_space<vmem>> -> memref<16xf32, #tpu.memory_space<vmem>>
      %dma_wait3A_398 = arith.constant 0 : i32
      %dma_wait3A_399 = tpu.memref_slice %arg9[%dma_wait3A_398] : memref<10000xf32, #tpu.memory_space<vmem_shared>> -> memref<10000xf32, #tpu.memory_space<vmem_shared>>
      tpu.wait_indirect_dma semaphore(%run_scoped3A_391 : memref<!tpu.dma_semaphore, #tpu.memory_space<semaphore_mem>>) src(%dma_wait3A_397 : memref<16xf32, #tpu.memory_space<vmem>>) dst(%dma_wait3A_399 : memref<10000xf32, #tpu.memory_space<vmem_shared>>)
      tpu.yield
    }) : () -> ()
    %barrier3A_361 = arith.constant 0 : index
    tpu.barrier barrier_id(%barrier3A_361)
    %mul3A_362 = arith.constant 624 : i32
    %mul3A_363 = arith.muli %arg1, %mul3A_362 : i32
    %mul3A_364 = arith.constant 624 : i32
    %mul3A_365 = arith.muli %arg1, %mul3A_364 : i32
    "tpu.region"() ({
      %run_scoped3A_391 = tpu.sem_alloc : memref<!tpu.dma_semaphore, #tpu.memory_space<semaphore_mem>>
      %dma_start3A_392 = arith.constant 0 : i32
      %dma_start3A_393 = tpu.memref_slice %arg5[%arg0, %mul3A_365, %dma_start3A_392] : memref<2x10000x128xf32, #tpu.memory_space<hbm>> -> memref<1x624x128xf32, #tpu.memory_space<hbm>>
      %dma_start3A_394 = tpu.memref_squeeze %dma_start3A_393 : memref<1x624x128xf32, #tpu.memory_space<hbm>> -> memref<624x128xf32, #tpu.memory_space<hbm>>
      %dma_start3A_395 = arith.constant 0 : i32
      %dma_start3A_396 = tpu.memref_slice %arg8[%mul3A_363, %dma_start3A_395] : memref<10000x128xf32, #tpu.memory_space<vmem_shared>> -> memref<624x128xf32, #tpu.memory_space<vmem_shared>>
      tpu.enqueue_dma source(%dma_start3A_396 : memref<624x128xf32, #tpu.memory_space<vmem_shared>>) target(%dma_start3A_394 : memref<624x128xf32, #tpu.memory_space<hbm>>) target_semaphore(%run_scoped3A_391 : memref<!tpu.dma_semaphore, #tpu.memory_space<semaphore_mem>>)
      %dma_wait3A_397 = arith.constant 0 : i32
      %dma_wait3A_398 = tpu.memref_slice %arg5[%arg0, %mul3A_365, %dma_wait3A_397] : memref<2x10000x128xf32, #tpu.memory_space<hbm>> -> memref<1x624x128xf32, #tpu.memory_space<hbm>>
      %dma_wait3A_399 = tpu.memref_squeeze %dma_wait3A_398 : memref<1x624x128xf32, #tpu.memory_space<hbm>> -> memref<624x128xf32, #tpu.memory_space<hbm>>
      %dma_wait3A_400 = arith.constant 0 : i32
      %dma_wait3A_401 = tpu.memref_slice %arg8[%mul3A_363, %dma_wait3A_400] : memref<10000x128xf32, #tpu.memory_space<vmem_shared>> -> memref<624x128xf32, #tpu.memory_space<vmem_shared>>
      tpu.wait_dma2 semaphore(%run_scoped3A_391 : memref<!tpu.dma_semaphore, #tpu.memory_space<semaphore_mem>>) src(%dma_wait3A_401 : memref<624x128xf32, #tpu.memory_space<vmem_shared>>) dst(%dma_wait3A_399 : memref<624x128xf32, #tpu.memory_space<hbm>>)
      tpu.yield
    }) : () -> ()
    %eq3A_366 = arith.constant 0 : i32
    %eq3A_367 = arith.cmpi eq, %arg1, %eq3A_366 : i32
    %convert_element_type3A_368 = arith.extui %eq3A_367 : i1 to i32
    %cond3A_369 = arith.constant 0 : i32
    %cond3A_370 = arith.cmpi ne, %convert_element_type3A_368, %cond3A_369 : i32
    scf.if %cond3A_370 {
      "tpu.region"() ({
        %run_scoped3A_391 = tpu.sem_alloc : memref<!tpu.dma_semaphore, #tpu.memory_space<semaphore_mem>>
        %dma_start3A_392 = arith.constant 9984 : i32
        %dma_start3A_393 = arith.constant 0 : i32
        %dma_start3A_394 = tpu.memref_slice %arg5[%arg0, %dma_start3A_392, %dma_start3A_393] : memref<2x10000x128xf32, #tpu.memory_space<hbm>> -> memref<1x16x128xf32, #tpu.memory_space<hbm>>
        %dma_start3A_395 = tpu.memref_squeeze %dma_start3A_394 : memref<1x16x128xf32, #tpu.memory_space<hbm>> -> memref<16x128xf32, #tpu.memory_space<hbm>>
        %dma_start3A_396 = arith.constant 9984 : i32
        %dma_start3A_397 = arith.constant 0 : i32
        %dma_start3A_398 = tpu.memref_slice %arg8[%dma_start3A_396, %dma_start3A_397] : memref<10000x128xf32, #tpu.memory_space<vmem_shared>> -> memref<16x128xf32, #tpu.memory_space<vmem_shared>>
        tpu.enqueue_dma source(%dma_start3A_398 : memref<16x128xf32, #tpu.memory_space<vmem_shared>>) target(%dma_start3A_395 : memref<16x128xf32, #tpu.memory_space<hbm>>) target_semaphore(%run_scoped3A_391 : memref<!tpu.dma_semaphore, #tpu.memory_space<semaphore_mem>>)
        %dma_wait3A_399 = arith.constant 9984 : i32
        %dma_wait3A_400 = arith.constant 0 : i32
        %dma_wait3A_401 = tpu.memref_slice %arg5[%arg0, %dma_wait3A_399, %dma_wait3A_400] : memref<2x10000x128xf32, #tpu.memory_space<hbm>> -> memref<1x16x128xf32, #tpu.memory_space<hbm>>
        %dma_wait3A_402 = tpu.memref_squeeze %dma_wait3A_401 : memref<1x16x128xf32, #tpu.memory_space<hbm>> -> memref<16x128xf32, #tpu.memory_space<hbm>>
        %dma_wait3A_403 = arith.constant 9984 : i32
        %dma_wait3A_404 = arith.constant 0 : i32
        %dma_wait3A_405 = tpu.memref_slice %arg8[%dma_wait3A_403, %dma_wait3A_404] : memref<10000x128xf32, #tpu.memory_space<vmem_shared>> -> memref<16x128xf32, #tpu.memory_space<vmem_shared>>
        tpu.wait_dma2 semaphore(%run_scoped3A_391 : memref<!tpu.dma_semaphore, #tpu.memory_space<semaphore_mem>>) src(%dma_wait3A_405 : memref<16x128xf32, #tpu.memory_space<vmem_shared>>) dst(%dma_wait3A_402 : memref<16x128xf32, #tpu.memory_space<hbm>>)
        tpu.yield
      }) : () -> ()
    } else {
    }
    %lt3A_371 = arith.constant 10 : i32
    %lt3A_372 = arith.cmpi slt, %arg1, %lt3A_371 : i32
    %convert_element_type3A_373 = arith.extui %lt3A_372 : i1 to i32
    %cond3A_374 = arith.constant 0 : i32
    %cond3A_375 = arith.cmpi ne, %convert_element_type3A_373, %cond3A_374 : i32
    scf.if %cond3A_375 {
      %mul3A_391 = arith.constant 1000 : i32
      %mul3A_392 = arith.muli %arg1, %mul3A_391 : i32
      "tpu.region"() ({
        %run_scoped3A_393 = tpu.sem_alloc : memref<!tpu.dma_semaphore, #tpu.memory_space<semaphore_mem>>
        %dma_start3A_394 = arith.constant 0 : i32
        %dma_start3A_395 = tpu.memref_slice %arg18[%dma_start3A_394] : memref<1024xf32, #tpu.memory_space<vmem>> -> memref<1000xf32, #tpu.memory_space<vmem>>
        %dma_start3A_396 = tpu.memref_slice %arg9[%mul3A_392] : memref<10000xf32, #tpu.memory_space<vmem_shared>> -> memref<1000xf32, #tpu.memory_space<vmem_shared>>
        %dma_start3A_397 = arith.constant 0 : i32
        %dma_start3A_398 = tpu.memref_slice %arg18[%dma_start3A_397] : memref<1024xf32, #tpu.memory_space<vmem>> -> memref<1000xf32, #tpu.memory_space<vmem>>
        %dma_start3A_399 = tpu.memref_slice %arg9[%mul3A_392] : memref<10000xf32, #tpu.memory_space<vmem_shared>> -> memref<1000xf32, #tpu.memory_space<vmem_shared>>
        tpu.enqueue_dma source(%dma_start3A_399 : memref<1000xf32, #tpu.memory_space<vmem_shared>>) target(%dma_start3A_398 : memref<1000xf32, #tpu.memory_space<vmem>>) target_semaphore(%run_scoped3A_393 : memref<!tpu.dma_semaphore, #tpu.memory_space<semaphore_mem>>)
        %dma_wait3A_400 = arith.constant 0 : i32
        %dma_wait3A_401 = tpu.memref_slice %arg18[%dma_wait3A_400] : memref<1024xf32, #tpu.memory_space<vmem>> -> memref<1000xf32, #tpu.memory_space<vmem>>
        %dma_wait3A_402 = tpu.memref_slice %arg9[%mul3A_392] : memref<10000xf32, #tpu.memory_space<vmem_shared>> -> memref<1000xf32, #tpu.memory_space<vmem_shared>>
        %dma_wait3A_403 = arith.constant 0 : i32
        %dma_wait3A_404 = tpu.memref_slice %arg18[%dma_wait3A_403] : memref<1024xf32, #tpu.memory_space<vmem>> -> memref<1000xf32, #tpu.memory_space<vmem>>
        %dma_wait3A_405 = tpu.memref_slice %arg9[%mul3A_392] : memref<10000xf32, #tpu.memory_space<vmem_shared>> -> memref<1000xf32, #tpu.memory_space<vmem_shared>>
        tpu.wait_dma2 semaphore(%run_scoped3A_393 : memref<!tpu.dma_semaphore, #tpu.memory_space<semaphore_mem>>) src(%dma_wait3A_405 : memref<1000xf32, #tpu.memory_space<vmem_shared>>) dst(%dma_wait3A_404 : memref<1000xf32, #tpu.memory_space<vmem>>)
        tpu.yield
      }) : () -> ()
    } else {
    }
    %eq3A_376 = arith.constant 0 : i32
    %eq3A_377 = arith.cmpi eq, %arg0, %eq3A_376 : i32
    %lt3A_378 = arith.constant 10 : i32
    %lt3A_379 = arith.cmpi slt, %arg1, %lt3A_378 : i32
    %and3A = arith.andi %eq3A_377, %lt3A_379 : i1
    %convert_element_type3A_380 = arith.extui %and3A : i1 to i32
    %cond3A_381 = arith.constant 0 : i32
    %cond3A_382 = arith.cmpi ne, %convert_element_type3A_380, %cond3A_381 : i32
    scf.if %cond3A_382 {
      %mul3A_391 = arith.constant 1000 : i32
      %mul3A_392 = arith.muli %arg1, %mul3A_391 : i32
      "tpu.region"() ({
        %run_scoped3A_393 = tpu.sem_alloc : memref<!tpu.dma_semaphore, #tpu.memory_space<semaphore_mem>>
        %dma_start3A_394 = arith.constant 0 : i32
        %dma_start3A_395 = tpu.memref_slice %arg18[%dma_start3A_394] : memref<1024xf32, #tpu.memory_space<vmem>> -> memref<1000xf32, #tpu.memory_space<vmem>>
        %dma_start3A_396 = tpu.memref_slice %arg6[%mul3A_392] : memref<10000xf32, #tpu.memory_space<hbm>> -> memref<1000xf32, #tpu.memory_space<hbm>>
        %dma_start3A_397 = tpu.memref_slice %arg6[%mul3A_392] : memref<10000xf32, #tpu.memory_space<hbm>> -> memref<1000xf32, #tpu.memory_space<hbm>>
        %dma_start3A_398 = arith.constant 0 : i32
        %dma_start3A_399 = tpu.memref_slice %arg18[%dma_start3A_398] : memref<1024xf32, #tpu.memory_space<vmem>> -> memref<1000xf32, #tpu.memory_space<vmem>>
        tpu.enqueue_dma source(%dma_start3A_399 : memref<1000xf32, #tpu.memory_space<vmem>>) target(%dma_start3A_397 : memref<1000xf32, #tpu.memory_space<hbm>>) target_semaphore(%run_scoped3A_393 : memref<!tpu.dma_semaphore, #tpu.memory_space<semaphore_mem>>)
        %dma_wait3A_400 = arith.constant 0 : i32
        %dma_wait3A_401 = tpu.memref_slice %arg18[%dma_wait3A_400] : memref<1024xf32, #tpu.memory_space<vmem>> -> memref<1000xf32, #tpu.memory_space<vmem>>
        %dma_wait3A_402 = tpu.memref_slice %arg6[%mul3A_392] : memref<10000xf32, #tpu.memory_space<hbm>> -> memref<1000xf32, #tpu.memory_space<hbm>>
        %dma_wait3A_403 = tpu.memref_slice %arg6[%mul3A_392] : memref<10000xf32, #tpu.memory_space<hbm>> -> memref<1000xf32, #tpu.memory_space<hbm>>
        %dma_wait3A_404 = arith.constant 0 : i32
        %dma_wait3A_405 = tpu.memref_slice %arg18[%dma_wait3A_404] : memref<1024xf32, #tpu.memory_space<vmem>> -> memref<1000xf32, #tpu.memory_space<vmem>>
        tpu.wait_dma2 semaphore(%run_scoped3A_393 : memref<!tpu.dma_semaphore, #tpu.memory_space<semaphore_mem>>) src(%dma_wait3A_405 : memref<1000xf32, #tpu.memory_space<vmem>>) dst(%dma_wait3A_403 : memref<1000xf32, #tpu.memory_space<hbm>>)
        tpu.yield
      }) : () -> ()
    } else {
    }
    %eq3A_383 = arith.constant 1 : i32
    %eq3A_384 = arith.cmpi eq, %arg0, %eq3A_383 : i32
    %lt3A_385 = arith.constant 10 : i32
    %lt3A_386 = arith.cmpi slt, %arg1, %lt3A_385 : i32
    %and3A_387 = arith.andi %eq3A_384, %lt3A_386 : i1
    %convert_element_type3A_388 = arith.extui %and3A_387 : i1 to i32
    %cond3A_389 = arith.constant 0 : i32
    %cond3A_390 = arith.cmpi ne, %convert_element_type3A_388, %cond3A_389 : i32
    scf.if %cond3A_390 {
      %mul3A_391 = arith.constant 1000 : i32
      %mul3A_392 = arith.muli %arg1, %mul3A_391 : i32
      "tpu.region"() ({
        %run_scoped3A_393 = tpu.sem_alloc : memref<!tpu.dma_semaphore, #tpu.memory_space<semaphore_mem>>
        %dma_start3A_394 = arith.constant 0 : i32
        %dma_start3A_395 = tpu.memref_slice %arg18[%dma_start3A_394] : memref<1024xf32, #tpu.memory_space<vmem>> -> memref<1000xf32, #tpu.memory_space<vmem>>
        %dma_start3A_396 = tpu.memref_slice %arg7[%mul3A_392] : memref<10000xf32, #tpu.memory_space<hbm>> -> memref<1000xf32, #tpu.memory_space<hbm>>
        %dma_start3A_397 = tpu.memref_slice %arg7[%mul3A_392] : memref<10000xf32, #tpu.memory_space<hbm>> -> memref<1000xf32, #tpu.memory_space<hbm>>
        %dma_start3A_398 = arith.constant 0 : i32
        %dma_start3A_399 = tpu.memref_slice %arg18[%dma_start3A_398] : memref<1024xf32, #tpu.memory_space<vmem>> -> memref<1000xf32, #tpu.memory_space<vmem>>
        tpu.enqueue_dma source(%dma_start3A_399 : memref<1000xf32, #tpu.memory_space<vmem>>) target(%dma_start3A_397 : memref<1000xf32, #tpu.memory_space<hbm>>) target_semaphore(%run_scoped3A_393 : memref<!tpu.dma_semaphore, #tpu.memory_space<semaphore_mem>>)
        %dma_wait3A_400 = arith.constant 0 : i32
        %dma_wait3A_401 = tpu.memref_slice %arg18[%dma_wait3A_400] : memref<1024xf32, #tpu.memory_space<vmem>> -> memref<1000xf32, #tpu.memory_space<vmem>>
        %dma_wait3A_402 = tpu.memref_slice %arg7[%mul3A_392] : memref<10000xf32, #tpu.memory_space<hbm>> -> memref<1000xf32, #tpu.memory_space<hbm>>
        %dma_wait3A_403 = tpu.memref_slice %arg7[%mul3A_392] : memref<10000xf32, #tpu.memory_space<hbm>> -> memref<1000xf32, #tpu.memory_space<hbm>>
        %dma_wait3A_404 = arith.constant 0 : i32
        %dma_wait3A_405 = tpu.memref_slice %arg18[%dma_wait3A_404] : memref<1024xf32, #tpu.memory_space<vmem>> -> memref<1000xf32, #tpu.memory_space<vmem>>
        tpu.wait_dma2 semaphore(%run_scoped3A_393 : memref<!tpu.dma_semaphore, #tpu.memory_space<semaphore_mem>>) src(%dma_wait3A_405 : memref<1000xf32, #tpu.memory_space<vmem>>) dst(%dma_wait3A_403 : memref<1000xf32, #tpu.memory_space<hbm>>)
        tpu.yield
      }) : () -> ()
    } else {
    }
    return
  }
}

module attributes {stable_mosaic.version = 14 : i64} {
  func.func @_tc1_body(%arg0: i32, %arg1: memref<1000x128xf32, #tpu.memory_space<vmem>>, %arg2: memref<128x128xf32, #tpu.memory_space<vmem>>, %arg3: memref<128x128xf32, #tpu.memory_space<vmem>>, %arg4: memref<1000x128xf32, #tpu.memory_space<vmem>>, %arg5: memref<1000x128xf32, #tpu.memory_space<vmem>>) attributes {dimension_semantics = [#tpu.dimension_semantics<arbitrary>], iteration_bounds = array<i64: 10>, scalar_prefetch = 0 : i64, scratch_operands = 0 : i64, tpu.core_type = #tpu.core_type<tc>, window_params = [{transform_indices = @transform_0, window_bounds = array<i64: 1000, 128>}, {pipeline_mode = #tpu.pipeline_mode<synchronous>, transform_indices = @transform_1, window_bounds = array<i64: 128, 128>}, {pipeline_mode = #tpu.pipeline_mode<synchronous>, transform_indices = @transform_2, window_bounds = array<i64: 128, 128>}, {transform_indices = @transform_3, window_bounds = array<i64: 1000, 128>}, {transform_indices = @transform_4, window_bounds = array<i64: 1000, 128>}]} {
    %get3A = arith.constant 0 : index
    %get3A_0 = arith.constant 0 : index
    %get3A_1 = vector.load %arg1[%get3A, %get3A_0] : memref<1000x128xf32, #tpu.memory_space<vmem>>, vector<1000x128xf32>
    %get3A_2 = arith.constant 0 : index
    %get3A_3 = arith.constant 0 : index
    %get3A_4 = vector.load %arg2[%get3A_2, %get3A_3] : memref<128x128xf32, #tpu.memory_space<vmem>>, vector<128x128xf32>
    %dot_general3A = arith.constant dense<0.000000e+00> : vector<1000x128xf32>
    %dot_general3A_5 = tpu.matmul %get3A_1, %get3A_4, %dot_general3A {dimension_numbers = #tpu.dot_dimension_numbers<[1], [0], [0], [1], [0, 0, 1, 1], [], []>, precision = #tpu.contract_precision<fp32>, transpose_lhs_hint = false} : vector<1000x128xf32>, vector<128x128xf32>, vector<1000x128xf32> -> vector<1000x128xf32>
    %swap3A = arith.constant 0 : index
    %swap3A_6 = arith.constant 0 : index
    %swap3A_7 = vector.load %arg4[%swap3A, %swap3A_6] : memref<1000x128xf32, #tpu.memory_space<vmem>>, vector<1000x128xf32>
    tpu.vector_store %arg4[%swap3A, %swap3A_6], %dot_general3A_5 {strides = array<i32>} : memref<1000x128xf32, #tpu.memory_space<vmem>>, vector<1000x128xf32>,
    %get3A_8 = arith.constant 0 : index
    %get3A_9 = arith.constant 0 : index
    %get3A_10 = vector.load %arg3[%get3A_8, %get3A_9] : memref<128x128xf32, #tpu.memory_space<vmem>>, vector<128x128xf32>
    %dot_general3A_11 = arith.constant dense<0.000000e+00> : vector<1000x128xf32>
    %dot_general3A_12 = tpu.matmul %get3A_1, %get3A_10, %dot_general3A_11 {dimension_numbers = #tpu.dot_dimension_numbers<[1], [0], [0], [1], [0, 0, 1, 1], [], []>, precision = #tpu.contract_precision<fp32>, transpose_lhs_hint = false} : vector<1000x128xf32>, vector<128x128xf32>, vector<1000x128xf32> -> vector<1000x128xf32>
    %swap3A_13 = arith.constant 0 : index
    %swap3A_14 = arith.constant 0 : index
    %swap3A_15 = vector.load %arg5[%swap3A_13, %swap3A_14] : memref<1000x128xf32, #tpu.memory_space<vmem>>, vector<1000x128xf32>
    tpu.vector_store %arg5[%swap3A_13, %swap3A_14], %dot_general3A_12 {strides = array<i32>} : memref<1000x128xf32, #tpu.memory_space<vmem>>, vector<1000x128xf32>,
    return
  }
  func.func @transform_0(%arg0: i32) -> (i32, i32) {
    %c0_i32 = arith.constant 0 : i32
    %c0_i32_0 = arith.constant 0 : i32
    return %arg0, %c0_i32 : i32, i32
  }
  func.func @transform_1(%arg0: i32) -> (i32, i32) {
    %c0_i32 = arith.constant 0 : i32
    %c0_i32_0 = arith.constant 0 : i32
    %c0_i32_1 = arith.constant 0 : i32
    return %c0_i32, %c0_i32_0 : i32, i32
  }
  func.func @transform_2(%arg0: i32) -> (i32, i32) {
    %c0_i32 = arith.constant 0 : i32
    %c0_i32_0 = arith.constant 0 : i32
    %c0_i32_1 = arith.constant 0 : i32
    return %c0_i32, %c0_i32_0 : i32, i32
  }
  func.func @transform_3(%arg0: i32) -> (i32, i32) {
    %c0_i32 = arith.constant 0 : i32
    %c0_i32_0 = arith.constant 0 : i32
    return %arg0, %c0_i32 : i32, i32
  }
  func.func @transform_4(%arg0: i32) -> (i32, i32) {
    %c0_i32 = arith.constant 0 : i32
    %c0_i32_0 = arith.constant 0 : i32
    return %arg0, %c0_i32 : i32, i32
  }
}

module attributes {stable_mosaic.version = 14 : i64} {
  func.func @_tc2_body(%arg0: i32, %arg1: memref<1000x128xf32, #tpu.memory_space<vmem>>, %arg2: memref<2x1000x128xf32, #tpu.memory_space<vmem>>, %arg3: memref<1000x1xf32, #tpu.memory_space<vmem>>, %arg4: memref<1000x1xf32, #tpu.memory_space<vmem>>, %arg5: memref<1x128xf32, #tpu.memory_space<vmem>>, %arg6: memref<1x128xf32, #tpu.memory_space<vmem>>, %arg7: memref<128x1xf32, #tpu.memory_space<vmem>>, %arg8: memref<128x1xf32, #tpu.memory_space<vmem>>, %arg9: memref<1000x1xf32, #tpu.memory_space<vmem>>, %arg10: memref<1000x1xf32, #tpu.memory_space<vmem>>) attributes {dimension_semantics = [#tpu.dimension_semantics<arbitrary>], iteration_bounds = array<i64: 10>, scalar_prefetch = 0 : i64, scratch_operands = 0 : i64, tpu.core_type = #tpu.core_type<tc>, window_params = [{transform_indices = @transform_0, window_bounds = array<i64: 1000, 128>}, {transform_indices = @transform_1, window_bounds = array<i64: 2, 1000, 128>}, {transform_indices = @transform_2, window_bounds = array<i64: 1000, 1>}, {transform_indices = @transform_3, window_bounds = array<i64: 1000, 1>}, {pipeline_mode = #tpu.pipeline_mode<synchronous>, transform_indices = @transform_4, window_bounds = array<i64: 1, 128>}, {pipeline_mode = #tpu.pipeline_mode<synchronous>, transform_indices = @transform_5, window_bounds = array<i64: 1, 128>}, {pipeline_mode = #tpu.pipeline_mode<synchronous>, transform_indices = @transform_6, window_bounds = array<i64: 128, 1>}, {pipeline_mode = #tpu.pipeline_mode<synchronous>, transform_indices = @transform_7, window_bounds = array<i64: 128, 1>}, {transform_indices = @transform_8, window_bounds = array<i64: 1000, 1>}, {transform_indices = @transform_9, window_bounds = array<i64: 1000, 1>}]} {
    %get3A = arith.constant 0 : index
    %get3A_0 = arith.constant 0 : index
    %get3A_1 = vector.load %arg3[%get3A, %get3A_0] : memref<1000x1xf32, #tpu.memory_space<vmem>>, vector<1000x1xf32>
    %get3A_2 = arith.constant 0 : index
    %get3A_3 = arith.constant 0 : index
    %get3A_4 = vector.load %arg4[%get3A_2, %get3A_3] : memref<1000x1xf32, #tpu.memory_space<vmem>>, vector<1000x1xf32>
    %add3A = arith.addf %get3A_1, %get3A_4 : vector<1000x1xf32>
    %max3A = arith.constant 1.000000e+00 : f32
    %max3A_5 = vector.broadcast %max3A : f32 to vector<1000x1xf32>
    %max3A_6 = arith.maximumf %add3A, %max3A_5 : vector<1000x1xf32>
    %div3A = arith.constant 1.000000e+00 : f32
    %div3A_7 = vector.broadcast %div3A : f32 to vector<1000x1xf32>
    %div3A_8 = arith.divf %div3A_7, %max3A_6 : vector<1000x1xf32>
    %get3A_9 = arith.constant 0 : index
    %get3A_10 = arith.constant 0 : index
    %get3A_11 = arith.constant 0 : index
    %get3A_12 = vector.load %arg2[%get3A_9, %get3A_10, %get3A_11] : memref<2x1000x128xf32, #tpu.memory_space<vmem>>, vector<1x1000x128xf32>
    %get3A_13 = vector.shape_cast %get3A_12 : vector<1x1000x128xf32> to vector<1000x128xf32>
    %get3A_14 = arith.constant 1 : index
    %get3A_15 = arith.constant 0 : index
    %get3A_16 = arith.constant 0 : index
    %get3A_17 = vector.load %arg2[%get3A_14, %get3A_15, %get3A_16] : memref<2x1000x128xf32, #tpu.memory_space<vmem>>, vector<1x1000x128xf32>
    %get3A_18 = vector.shape_cast %get3A_17 : vector<1x1000x128xf32> to vector<1000x128xf32>
    %add3A_19 = arith.addf %get3A_13, %get3A_18 : vector<1000x128xf32>
    %mul3A = vector.broadcast %div3A_8 : vector<1000x1xf32> to vector<1000x128xf32>
    %mul3A_20 = arith.mulf %add3A_19, %mul3A : vector<1000x128xf32>
    %get3A_21 = arith.constant 0 : index
    %get3A_22 = arith.constant 0 : index
    %get3A_23 = vector.load %arg1[%get3A_21, %get3A_22] : memref<1000x128xf32, #tpu.memory_space<vmem>>, vector<1000x128xf32>
    %get3A_24 = arith.constant 0 : index
    %get3A_25 = arith.constant 0 : index
    %get3A_26 = vector.load %arg5[%get3A_24, %get3A_25] : memref<1x128xf32, #tpu.memory_space<vmem>>, vector<1x128xf32>
    %add3A_27 = vector.broadcast %get3A_26 : vector<1x128xf32> to vector<1000x128xf32>
    %add3A_28 = arith.addf %get3A_23, %add3A_27 : vector<1000x128xf32>
    %get3A_29 = arith.constant 0 : index
    %get3A_30 = arith.constant 0 : index
    %get3A_31 = vector.load %arg6[%get3A_29, %get3A_30] : memref<1x128xf32, #tpu.memory_space<vmem>>, vector<1x128xf32>
    %add3A_32 = vector.broadcast %get3A_31 : vector<1x128xf32> to vector<1000x128xf32>
    %add3A_33 = arith.addf %add3A_28, %add3A_32 : vector<1000x128xf32>
    %add3A_34 = arith.addf %add3A_33, %mul3A_20 : vector<1000x128xf32>
    %max3A_35 = arith.constant 0.000000e+00 : f32
    %max3A_36 = vector.broadcast %max3A_35 : f32 to vector<1000x128xf32>
    %max3A_37 = arith.maximumf %add3A_34, %max3A_36 : vector<1000x128xf32>
    %get3A_38 = arith.constant 0 : index
    %get3A_39 = arith.constant 0 : index
    %get3A_40 = vector.load %arg7[%get3A_38, %get3A_39] : memref<128x1xf32, #tpu.memory_space<vmem>>, vector<128x1xf32>
    %dot_general3A = arith.constant dense<0.000000e+00> : vector<1000x1xf32>
    %dot_general3A_41 = tpu.matmul %max3A_37, %get3A_40, %dot_general3A {dimension_numbers = #tpu.dot_dimension_numbers<[1], [0], [0], [1], [0, 0, 1, 1], [], []>, precision = #tpu.contract_precision<fp32>, transpose_lhs_hint = false} : vector<1000x128xf32>, vector<128x1xf32>, vector<1000x1xf32> -> vector<1000x1xf32>
    %swap3A = arith.constant 0 : index
    %swap3A_42 = arith.constant 0 : index
    %swap3A_43 = vector.load %arg10[%swap3A, %swap3A_42] : memref<1000x1xf32, #tpu.memory_space<vmem>>, vector<1000x1xf32>
    tpu.vector_store %arg10[%swap3A, %swap3A_42], %dot_general3A_41 {strides = array<i32>} : memref<1000x1xf32, #tpu.memory_space<vmem>>, vector<1000x1xf32>,
    %get3A_44 = arith.constant 0 : index
    %get3A_45 = arith.constant 0 : index
    %get3A_46 = vector.load %arg8[%get3A_44, %get3A_45] : memref<128x1xf32, #tpu.memory_space<vmem>>, vector<128x1xf32>
    %dot_general3A_47 = arith.constant dense<0.000000e+00> : vector<1000x1xf32>
    %dot_general3A_48 = tpu.matmul %max3A_37, %get3A_46, %dot_general3A_47 {dimension_numbers = #tpu.dot_dimension_numbers<[1], [0], [0], [1], [0, 0, 1, 1], [], []>, precision = #tpu.contract_precision<fp32>, transpose_lhs_hint = false} : vector<1000x128xf32>, vector<128x1xf32>, vector<1000x1xf32> -> vector<1000x1xf32>
    %swap3A_49 = arith.constant 0 : index
    %swap3A_50 = arith.constant 0 : index
    %swap3A_51 = vector.load %arg9[%swap3A_49, %swap3A_50] : memref<1000x1xf32, #tpu.memory_space<vmem>>, vector<1000x1xf32>
    tpu.vector_store %arg9[%swap3A_49, %swap3A_50], %dot_general3A_48 {strides = array<i32>} : memref<1000x1xf32, #tpu.memory_space<vmem>>, vector<1000x1xf32>,
    return
  }
  func.func @transform_0(%arg0: i32) -> (i32, i32) {
    %c0_i32 = arith.constant 0 : i32
    %c0_i32_0 = arith.constant 0 : i32
    return %arg0, %c0_i32 : i32, i32
  }
  func.func @transform_1(%arg0: i32) -> (i32, i32, i32) {
    %c0_i32 = arith.constant 0 : i32
    %c0_i32_0 = arith.constant 0 : i32
    %c0_i32_1 = arith.constant 0 : i32
    return %c0_i32, %arg0, %c0_i32_0 : i32, i32, i32
  }
  func.func @transform_2(%arg0: i32) -> (i32, i32) {
    %c0_i32 = arith.constant 0 : i32
    %c0_i32_0 = arith.constant 0 : i32
    return %arg0, %c0_i32 : i32, i32
  }
  func.func @transform_3(%arg0: i32) -> (i32, i32) {
    %c0_i32 = arith.constant 0 : i32
    %c0_i32_0 = arith.constant 0 : i32
    return %arg0, %c0_i32 : i32, i32
  }
  func.func @transform_4(%arg0: i32) -> (i32, i32) {
    %c0_i32 = arith.constant 0 : i32
    %c0_i32_0 = arith.constant 0 : i32
    %c0_i32_1 = arith.constant 0 : i32
    return %c0_i32, %c0_i32_0 : i32, i32
  }
  func.func @transform_5(%arg0: i32) -> (i32, i32) {
    %c0_i32 = arith.constant 0 : i32
    %c0_i32_0 = arith.constant 0 : i32
    %c0_i32_1 = arith.constant 0 : i32
    return %c0_i32, %c0_i32_0 : i32, i32
  }
  func.func @transform_6(%arg0: i32) -> (i32, i32) {
    %c0_i32 = arith.constant 0 : i32
    %c0_i32_0 = arith.constant 0 : i32
    %c0_i32_1 = arith.constant 0 : i32
    return %c0_i32, %c0_i32_0 : i32, i32
  }
  func.func @transform_7(%arg0: i32) -> (i32, i32) {
    %c0_i32 = arith.constant 0 : i32
    %c0_i32_0 = arith.constant 0 : i32
    %c0_i32_1 = arith.constant 0 : i32
    return %c0_i32, %c0_i32_0 : i32, i32
  }
  func.func @transform_8(%arg0: i32) -> (i32, i32) {
    %c0_i32 = arith.constant 0 : i32
    %c0_i32_0 = arith.constant 0 : i32
    return %arg0, %c0_i32 : i32, i32
  }
  func.func @transform_9(%arg0: i32) -> (i32, i32) {
    %c0_i32 = arith.constant 0 : i32
    %c0_i32_0 = arith.constant 0 : i32
    return %arg0, %c0_i32 : i32, i32
  }
}

module attributes {stable_mosaic.version = 14 : i64} {
  func.func @_tc3_body(%arg0: i32, %arg1: memref<1000x1xf32, #tpu.memory_space<vmem>>, %arg2: memref<1000x1xf32, #tpu.memory_space<vmem>>, %arg3: memref<1000x1xf32, #tpu.memory_space<vmem>>, %arg4: memref<1000x1xf32, #tpu.memory_space<vmem>>, %arg5: memref<1000x1xf32, #tpu.memory_space<vmem>>, %arg6: memref<1x1xf32, #tpu.memory_space<vmem>>, %arg7: memref<1x1xf32, #tpu.memory_space<vmem>>, %arg8: memref<1000x1xf32, #tpu.memory_space<vmem>>) attributes {dimension_semantics = [#tpu.dimension_semantics<arbitrary>], iteration_bounds = array<i64: 10>, scalar_prefetch = 0 : i64, scratch_operands = 0 : i64, tpu.core_type = #tpu.core_type<tc>, window_params = [{transform_indices = @transform_0, window_bounds = array<i64: 1000, 1>}, {transform_indices = @transform_1, window_bounds = array<i64: 1000, 1>}, {transform_indices = @transform_2, window_bounds = array<i64: 1000, 1>}, {transform_indices = @transform_3, window_bounds = array<i64: 1000, 1>}, {transform_indices = @transform_4, window_bounds = array<i64: 1000, 1>}, {pipeline_mode = #tpu.pipeline_mode<synchronous>, transform_indices = @transform_5, window_bounds = array<i64: 1, 1>}, {pipeline_mode = #tpu.pipeline_mode<synchronous>, transform_indices = @transform_6, window_bounds = array<i64: 1, 1>}, {transform_indices = @transform_7, window_bounds = array<i64: 1000, 1>}]} {
    %get3A = arith.constant 0 : index
    %get3A_0 = arith.constant 0 : index
    %get3A_1 = vector.load %arg4[%get3A, %get3A_0] : memref<1000x1xf32, #tpu.memory_space<vmem>>, vector<1000x1xf32>
    %get3A_2 = arith.constant 0 : index
    %get3A_3 = arith.constant 0 : index
    %get3A_4 = vector.load %arg5[%get3A_2, %get3A_3] : memref<1000x1xf32, #tpu.memory_space<vmem>>, vector<1000x1xf32>
    %add3A = arith.addf %get3A_1, %get3A_4 : vector<1000x1xf32>
    %max3A = arith.constant 1.000000e+00 : f32
    %max3A_5 = vector.broadcast %max3A : f32 to vector<1000x1xf32>
    %max3A_6 = arith.maximumf %add3A, %max3A_5 : vector<1000x1xf32>
    %get3A_7 = arith.constant 0 : index
    %get3A_8 = arith.constant 0 : index
    %get3A_9 = vector.load %arg2[%get3A_7, %get3A_8] : memref<1000x1xf32, #tpu.memory_space<vmem>>, vector<1000x1xf32>
    %get3A_10 = arith.constant 0 : index
    %get3A_11 = arith.constant 0 : index
    %get3A_12 = vector.load %arg3[%get3A_10, %get3A_11] : memref<1000x1xf32, #tpu.memory_space<vmem>>, vector<1000x1xf32>
    %add3A_13 = arith.addf %get3A_9, %get3A_12 : vector<1000x1xf32>
    %get3A_14 = arith.constant 0 : index
    %get3A_15 = arith.constant 0 : index
    %get3A_16 = vector.load %arg1[%get3A_14, %get3A_15] : memref<1000x1xf32, #tpu.memory_space<vmem>>, vector<1000x1xf32>
    %get3A_17 = arith.constant 0 : index
    %get3A_18 = arith.constant 0 : index
    %get3A_19 = vector.load %arg6[%get3A_17, %get3A_18] : memref<1x1xf32, #tpu.memory_space<vmem>>, vector<1x1xf32>
    %add3A_20 = vector.broadcast %get3A_19 : vector<1x1xf32> to vector<1000x1xf32>
    %add3A_21 = arith.addf %get3A_16, %add3A_20 : vector<1000x1xf32>
    %get3A_22 = arith.constant 0 : index
    %get3A_23 = arith.constant 0 : index
    %get3A_24 = vector.load %arg7[%get3A_22, %get3A_23] : memref<1x1xf32, #tpu.memory_space<vmem>>, vector<1x1xf32>
    %add3A_25 = vector.broadcast %get3A_24 : vector<1x1xf32> to vector<1000x1xf32>
    %add3A_26 = arith.addf %add3A_21, %add3A_25 : vector<1000x1xf32>
    %div3A = arith.divf %add3A_13, %max3A_6 : vector<1000x1xf32>
    %add3A_27 = arith.addf %add3A_26, %div3A : vector<1000x1xf32>
    %swap3A = arith.constant 0 : index
    %swap3A_28 = arith.constant 0 : index
    %swap3A_29 = vector.load %arg8[%swap3A, %swap3A_28] : memref<1000x1xf32, #tpu.memory_space<vmem>>, vector<1000x1xf32>
    tpu.vector_store %arg8[%swap3A, %swap3A_28], %add3A_27 {strides = array<i32>} : memref<1000x1xf32, #tpu.memory_space<vmem>>, vector<1000x1xf32>,
    return
  }
  func.func @transform_0(%arg0: i32) -> (i32, i32) {
    %c0_i32 = arith.constant 0 : i32
    %c0_i32_0 = arith.constant 0 : i32
    return %arg0, %c0_i32 : i32, i32
  }
  func.func @transform_1(%arg0: i32) -> (i32, i32) {
    %c0_i32 = arith.constant 0 : i32
    %c0_i32_0 = arith.constant 0 : i32
    return %arg0, %c0_i32 : i32, i32
  }
  func.func @transform_2(%arg0: i32) -> (i32, i32) {
    %c0_i32 = arith.constant 0 : i32
    %c0_i32_0 = arith.constant 0 : i32
    return %arg0, %c0_i32 : i32, i32
  }
  func.func @transform_3(%arg0: i32) -> (i32, i32) {
    %c0_i32 = arith.constant 0 : i32
    %c0_i32_0 = arith.constant 0 : i32
    return %arg0, %c0_i32 : i32, i32
  }
  func.func @transform_4(%arg0: i32) -> (i32, i32) {
    %c0_i32 = arith.constant 0 : i32
    %c0_i32_0 = arith.constant 0 : i32
    return %arg0, %c0_i32 : i32, i32
  }
  func.func @transform_5(%arg0: i32) -> (i32, i32) {
    %c0_i32 = arith.constant 0 : i32
    %c0_i32_0 = arith.constant 0 : i32
    %c0_i32_1 = arith.constant 0 : i32
    return %c0_i32, %c0_i32_0 : i32, i32
  }
  func.func @transform_6(%arg0: i32) -> (i32, i32) {
    %c0_i32 = arith.constant 0 : i32
    %c0_i32_0 = arith.constant 0 : i32
    %c0_i32_1 = arith.constant 0 : i32
    return %c0_i32, %c0_i32_0 : i32, i32
  }
  func.func @transform_7(%arg0: i32) -> (i32, i32) {
    %c0_i32 = arith.constant 0 : i32
    %c0_i32_0 = arith.constant 0 : i32
    return %arg0, %c0_i32 : i32, i32
  }
}

</mosaic_0001>

<sc_bundles>
// kernel: kernel.10.cloned.1.call-start
scs
__scs_entry_jumppad:
0x0: {  	(pc) =	sbr.rel $0x88, $3  }
0x1: {  	(tag) =	ssettag $0x0;
	lr =	simm.s32 $0x1  }
0x2: {  	[smem:$0x3F97] =	sst lr;
	_ =	strace $0xD0000000  }
0x3: {  	_ = 	snop  }
0x4: {  	_ = 	snop  }
0x5: {  	_ = 	snop  }
0x6: {  	_ = 	snop  }
0x7: {  	_ = 	snop  }
__scs_overlays_trampoline_lowered:
0x8: {  	[smem:$0x3FA6] =	sst s0  }
0x9: {  	[smem:$0x3FA7] =	sst s1  }
0xa: {  	[smem:$0x3FA8] =	sst s2  }
0xb: {  	[smem:$0x3FA9] =	sst s3  }
0xc: {  	[smem:$0x3FAA] =	sst s4  }
0xd: {  	[smem:$0x3FAB] =	sst s5  }
0xe: {  	[smem:$0x3FAC] =	sst s6  }
0xf: {  	[smem:$0x3FAD] =	sst s7  }
0x10: {  	[smem:$0x3FAE] =	sst s8  }
0x11: {  	[smem:$0x3FAF] =	sst s9;
	s0 =	simm.s32 @!p0 $0x0  }
0x12: {  	s1 =	sld [smem:$0x3F95];
	s0 =	simm.s32 @p0 $0x1  }
0x13: {  	[smem:$0x3FB0] =	sst s0;
	s0 =	simm.s32 @!p1 $0x0  }
0x14: {  	s2 =	sld [smem:$0x3F94];
	s0 =	simm.s32 @p1 $0x1  }
0x15: {  	[smem:$0x3FB1] =	sst s0;
	s0 =	simm.s32 @!p2 $0x0  }
0x16: {  	s3 =	sld [smem:$0x3FDB];
	s0 =	simm.s32 @p2 $0x1  }
0x17: {  	s4 =	simm.s32 $0x1BF5;
	[smem:$0x3FB3] =	sst s0  }
0x18: {  	s0 =	sld [smem:$0x3F96];
	_ =	swait.ge [sflag:s4], $0x0  }
0x19: {  	s7 =	sld [smem:$0x3F97]  }
0x1a: {  	s8 =	sadd.s32 $0xFFFFE003, lr  }
0x1b: {  	s9 =	sadd.s32 $0xFFFFFEF7, lr;
	s5 =	simm.s32 $0xFFFFFFFF;
	p2 =	slt.u32 s8, $0xFFFFF086  }
0x1c: {  	p1 =	slt.u32 s9, $0xF7A;
	s5 =	simm.s32 @!p2 $0x0  }
0x1d: {  	s5 =	simm.s32 @p1 $0x1;
	p0 =	seq.s32 s7, s2  }
0x1e: {  	s7 =	smul.u32 @!p0 $0xF7A, s2;
	p2 =	seq.s32 @!p0 s5, $0x0  }
0x1f: {  	s9 =	smul.u32 $0xF7A, s1;
	s8 =	simm.s32 @!p0 $0x1BF5;
	p2 =	por !p2, p0  }
0x20: {  	[sflag:s8] =	ssyncset.s32 @!p0 $0xFFFFF086;
	s6 =	sadd.s32 @!p0 s3, s7;
	s7 =	simm.s32 @!p0 $0x108  }
0x21: {  	s3 =	sadd.s32 s3, s9;
	s6 =	sadd.s32 @!p0 $0x88, s6;
	s7 =	simm.s32 @p2 $0x1082  }
0x22: {  	[simem:s7], [sflag:s8] =	dma.local @!p0 [hbm:s6], $0xF7A  }
0x23: {  	s9 =	sor.u32 $0xD0000000, s2;
	s6 =	simm.s32 $0x108;
	_ =	swait.ge @!p0 [sflag:s8], $0x0  }
0x24: {  	s3 =	sadd.s32 $0x88, s3;
	s6 =	simm.s32 @!p1 $0x1082;
	[sflag:s4] =	ssyncset.s32 $0xFFFFF086  }
0x25: {  	[simem:s6], [sflag:s4] =	dma.local [hbm:s3], $0xF7A  }
0x26: {  	[smem:$0x3F97] =	sst s1;
	(tag) =	ssettag s2;
	_ =	strace s9  }
0x27: {  	s1 =	sld [smem:$0x3FA7]  }
0x28: {  	s2 =	sld [smem:$0x3FA8]  }
0x29: {  	s4 =	sld [smem:$0x3FAA]  }
0x2a: {  	p0 =	seq.s32 s5, $0x0;
	s5 =	sld [smem:$0x3FAB]  }
0x2b: {  	s6 =	sld [smem:$0x3FAC]  }
0x2c: {  	s7 =	sld [smem:$0x3FAD]  }
0x2d: {  	s3 =	simm.s32 $0x108;
	s8 =	sld [smem:$0x3FAE]  }
0x2e: {  	s3 =	simm.s32 @!p0 $0x1082;
	s9 =	sld [smem:$0x3FAF]  }
0x2f: {  	lr =	sadd.s32 s0, s3;
	s0 =	sld [smem:$0x3FA6]  }
0x30: {  	s3 =	sld [smem:$0x3FA9]  }
0x31: {  	[smem:$0x3FB2] =	sst s10  }
0x32: {  	s10 =	sld [smem:$0x3FB0];
	_ =	sdelay $0x3  }
0x33: {  	p0 =	seq.s32 s10, $0x1;
	s10 =	sld [smem:$0x3FB2];
	_ =	sdelay $0x3  }
0x34: {  	[smem:$0x3FB2] =	sst s10  }
0x35: {  	s10 =	sld [smem:$0x3FB1];
	_ =	sdelay $0x3  }
0x36: {  	p1 =	seq.s32 s10, $0x1;
	s10 =	sld [smem:$0x3FB2];
	_ =	sdelay $0x3  }
0x37: {  	[smem:$0x3FB2] =	sst s10  }
0x38: {  	s10 =	sld [smem:$0x3FB3]  }
0x39: {  	_ = 	snop;
	(pc) =	sbr.ind lr, $3  }
0x3a: {  	_ = 	snop  }
0x3b: {  	_ = 	snop  }
0x3c: {  	p2 =	seq.s32 s10, $0x1;
	s10 =	sld [smem:$0x3FB2]  }
0x3d: {  	_ =	shalt  }
0x3e: {  	_ =	shalt  }
0x3f: {  	_ =	shalt  }
0x40: {  	_ =	shalt  }
0x41: {  	_ =	shalt  }
0x42: {  	_ =	shalt  }
0x43: {  	_ =	shalt  }
0x44: {  	_ =	shalt  }
0x45: {  	_ =	shalt  }
0x46: {  	_ =	shalt  }
0x47: {  	_ =	shalt  }
0x48: {  	_ =	shalt  }
0x49: {  	_ =	shalt  }
0x4a: {  	_ =	shalt  }
0x4b: {  	_ =	shalt  }
0x4c: {  	_ =	shalt  }
0x4d: {  	_ =	shalt  }
0x4e: {  	_ =	shalt  }
0x4f: {  	_ =	shalt  }
0x50: {  	_ =	shalt  }
0x51: {  	_ =	shalt  }
0x52: {  	_ =	shalt  }
0x53: {  	_ =	shalt  }
0x54: {  	_ =	shalt  }
0x55: {  	_ =	shalt  }
0x56: {  	_ =	shalt  }
0x57: {  	_ =	shalt  }
0x58: {  	_ =	shalt  }
0x59: {  	_ =	shalt  }
0x5a: {  	_ =	shalt  }
0x5b: {  	_ =	shalt  }
0x5c: {  	_ =	shalt  }
0x5d: {  	_ =	shalt  }
0x5e: {  	_ =	shalt  }
0x5f: {  	_ =	shalt  }
0x60: {  	_ =	shalt  }
0x61: {  	_ =	shalt  }
0x62: {  	_ =	shalt  }
0x63: {  	_ =	shalt  }
0x64: {  	_ =	shalt  }
0x65: {  	_ =	shalt  }
0x66: {  	_ =	shalt  }
0x67: {  	_ =	shalt  }
0x68: {  	_ =	shalt  }
0x69: {  	_ =	shalt  }
0x6a: {  	_ =	shalt  }
0x6b: {  	_ =	shalt  }
0x6c: {  	_ =	shalt  }
0x6d: {  	_ =	shalt  }
0x6e: {  	_ =	shalt  }
0x6f: {  	_ =	shalt  }
0x70: {  	_ =	shalt  }
0x71: {  	_ =	shalt  }
0x72: {  	_ =	shalt  }
0x73: {  	_ =	shalt  }
0x74: {  	_ =	shalt  }
0x75: {  	_ =	shalt  }
0x76: {  	_ =	shalt  }
0x77: {  	_ =	shalt  }
0x78: {  	_ =	shalt  }
0x79: {  	_ =	shalt  }
0x7a: {  	_ =	shalt  }
0x7b: {  	_ =	shalt  }
0x7c: {  	_ =	shalt  }
0x7d: {  	_ =	shalt  }
0x7e: {  	_ =	shalt  }
0x7f: {  	_ =	shalt  }
0x80: {  	_ =	shalt  }
0x81: {  	_ =	shalt  }
0x82: {  	_ =	shalt  }
0x83: {  	_ =	shalt  }
0x84: {  	_ =	shalt  }
0x85: {  	_ =	shalt  }
0x86: {  	_ =	shalt  }
0x87: {  	_ =	shalt  }
.Lfunc_end0:
.L_simem_size_0:
called_computation.1_lowered:
.L_overlay_start_0:
0x88: {  	s2 =	sld [smem:$0x3FD9]  }
0x89: {  	s3 =	sld [smem:$0x3FFE];
	_ =	sdelay $0x1  }
0x8a: {  	s1 =	srdreg.scid  }
0x8b: {  	s0 =	sand.u32 $0x1, s1  }
0x8c: {  	s16 =	sshll.u32 s0, $0xA;
	s2 =	sadd.s32 s3, s2  }
0x8d: {  	s2 =	sadd.s32 s2, s16  }
0x8e: {  	[smem:$0x3FBE] =	sst s2  }
0x8f: {  	_ = 	snop  }
0x90: {  	(tm) =	ssettm $0x1  }
0x91: {  	s17 =	sld [smem:$0x3FFB];
	_ =	sdelay $0x3  }
0x92: {  	_ =	strace s17  }
0x93: {  	s2 =	sld [smem:$0x3FFC];
	_ =	sdelay $0x3  }
0x94: {  	_ =	strace s2  }
0x95: {  	s2 =	sld [smem:$0x3FFD];
	_ =	sdelay $0x3  }
0x96: {  	_ =	strace s2  }
0x97: {  	_ =	strace $0x8FFFFFFF  }
0x98: {  	s18 =	sld [smem:$0x3FDB];
	_ =	sdelay $0x1  }
0x99: {  	s19 =	simm.s32 $_scs_section_size  }
0x9a: {  	s4 =	simm.s32 $_size__tile_overlayer_lowered;
	s5 =	simm.s32 $_tile_overlayer_lowered  }
0x9b: {  	s22 =	simm.s32 $0x1BFF;
	s21 =	sshll.u32 s5, $0x1;
	s2 =	sadd.s32 s19, s18  }
0x9c: {  	s6 =	simm.s32 $0x0;
	s20 =	sshll.u32 s4, $0x1;
	s4 =	sadd.s32 s21, s2  }
0x9d: {  	[timem:s6], [sflag:s22] =	dma.local [hbm:s4], s20  }
0x9e: {  	_ =	swait.ge [sflag:s22], s20  }
0x9f: {  	s3 =	ssub.s32 $0x0, s20;
	[sflag:s22] =	ssyncset.done $0x0  }
0xa0: {  	[sflag:s22] =	ssyncadd.s32 s3;
	_ =	sdelay $0x1  }
0xa1: {  	s23 =	simm.s32 $0x1B8B  }
0xa2: {  	_ =	swait.ge [sflag:s23], $0x1  }
0xa3: {  	[sflag:s23] =	ssyncset.done $0x0  }
0xa4: {  	s25 =	simm.s32 $0x1B8E;
	s24 =	sld [smem:$0x3FFE];
	[sflag:s23] =	ssyncadd.s32 $0xFFFFFFFF  }
0xa5: {  	s26 =	simm.s32 $execute0_lowered;
	[smem:$0x3FD2] =	sst s25  }
0xa6: {  	s4 =	sshll.u32 s26, $0x1;
	_ =	strace $0x80000049;
	[dreg:$0x1] =	wrdreg $0xFFFFFFFF  }
0xa7: {  	s28 =	simm.s32 $_size_execute0_lowered;
	s2 =	sadd.s32 s2, s4;
	[dreg:$0x0] =	wrdreg $0x0  }
0xa8: {  	s4 =	sshll.u32 s28, $0x1;
	[dreg:$0x2] =	wrdreg s2  }
0xa9: {  	[dreg:$0x3] =	wrdreg s4  }
0xaa: {  	[dreg:$0x4] =	wrdreg $0xC0  }
0xab: {  	_ =	task [dreg:s6], $0x5FFFF  }
0xac: {  	[dreg:$0x1] =	wrdreg $0xFFFFFFFF  }
0xad: {  	[dreg:$0x0] =	wrdreg $0x60  }
0xae: {  	[dreg:$0x2] =	wrdreg s24  }
0xaf: {  	[dreg:$0x3] =	wrdreg $0x0  }
0xb0: {  	[dreg:$0x4] =	wrdreg $0x9  }
0xb1: {  	_ =	task.clear_ibuf [dreg:s6], $0x5FFFF;
	_ =	strace $0x90000049  }
0xb2: {  	s29 =	simm.s32 $0x9;
	_ =	strace $0x8000004B  }
0xb3: {  	_ =	swait.ge [sflag:s29], $0x1  }
0xb4: {  	[sflag:s29] =	ssyncadd.s32 $0xFFFFFFFF  }
0xb5: {  	_ =	strace $0x9000004B  }
0xb6: {  	_ =	sfence  }
0xb7: {  	s30 =	sld [smem:$0x0];
	_ =	sdelay $0x2  }
0xb8: {  	s31 =	sshll.u32 s1, $0xD;
	s1 =	sshrl.u32 s1, $0x2  }
0xb9: {  	s3 =	sand.u32 $0x4000, s31;
	s1 =	sadd.s32 s1, s30  }
0xba: {  	s0 =	sor.u32 s3, s0;
	s1 =	sshll.u32 s1, $0x11  }
0xbb: {  	s0 =	sor.u32 s1, s0  }
0xbc: {  	s0 =	sadd.s32 $0x8F2B, s0  }
0xbd: {  	[sflag:s0] =	ssyncadd.remote.s32 $0x1  }
0xbe: {  	_ =	sfence.sel $0xFFFF  }
0xbf: {  	[dreg:$0x0] =	wrdreg $0xFFFFFFFF;
	(pc) =	sbr.abs _section_cstart, $3  }
0xc0: {  	[dreg:$0x1] =	wrdreg $0xFFFFFFFF  }
0xc1: {  	_ =	task.clear_ibuf [dreg:s6], $0x2FFFF;
	_ =	strace $0x9FFFFFFF  }
0xc2: {  	(tm) =	ssettm $0x7FFFFFFF  }
0xc3: {  	_ =	shalt  }
tec
execute0_lowered:
.L_overlay_start_1:
0x0: {  	(tag) =	ssettag $0x1  }
0x1: {  	s9 =	rddreg [dreg:$0x0]  }
0x2: {  	s0 =	srdreg.scid;
	s2 =	rddreg [dreg:$0x1]  }
0x3: {  	s3 =	simm.s32 $0x0;
	s13 =	sand.u32 $0x1, s0;
	s0 =	stileid.u32  }
0x4: {  	[smem:$0x7FF] =	sst s3;
	s6 =	smul.u32 $0x7D, s0  }
0x5: {  	s4 =	sadd.s32 $0x3CA00, s9;
	s1 =	sshll.u32 s13, $0x4;
	s7 =	smul.u32 $0xFA0, s0  }
0x6: {  	s30 =	ssub.s32 $0x2, s13;
	p3 =	seq.s32 s13, $0x1;
	p0 =	sgt.u32 s0, $0x9  }
0x7: {  	s14 =	sor.u32 s0, s1;
	s1 =	rddreg [dreg:$0x2];
	_ =	strace $0x8000004A  }
0x8: {  	s31 =	sshrl.u32 s30, $0x1;
	p2 =	sne.s32 @!p0 s13, $0x0;
	p3 =	por !p3, p0  }
0x9: {  	s5 =	smul.u32 $0x500, s14;
	s11 =	sadd.s32 s6, s9;
	s7 =	sshrl.u32 s7, $0x2  }
0xa: {  	s12 =	ssub.s32 s30, s31;
	p1 =	seq.s32 s14, $0x1F;
	p2 =	por p2, p0  }
0xb: {  	s10 =	sadd.s32 $0x3D000, s11;
	s11 =	sadd.s32 $0x3D600, s11;
	s8 =	sadd.s32 s5, s9  }
0xc: {  	s12 =	smax.u32 s12, $0x1;
	s5 =	sadd.s32 s7, s2;
	s6 =	sadd.s32 $0xBA00, s8  }
0xd: {  	v0 =	vimm.f32 $0.0e+00;
	s7 =	sadd.s32 $0x1C00, s8;
	s8 =	sadd.s32 $0x15500, s9;
	s9 =	sadd.s32 $0xB700, s9  }
.LBB2_1:
0xe: {  	s13 =	simm.s32 $0x40;
	s14 =	simm.s32 $0x0  }
.LBB2_2:
0xf: {  	p4 =	sne.s32 s13, $0xFC0;
	[tilespmem:s14+$0x9878] =	vst v0;
	s14 =	smov.u32 s13;
	s13 =	sadd.s32 $0x40, s13  }
.Ltmp0:
0x10: {  	(pc) =	sbr.rel @p4 .LBB2_2-.Ltmp0, $2  }
0x11: {  	_ =	sdelay $0x2  }
0x12: {  	s14 =	sshra.s32 s14, $0x2  }
0x13: {  	[tilespmem:s14+$0x9878] =	vst v0;
	s13 =	simm.s32 @!p0 $0x9878;
	s14 =	simm.s32 @!p0 $0x2  }
0x14: {  	[spmem:s5] =	stream.linear.scatter @!p0 [tilespmem:s13], [sflag:$0x2], $0x3E8, $0x38;
	[tilespmem:$0x9C78] =	vst v63  }
0x15: {  	_ =	swait.ge @!p0 [sflag:s14], $0x3E8  }
0x16: {  	[sflag:s14] =	ssyncset.done @!p0 $0x0  }
0x17: {  	s15 =	simm.s32 @p1 $0x0;
	[sflag:s14] =	ssyncadd.s32 @!p0 $0xFFFFFC18  }
0x18: {  	s16 =	simm.s32 @p1 $0x7A78;
	s17 =	simm.s32 @p1 $0x2;
	[bflag:$0x0] =	sbarrier.arrive $0xFFFF  }
0x19: {  	[tilespmem:s16], [sflag:$0x2] =	stream.linear.gather @p1 [hbm4b:s8+s15], $0xA00, $0x38;
	[tilespmem:$0x9C78] =	vst v63  }
0x1a: {  	_ =	swait.ge @p1 [sflag:s17], $0xA00  }
0x1b: {  	[sflag:s17] =	ssyncset.done @p1 $0x0  }
0x1c: {  	s18 =	simm.s32 @p1 $0x8478;
	[sflag:s17] =	ssyncadd.s32 @p1 $0xFFFFF600  }
0x1d: {  	[tilespmem:s18], [sflag:$0x2] =	stream.linear.gather @p1 [hbm4b:s9+s15], $0xA00, $0x38;
	[tilespmem:$0x9C78] =	vst v63  }
0x1e: {  	_ =	swait.ge @p1 [sflag:s17], $0xA00  }
0x1f: {  	[sflag:s17] =	ssyncset.done @p1 $0x0  }
0x20: {  	s19 =	simm.s32 @p1 $0x8E78;
	s15 =	simm.s32 @p1 $0xA00;
	[sflag:s17] =	ssyncadd.s32 @p1 $0xFFFFF600  }
0x21: {  	[tilespmem:s19], [sflag:$0x1] =	stream.indirect.gather @p1 [hbm4b:s4+s15], $0x1, s16, s15, $0xb8;
	[tilespmem:$0x9C78] =	vst v63  }
0x22: {  	s16 =	simm.s32 @p1 $0x1  }
0x23: {  	_ =	swait.ge @p1 [sflag:s16], $0xA00  }
0x24: {  	[sflag:s16] =	ssyncset.done @p1 $0x0  }
0x25: {  	[sflag:s16] =	ssyncadd.s32 @p1 $0xFFFFF600  }
0x26: {  	[spmem:s2] =	stream.indirect.scatter.add.f32 @p1 [tilespmem:s19], [sflag:$0x2], $0x1, s18, s15, $0xb8;
	[tilespmem:$0x9C78] =	vst v63  }
0x27: {  	_ =	swait.ge @p1 [sflag:s17], $0xA00  }
0x28: {  	s16 =	simm.s32 @!p1 $0x278;
	[sflag:s17] =	ssyncset.done @p1 $0x0  }
0x29: {  	s15 =	simm.s32 @!p1 $0x0;
	[sflag:s17] =	ssyncadd.s32 @p1 $0xFFFFF600;
	s17 =	simm.s32 @!p1 $0x2  }
0x2a: {  	[tilespmem:s16], [sflag:$0x2] =	stream.linear.gather @!p1 [hbm4b:s6+s15], $0x2800, $0x38;
	[tilespmem:$0x9C78] =	vst v63  }
0x2b: {  	_ =	swait.ge @!p1 [sflag:s17], $0x2800  }
0x2c: {  	[sflag:s17] =	ssyncset.done @!p1 $0x0  }
0x2d: {  	s18 =	simm.s32 @!p1 $0x2A78;
	[sflag:s17] =	ssyncadd.s32 @!p1 $0xFFFFD800  }
0x2e: {  	[tilespmem:s18], [sflag:$0x2] =	stream.linear.gather @!p1 [hbm4b:s7+s15], $0x2800, $0x38;
	[tilespmem:$0x9C78] =	vst v63  }
0x2f: {  	_ =	swait.ge @!p1 [sflag:s17], $0x2800  }
0x30: {  	[sflag:s17] =	ssyncset.done @!p1 $0x0  }
0x31: {  	s19 =	simm.s32 @!p1 $0x5278;
	s15 =	simm.s32 @!p1 $0x2800;
	[sflag:s17] =	ssyncadd.s32 @!p1 $0xFFFFD800  }
0x32: {  	[tilespmem:s19], [sflag:$0x1] =	stream.indirect.gather @!p1 [hbm4b:s4+s15], $0x1, s16, s15, $0xb8;
	[tilespmem:$0x9C78] =	vst v63  }
0x33: {  	s16 =	simm.s32 @!p1 $0x1  }
0x34: {  	_ =	swait.ge @!p1 [sflag:s16], $0x2800  }
0x35: {  	[sflag:s16] =	ssyncset.done @!p1 $0x0  }
0x36: {  	[sflag:s16] =	ssyncadd.s32 @!p1 $0xFFFFD800  }
0x37: {  	[spmem:s2] =	stream.indirect.scatter.add.f32 @!p1 [tilespmem:s19], [sflag:$0x2], $0x1, s18, s15, $0xb8;
	[tilespmem:$0x9C78] =	vst v63  }
0x38: {  	_ =	swait.ge @!p1 [sflag:s17], $0x2800  }
0x39: {  	[sflag:s17] =	ssyncset.done @!p1 $0x0  }
0x3a: {  	[sflag:s17] =	ssyncadd.s32 @!p1 $0xFFFFD800  }
0x3b: {  	[bflag:$0x0] =	sbarrier.arrive $0xFFFF  }
0x3c: {  	[tilespmem:s13], [sflag:$0x2] =	stream.linear.gather @!p0 [spmem:s5], $0x3E8, $0x38;
	[tilespmem:$0x9C78] =	vst v63  }
0x3d: {  	_ =	swait.ge @!p0 [sflag:s14], $0x3E8  }
0x3e: {  	[sflag:s14] =	ssyncset.done @!p0 $0x0  }
0x3f: {  	s13 =	simm.s32 @!p2 $0x0;
	[sflag:s14] =	ssyncadd.s32 @!p0 $0xFFFFFC18;
	s14 =	simm.s32 @!p2 $0x9878  }
0x40: {  	[hbm4b:s10+s13] =	stream.linear.scatter @!p2 [tilespmem:s14], [sflag:$0x2], $0x3E8, $0x38;
	[tilespmem:$0x9C78] =	vst v63  }
0x41: {  	s13 =	simm.s32 @!p2 $0x2  }
0x42: {  	s3 =	sadd.s32 $0x1, s3;
	_ =	swait.ge @!p2 [sflag:s13], $0x3E8  }
0x43: {  	p4 =	sne.s32 s3, s12;
	[sflag:s13] =	ssyncset.done @!p2 $0x0  }
0x44: {  	s14 =	simm.s32 @!p3 $0x9878;
	[sflag:s13] =	ssyncadd.s32 @!p2 $0xFFFFFC18;
	s13 =	simm.s32 @!p3 $0x0  }
0x45: {  	[hbm4b:s11+s13] =	stream.linear.scatter @!p3 [tilespmem:s14], [sflag:$0x2], $0x3E8, $0x38;
	[tilespmem:$0x9C78] =	vst v63  }
.Ltmp1:
0x46: {  	_ = 	snop;
	(pc) =	sbr.rel @p4 .LBB2_1-.Ltmp1, $4  }
0x47: {  	s13 =	simm.s32 @!p3 $0x2  }
0x48: {  	_ =	swait.ge @!p3 [sflag:s13], $0x3E8  }
0x49: {  	[sflag:s13] =	ssyncset.done @!p3 $0x0  }
0x4a: {  	[sflag:s13] =	ssyncadd.s32 @!p3 $0xFFFFFC18  }
0x4b: {  	_ =	sfence.sel $0x180000  }
0x4c: {  	[bflag:$0x0] =	sbarrier.arrive $0xFFFF  }
0x4d: {  	p0 =	sne.s32 s0, $0x0;
	_ =	strace $0x9000004A  }
0x4e: {  	s0 =	sadd.s32 @!p0 $0x100000, s1;
	[bflag:$0x2] =	sbarrier.arrive $0xFFFF  }
0x4f: {  	[sflag:s0] =	ssyncadd.tile.s32 @!p0 $0x1;
	_ =	shalt  }
.Lfunc_end2:
_tile_overlayer_lowered:
.L_overlay_start_2:
0x50: {  	(tag) =	ssettag $0x2  }
0x51: {  	s0 =	rddreg [dreg:$0x0];
	s2 =	stileid.u32  }
0x52: {  	s1 =	rddreg [dreg:$0x1];
	p0 =	sne.s32 s2, $0x0  }
0x53: {  	s3 =	rddreg [dreg:$0x2];
	[bflag:$0x3] =	sbarrier.arrive $0xFFFF;
	s2 =	simm.s32 @!p0 $0x1C02  }
0x54: {  	[timem:s3], [sflag:s2] =	dma.local @!p0 [hbm:s0], s1  }
0x55: {  	s0 =	simm.s32 @!p0 $0x2  }
0x56: {  	_ =	swait.ge @!p0 [sflag:s0], s1  }
0x57: {  	s1 =	ssub.s32 @!p0 $0x0, s1;
	[sflag:s0] =	ssyncset.done @!p0 $0x0  }
0x58: {  	[sflag:s0] =	ssyncadd.s32 @!p0 s1  }
0x59: {  	[bflag:$0x3] =	sbarrier.arrive $0xFFFF  }
0x5a: {  	_ =	shalt  }

// kernel: kernel.7.cloned.1.call-start
scs
__scs_entry_jumppad:
0x0: {  	(pc) =	sbr.rel $0x88, $3  }
0x1: {  	(tag) =	ssettag $0x0;
	lr =	simm.s32 $0x1  }
0x2: {  	[smem:$0x3F97] =	sst lr;
	_ =	strace $0xD0000000  }
0x3: {  	_ = 	snop  }
0x4: {  	_ = 	snop  }
0x5: {  	_ = 	snop  }
0x6: {  	_ = 	snop  }
0x7: {  	_ = 	snop  }
__scs_overlays_trampoline_lowered:
0x8: {  	[smem:$0x3FA6] =	sst s0  }
0x9: {  	[smem:$0x3FA7] =	sst s1  }
0xa: {  	[smem:$0x3FA8] =	sst s2  }
0xb: {  	[smem:$0x3FA9] =	sst s3  }
0xc: {  	[smem:$0x3FAA] =	sst s4  }
0xd: {  	[smem:$0x3FAB] =	sst s5  }
0xe: {  	[smem:$0x3FAC] =	sst s6  }
0xf: {  	[smem:$0x3FAD] =	sst s7  }
0x10: {  	[smem:$0x3FAE] =	sst s8  }
0x11: {  	[smem:$0x3FAF] =	sst s9;
	s0 =	simm.s32 @!p0 $0x0  }
0x12: {  	s1 =	sld [smem:$0x3F95];
	s0 =	simm.s32 @p0 $0x1  }
0x13: {  	[smem:$0x3FB0] =	sst s0;
	s0 =	simm.s32 @!p1 $0x0  }
0x14: {  	s2 =	sld [smem:$0x3F94];
	s0 =	simm.s32 @p1 $0x1  }
0x15: {  	[smem:$0x3FB1] =	sst s0;
	s0 =	simm.s32 @!p2 $0x0  }
0x16: {  	s3 =	sld [smem:$0x3FDB];
	s0 =	simm.s32 @p2 $0x1  }
0x17: {  	s4 =	simm.s32 $0x1BF5;
	[smem:$0x3FB3] =	sst s0  }
0x18: {  	s0 =	sld [smem:$0x3F96];
	_ =	swait.ge [sflag:s4], $0x0  }
0x19: {  	s7 =	sld [smem:$0x3F97]  }
0x1a: {  	s8 =	sadd.s32 $0xFFFFE003, lr  }
0x1b: {  	s9 =	sadd.s32 $0xFFFFFEF7, lr;
	s5 =	simm.s32 $0xFFFFFFFF;
	p2 =	slt.u32 s8, $0xFFFFF086  }
0x1c: {  	p1 =	slt.u32 s9, $0xF7A;
	s5 =	simm.s32 @!p2 $0x0  }
0x1d: {  	s5 =	simm.s32 @p1 $0x1;
	p0 =	seq.s32 s7, s2  }
0x1e: {  	s7 =	smul.u32 @!p0 $0xF7A, s2;
	p2 =	seq.s32 @!p0 s5, $0x0  }
0x1f: {  	s9 =	smul.u32 $0xF7A, s1;
	s8 =	simm.s32 @!p0 $0x1BF5;
	p2 =	por !p2, p0  }
0x20: {  	[sflag:s8] =	ssyncset.s32 @!p0 $0xFFFFF086;
	s6 =	sadd.s32 @!p0 s3, s7;
	s7 =	simm.s32 @!p0 $0x108  }
0x21: {  	s3 =	sadd.s32 s3, s9;
	s6 =	sadd.s32 @!p0 $0x88, s6;
	s7 =	simm.s32 @p2 $0x1082  }
0x22: {  	[simem:s7], [sflag:s8] =	dma.local @!p0 [hbm:s6], $0xF7A  }
0x23: {  	s9 =	sor.u32 $0xD0000000, s2;
	s6 =	simm.s32 $0x108;
	_ =	swait.ge @!p0 [sflag:s8], $0x0  }
0x24: {  	s3 =	sadd.s32 $0x88, s3;
	s6 =	simm.s32 @!p1 $0x1082;
	[sflag:s4] =	ssyncset.s32 $0xFFFFF086  }
0x25: {  	[simem:s6], [sflag:s4] =	dma.local [hbm:s3], $0xF7A  }
0x26: {  	[smem:$0x3F97] =	sst s1;
	(tag) =	ssettag s2;
	_ =	strace s9  }
0x27: {  	s1 =	sld [smem:$0x3FA7]  }
0x28: {  	s2 =	sld [smem:$0x3FA8]  }
0x29: {  	s4 =	sld [smem:$0x3FAA]  }
0x2a: {  	p0 =	seq.s32 s5, $0x0;
	s5 =	sld [smem:$0x3FAB]  }
0x2b: {  	s6 =	sld [smem:$0x3FAC]  }
0x2c: {  	s7 =	sld [smem:$0x3FAD]  }
0x2d: {  	s3 =	simm.s32 $0x108;
	s8 =	sld [smem:$0x3FAE]  }
0x2e: {  	s3 =	simm.s32 @!p0 $0x1082;
	s9 =	sld [smem:$0x3FAF]  }
0x2f: {  	lr =	sadd.s32 s0, s3;
	s0 =	sld [smem:$0x3FA6]  }
0x30: {  	s3 =	sld [smem:$0x3FA9]  }
0x31: {  	[smem:$0x3FB2] =	sst s10  }
0x32: {  	s10 =	sld [smem:$0x3FB0];
	_ =	sdelay $0x3  }
0x33: {  	p0 =	seq.s32 s10, $0x1;
	s10 =	sld [smem:$0x3FB2];
	_ =	sdelay $0x3  }
0x34: {  	[smem:$0x3FB2] =	sst s10  }
0x35: {  	s10 =	sld [smem:$0x3FB1];
	_ =	sdelay $0x3  }
0x36: {  	p1 =	seq.s32 s10, $0x1;
	s10 =	sld [smem:$0x3FB2];
	_ =	sdelay $0x3  }
0x37: {  	[smem:$0x3FB2] =	sst s10  }
0x38: {  	s10 =	sld [smem:$0x3FB3]  }
0x39: {  	_ = 	snop;
	(pc) =	sbr.ind lr, $3  }
0x3a: {  	_ = 	snop  }
0x3b: {  	_ = 	snop  }
0x3c: {  	p2 =	seq.s32 s10, $0x1;
	s10 =	sld [smem:$0x3FB2]  }
0x3d: {  	_ =	shalt  }
0x3e: {  	_ =	shalt  }
0x3f: {  	_ =	shalt  }
0x40: {  	_ =	shalt  }
0x41: {  	_ =	shalt  }
0x42: {  	_ =	shalt  }
0x43: {  	_ =	shalt  }
0x44: {  	_ =	shalt  }
0x45: {  	_ =	shalt  }
0x46: {  	_ =	shalt  }
0x47: {  	_ =	shalt  }
0x48: {  	_ =	shalt  }
0x49: {  	_ =	shalt  }
0x4a: {  	_ =	shalt  }
0x4b: {  	_ =	shalt  }
0x4c: {  	_ =	shalt  }
0x4d: {  	_ =	shalt  }
0x4e: {  	_ =	shalt  }
0x4f: {  	_ =	shalt  }
0x50: {  	_ =	shalt  }
0x51: {  	_ =	shalt  }
0x52: {  	_ =	shalt  }
0x53: {  	_ =	shalt  }
0x54: {  	_ =	shalt  }
0x55: {  	_ =	shalt  }
0x56: {  	_ =	shalt  }
0x57: {  	_ =	shalt  }
0x58: {  	_ =	shalt  }
0x59: {  	_ =	shalt  }
0x5a: {  	_ =	shalt  }
0x5b: {  	_ =	shalt  }
0x5c: {  	_ =	shalt  }
0x5d: {  	_ =	shalt  }
0x5e: {  	_ =	shalt  }
0x5f: {  	_ =	shalt  }
0x60: {  	_ =	shalt  }
0x61: {  	_ =	shalt  }
0x62: {  	_ =	shalt  }
0x63: {  	_ =	shalt  }
0x64: {  	_ =	shalt  }
0x65: {  	_ =	shalt  }
0x66: {  	_ =	shalt  }
0x67: {  	_ =	shalt  }
0x68: {  	_ =	shalt  }
0x69: {  	_ =	shalt  }
0x6a: {  	_ =	shalt  }
0x6b: {  	_ =	shalt  }
0x6c: {  	_ =	shalt  }
0x6d: {  	_ =	shalt  }
0x6e: {  	_ =	shalt  }
0x6f: {  	_ =	shalt  }
0x70: {  	_ =	shalt  }
0x71: {  	_ =	shalt  }
0x72: {  	_ =	shalt  }
0x73: {  	_ =	shalt  }
0x74: {  	_ =	shalt  }
0x75: {  	_ =	shalt  }
0x76: {  	_ =	shalt  }
0x77: {  	_ =	shalt  }
0x78: {  	_ =	shalt  }
0x79: {  	_ =	shalt  }
0x7a: {  	_ =	shalt  }
0x7b: {  	_ =	shalt  }
0x7c: {  	_ =	shalt  }
0x7d: {  	_ =	shalt  }
0x7e: {  	_ =	shalt  }
0x7f: {  	_ =	shalt  }
0x80: {  	_ =	shalt  }
0x81: {  	_ =	shalt  }
0x82: {  	_ =	shalt  }
0x83: {  	_ =	shalt  }
0x84: {  	_ =	shalt  }
0x85: {  	_ =	shalt  }
0x86: {  	_ =	shalt  }
0x87: {  	_ =	shalt  }
.Lfunc_end0:
.L_simem_size_0:
called_computation_lowered:
.L_overlay_start_0:
0x88: {  	s2 =	sld [smem:$0x3FD9]  }
0x89: {  	s3 =	sld [smem:$0x3FFE];
	_ =	sdelay $0x1  }
0x8a: {  	s1 =	srdreg.scid  }
0x8b: {  	s0 =	sand.u32 $0x1, s1  }
0x8c: {  	s16 =	sshll.u32 s0, $0xA;
	s2 =	sadd.s32 s3, s2  }
0x8d: {  	s2 =	sadd.s32 s2, s16  }
0x8e: {  	[smem:$0x3FBE] =	sst s2  }
0x8f: {  	_ = 	snop  }
0x90: {  	(tm) =	ssettm $0x1  }
0x91: {  	s17 =	sld [smem:$0x3FFB];
	_ =	sdelay $0x3  }
0x92: {  	_ =	strace s17  }
0x93: {  	s2 =	sld [smem:$0x3FFC];
	_ =	sdelay $0x3  }
0x94: {  	_ =	strace s2  }
0x95: {  	s2 =	sld [smem:$0x3FFD];
	_ =	sdelay $0x3  }
0x96: {  	_ =	strace s2  }
0x97: {  	_ =	strace $0x8FFFFFFF  }
0x98: {  	s18 =	sld [smem:$0x3FDB];
	_ =	sdelay $0x1  }
0x99: {  	s19 =	simm.s32 $_scs_section_size  }
0x9a: {  	s4 =	simm.s32 $_size__tile_overlayer_lowered;
	s5 =	simm.s32 $_tile_overlayer_lowered  }
0x9b: {  	s22 =	simm.s32 $0x1BFF;
	s21 =	sshll.u32 s5, $0x1;
	s2 =	sadd.s32 s19, s18  }
0x9c: {  	s6 =	simm.s32 $0x0;
	s20 =	sshll.u32 s4, $0x1;
	s4 =	sadd.s32 s21, s2  }
0x9d: {  	[timem:s6], [sflag:s22] =	dma.local [hbm:s4], s20  }
0x9e: {  	_ =	swait.ge [sflag:s22], s20  }
0x9f: {  	s3 =	ssub.s32 $0x0, s20;
	[sflag:s22] =	ssyncset.done $0x0  }
0xa0: {  	[sflag:s22] =	ssyncadd.s32 s3;
	_ =	sdelay $0x1  }
0xa1: {  	s23 =	simm.s32 $0x1B8B  }
0xa2: {  	_ =	swait.ge [sflag:s23], $0x1  }
0xa3: {  	[sflag:s23] =	ssyncset.done $0x0  }
0xa4: {  	s25 =	simm.s32 $0x1B8E;
	s24 =	sld [smem:$0x3FFE];
	[sflag:s23] =	ssyncadd.s32 $0xFFFFFFFF  }
0xa5: {  	s26 =	simm.s32 $execute0_lowered;
	[smem:$0x3FD2] =	sst s25  }
0xa6: {  	s4 =	sshll.u32 s26, $0x1;
	_ =	strace $0x80000046;
	[dreg:$0x1] =	wrdreg $0xFFFFFFFF  }
0xa7: {  	s28 =	simm.s32 $_size_execute0_lowered;
	s2 =	sadd.s32 s2, s4;
	[dreg:$0x0] =	wrdreg $0x0  }
0xa8: {  	s4 =	sshll.u32 s28, $0x1;
	[dreg:$0x2] =	wrdreg s2  }
0xa9: {  	[dreg:$0x3] =	wrdreg s4  }
0xaa: {  	[dreg:$0x4] =	wrdreg $0xC0  }
0xab: {  	_ =	task [dreg:s6], $0x5FFFF  }
0xac: {  	[dreg:$0x1] =	wrdreg $0xFFFFFFFF  }
0xad: {  	[dreg:$0x0] =	wrdreg $0x60  }
0xae: {  	[dreg:$0x2] =	wrdreg s24  }
0xaf: {  	[dreg:$0x3] =	wrdreg $0x0  }
0xb0: {  	[dreg:$0x4] =	wrdreg $0x138800  }
0xb1: {  	[dreg:$0x5] =	wrdreg $0x9  }
0xb2: {  	_ =	task.clear_ibuf [dreg:s6], $0x6FFFF;
	_ =	strace $0x90000046  }
0xb3: {  	s29 =	simm.s32 $0x9;
	_ =	strace $0x80000048  }
0xb4: {  	_ =	swait.ge [sflag:s29], $0x1  }
0xb5: {  	[sflag:s29] =	ssyncadd.s32 $0xFFFFFFFF  }
0xb6: {  	_ =	strace $0x90000048  }
0xb7: {  	_ =	sfence  }
0xb8: {  	s30 =	sld [smem:$0x0];
	_ =	sdelay $0x2  }
0xb9: {  	s31 =	sshll.u32 s1, $0xD;
	s1 =	sshrl.u32 s1, $0x2  }
0xba: {  	s3 =	sand.u32 $0x4000, s31;
	s1 =	sadd.s32 s1, s30  }
0xbb: {  	s0 =	sor.u32 s3, s0;
	s1 =	sshll.u32 s1, $0x11  }
0xbc: {  	s0 =	sor.u32 s1, s0  }
0xbd: {  	s0 =	sadd.s32 $0x8F2B, s0  }
0xbe: {  	[sflag:s0] =	ssyncadd.remote.s32 $0x1  }
0xbf: {  	_ =	sfence.sel $0xFFFF  }
0xc0: {  	[dreg:$0x0] =	wrdreg $0xFFFFFFFF;
	(pc) =	sbr.abs _section_cstart, $3  }
0xc1: {  	[dreg:$0x1] =	wrdreg $0xFFFFFFFF  }
0xc2: {  	_ =	task.clear_ibuf [dreg:s6], $0x2FFFF;
	_ =	strace $0x9FFFFFFF  }
0xc3: {  	(tm) =	ssettm $0x7FFFFFFF  }
tec
execute0_lowered:
.L_overlay_start_1:
0x0: {  	(tag) =	ssettag $0x1  }
0x1: {  	s0 =	rddreg [dreg:$0x0]  }
0x2: {  	s2 =	srdreg.scid;
	s14 =	stileid.u32  }
0x3: {  	s1 =	rddreg [dreg:$0x1];
	s4 =	smul.u32 $0x7D, s14  }
0x4: {  	s3 =	rddreg [dreg:$0x2];
	s15 =	simm.s32 $0x0;
	s10 =	smul.u32 $0x4E000, s14  }
0x5: {  	s31 =	simm.s32 $0x164F8;
	s5 =	sand.u32 $0x1, s2;
	s20 =	smul.u32 $0xFA0, s14  }
0x6: {  	[smem:$0x7FF] =	sst s15;
	s6 =	sadd.s32 $0x15800, s0;
	s25 =	smul.u32 $0x13800, s14  }
0x7: {  	s7 =	sadd.s32 $0x1C00, s0;
	s11 =	sadd.s32 $0x3D600, s0;
	s30 =	smul.u32 $0x2710, s14  }
0x8: {  	p1 =	sne.s32 s14, $0x0;
	s2 =	sshll.u32 s5, $0x4;
	s23 =	smul.u32 $0x138800, s5  }
0x9: {  	p2 =	sgt.u32 s14, $0x9;
	s29 =	smul.u32 $0x27100, s5;
	s2 =	sor.u32 s14, s2  }
0xa: {  	_ =	strace $0x80000047;
	s9 =	ssub.s32 $0x2, s5;
	s2 =	smul.u32 $0x2710, s2  }
0xb: {  	[dreg:$0x4] =	wrdreg s5;
	p0 =	seq.s32 s5, $0x1;
	s12 =	sshrl.u32 s9, $0x1  }
0xc: {  	s19 =	sshrl.u32 s10, $0x2;
	s14 =	simm.s32 $0x3;
	s2 =	sshrl.u32 s2, $0x3  }
0xd: {  	s8 =	sadd.s32 s2, s0;
	s0 =	sadd.s32 s4, s0;
	s16 =	sadd.s32 s7, s2  }
0xe: {  	s4 =	ssub.s32 s9, s12;
	s9 =	sadd.s32 s19, s1;
	[dreg:$0xd] =	wrdreg s16  }
0xf: {  	s28 =	sadd.s32 s25, s23;
	s8 =	sadd.s32 $0xBA00, s8;
	[dreg:$0x6] =	wrdreg s9  }
0x10: {  	s10 =	sshrl.u32 s23, $0x3;
	s21 =	sadd.s32 $0x3400, s9;
	[dreg:$0x5] =	wrdreg s8  }
0x11: {  	s18 =	sadd.s32 s30, s29;
	s22 =	sadd.s32 $0x6800, s9;
	[dreg:$0x7] =	wrdreg s21  }
0x12: {  	s10 =	sadd.s32 s11, s10;
	s24 =	sadd.s32 $0x9C00, s9;
	[dreg:$0x8] =	wrdreg s22  }
0x13: {  	s12 =	simm.s32 $0x16378;
	s13 =	sadd.s32 $0xD000, s9;
	[dreg:$0x9] =	wrdreg s24  }
0x14: {  	s26 =	sadd.s32 $0x10400, s9;
	s17 =	sadd.s32 $0x3CA00, s0;
	[dreg:$0xa] =	wrdreg s13  }
0x15: {  	s0 =	sadd.s32 $0x3D000, s0;
	s19 =	smax.u32 s4, $0x1;
	[dreg:$0xb] =	wrdreg s26  }
0x16: {  	s29 =	sadd.s32 $0x10, s16;
	s30 =	sadd.s32 $0x4E0, s16;
	[dreg:$0x10] =	wrdreg s17  }
0x17: {  	s16 =	simm.s32 $0x13AF8;
	s4 =	simm.s32 $0x2;
	[dreg:$0x11] =	wrdreg s0  }
0x18: {  	s8 =	sshrl.u32 s20, $0x2;
	[dreg:$0x12] =	wrdreg s19;
	s20 =	sadd.s32 $0x280, s18  }
0x19: {  	s21 =	sadd.s32 $0x180, s18;
	s22 =	sadd.s32 $0x100, s18;
	[dreg:$0x18] =	wrdreg s29  }
0x1a: {  	s26 =	sadd.s32 $0x200, s18;
	[dreg:$0x19] =	wrdreg s30;
	s13 =	simm.s32 $0x1E4F8  }
0x1b: {  	s8 =	sadd.s32 s8, s3;
	s0 =	sshrl.u32 s20, $0x3;
	[dreg:$0x16] =	wrdreg s26  }
0x1c: {  	s24 =	sshrl.u32 s22, $0x3;
	[dreg:$0xc] =	wrdreg s8;
	s0 =	sadd.s32 s0, s7  }
0x1d: {  	s17 =	simm.s32 $0x163F8;
	s25 =	sadd.s32 s24, s7;
	[dreg:$0x13] =	wrdreg s0  }
0x1e: {  	s8 =	sshrl.u32 s28, $0x3;
	s28 =	sadd.s32 $0x138000, s1;
	[dreg:$0x15] =	wrdreg s25  }
.Ltmp0:
0x1f: {  	s8 =	sadd.s32 s11, s8;
	[dreg:$0x17] =	wrdreg s28;
	(pc) =	sbr.rel .LBB2_1-.Ltmp0, $4  }
0x20: {  	s23 =	sshrl.u32 s21, $0x3;
	s11 =	sadd.s32 $0x27000, s10;
	[dreg:$0xe] =	wrdreg s8  }
0x21: {  	s18 =	simm.s32 $0x1A4F8;
	s0 =	sadd.s32 s23, s7;
	[dreg:$0xf] =	wrdreg s11  }
0x22: {  	s19 =	simm.s32 $0x0;
	s10 =	simm.s32 $0x80;
	[dreg:$0x14] =	wrdreg s0  }
0x23: {  	v0 =	vimm.f32 $0.0e+00;
	v1 =	vimm.f32 $1.000000000e+00;
	s0 =	simm.s32 $0x5;
	s8 =	simm.s32 $0x4;
	s11 =	simm.s32 $0x1  }
.LBB2_19:
0x24: {  	s15 =	simm.s32 $0x0;
	s2 =	rddreg [dreg:$0x19];
	s5 =	simm.s32 $0x16478  }
0x25: {  	[tilespmem:s5], [sflag:$0x5] =	stream.linear.gather [hbm4b:s2+s15], $0x10, $0x38;
	[tilespmem:$0x1E978] =	vst v63  }
0x26: {  	_ =	swait.ge [sflag:s0], $0x10  }
0x27: {  	[sflag:s0] =	ssyncset.done $0x0  }
0x28: {  	s26 =	simm.s32 $0x10;
	s9 =	simm.s32 $0x161F8;
	[sflag:s0] =	ssyncadd.s32 $0xFFFFFFF0  }
0x29: {  	[tilespmem:s31], [sflag:$0x1] =	stream.indirect.gather [hbm4b:s6+s26], $0x80, s9, s26, $0xb8;
	[tilespmem:$0x1E978] =	vst v63  }
0x2a: {  	_ =	swait.ge [sflag:s11], $0x800  }
0x2b: {  	[sflag:s11] =	ssyncset.done $0x0  }
0x2c: {  	[sflag:s11] =	ssyncadd.s32 $0xFFFFF800  }
0x2d: {  	[spmem:s1] =	stream.indirect.scatter.add.f32 [tilespmem:s31], [sflag:$0x5], $0x80, s5, s26, $0xb8;
	[tilespmem:$0x1E978] =	vst v63  }
0x2e: {  	_ =	swait.ge [sflag:s0], $0x800  }
0x2f: {  	[sflag:s0] =	ssyncset.done $0x0  }
0x30: {  	[sflag:s0] =	ssyncadd.s32 $0xFFFFF800  }
0x31: {  	[spmem:s3] =	stream.indirect.scatter.add.f32 [tilespmem:s13], [sflag:$0x5], $0x1, s5, s26, $0xb8;
	[tilespmem:$0x1E978] =	vst v63  }
0x32: {  	_ =	swait.ge [sflag:s0], $0x10  }
0x33: {  	[sflag:s0] =	ssyncset.done $0x0  }
0x34: {  	[sflag:s0] =	ssyncadd.s32 $0xFFFFFFF0  }
0x35: {  	s28 =	stileid.u32;
	[bflag:$0x0] =	sbarrier.arrive $0xFFFF  }
0x36: {  	s2 =	sshll.u32 s28, $0x6;
	s9 =	rddreg [dreg:$0x6]  }
0x37: {  	s2 =	sor.u32 $0x1C05, s2;
	s16 =	rddreg [dreg:$0xe];
	s29 =	sshrl.u32 s9, $0x3  }
0x38: {  	[hbm:s16], [sflag:s2] =	dma.local [spmem:s29], $0x2700  }
0x39: {  	_ =	swait.ge [sflag:s0], $0x2700  }
0x3a: {  	[sflag:s0] =	ssyncset.done $0x0;
	s5 =	rddreg [dreg:$0x17]  }
0x3b: {  	s16 =	rddreg [dreg:$0xf];
	[sflag:s0] =	ssyncadd.s32 $0xFFFFD900;
	s5 =	sshrl.u32 @!p1 s5, $0x3  }
0x3c: {  	[hbm:s16], [sflag:s2] =	dma.local @!p1 [spmem:s5], $0x100  }
0x3d: {  	s2 =	simm.s32 @!p1 $0x5  }
0x3e: {  	_ =	swait.ge @!p1 [sflag:s2], $0x100  }
0x3f: {  	[sflag:s2] =	ssyncset.done @!p1 $0x0  }
0x40: {  	s5 =	rddreg [dreg:$0xc];
	[sflag:s2] =	ssyncadd.s32 @!p1 $0xFFFFFF00;
	s2 =	simm.s32 @p3 $0x1E578  }
0x41: {  	[tilespmem:s2], [sflag:$0x5] =	stream.linear.gather @p3 [spmem:s5], $0x3E8, $0x38;
	[tilespmem:$0x1E978] =	vst v63  }
0x42: {  	s2 =	simm.s32 @p3 $0x5;
	s5 =	rddreg [dreg:$0x4]  }
0x43: {  	p4 =	sne.s32 @p3 s5, $0x0;
	_ =	swait.ge @p3 [sflag:s2], $0x3E8  }
0x44: {  	[sflag:s2] =	ssyncset.done @p3 $0x0;
	p4 =	por p4, !p3;
	s16 =	rddreg [dreg:$0x10]  }
0x45: {  	[sflag:s2] =	ssyncadd.s32 @p3 $0xFFFFFC18;
	s2 =	simm.s32 @!p4 $0x0;
	s5 =	simm.s32 @!p4 $0x1E578  }
0x46: {  	[hbm4b:s16+s2] =	stream.linear.scatter @!p4 [tilespmem:s5], [sflag:$0x5], $0x3E8, $0x38;
	[tilespmem:$0x1E978] =	vst v63  }
0x47: {  	s2 =	simm.s32 @!p4 $0x5  }
0x48: {  	p3 =	por !p0, !p3;
	_ =	swait.ge @!p4 [sflag:s2], $0x3E8  }
0x49: {  	s5 =	simm.s32 @!p3 $0x1E578;
	[sflag:s2] =	ssyncset.done @!p4 $0x0  }
0x4a: {  	s16 =	rddreg [dreg:$0x11];
	[sflag:s2] =	ssyncadd.s32 @!p4 $0xFFFFFC18;
	s2 =	simm.s32 @!p3 $0x0  }
0x4b: {  	[hbm4b:s16+s2] =	stream.linear.scatter @!p3 [tilespmem:s5], [sflag:$0x5], $0x3E8, $0x38;
	[tilespmem:$0x1E978] =	vst v63  }
0x4c: {  	s2 =	simm.s32 @!p3 $0x5  }
0x4d: {  	_ =	swait.ge @!p3 [sflag:s2], $0x3E8  }
0x4e: {  	s19 =	rddreg [dreg:$0x1a]  }
0x4f: {  	s30 =	rddreg [dreg:$0x12];
	s19 =	sadd.s32 $0x1, s19  }
0x50: {  	p4 =	sne.s32 s19, s30  }
.Ltmp1:
0x51: {  	_ = 	snop;
	(pc) =	sbr.rel @!p4 .LBB2_20-.Ltmp1, $3  }
0x52: {  	_ =	sdelay $0x1  }
0x53: {  	[sflag:s2] =	ssyncset.done @!p3 $0x0  }
0x54: {  	s16 =	simm.s32 $0x13AF8;
	[sflag:s2] =	ssyncadd.s32 @!p3 $0xFFFFFC18  }
.LBB2_1:
0x55: {  	s2 =	rddreg [dreg:$0x5];
	s30 =	sand.u32 $0xFE00, s15;
	s5 =	simm.s32 $0x0  }
0x56: {  	[tilespmem:s16], [sflag:$0x4] =	stream.linear.gather [hbm4b:s2+s15], $0x2710, $0x38;
	[tilespmem:$0x1E978] =	vst v63  }
0x57: {  	[dreg:$0x1a] =	wrdreg s19;
	s22 =	sand.u32 $0x70, s5;
	s23 =	sshrl.u32 s30, $0x2  }
0x58: {  	s2 =	simm.s32 $0x40;
	s23 =	sor.u32 s22, s23;
	s22 =	simm.s32 $0x0  }
.LBB2_2:
0x59: {  	p3 =	sne.s32 s2, $0xFFC0  }
0x5a: {  	[tilespmem:s23+$0x164F8] =	vst v0;
	s22 =	sadd.s32 $0x10, s22;
	s23 =	smov.u32 s2;
	s2 =	sadd.s32 $0x40, s2  }
.Ltmp2:
0x5b: {  	(pc) =	sbr.rel @p3 .LBB2_2-.Ltmp2, $4  }
0x5c: {  	_ = 	snop  }
0x5d: {  	s23 =	sand.u32 $0xFE00, s23  }
0x5e: {  	s24 =	sand.u32 $0x70, s22;
	s23 =	sshrl.u32 s23, $0x2  }
0x5f: {  	s23 =	sor.u32 s24, s23  }
0x60: {  	[tilespmem:s23+$0x164F8] =	vst v0  }
0x61: {  	[tilespmem:$0x1E4F8] =	vst v1  }
0x62: {  	[tilespmem:$0x1E508] =	vst v1  }
0x63: {  	[tilespmem:$0x1E518] =	vst v1  }
0x64: {  	[tilespmem:$0x1E528] =	vst v1  }
0x65: {  	[tilespmem:$0x1E538] =	vst v1  }
0x66: {  	[tilespmem:$0x1E548] =	vst v1  }
0x67: {  	[tilespmem:$0x1E558] =	vst v1  }
0x68: {  	s2 =	simm.s32 $0x40;
	s22 =	simm.s32 $0x0;
	[tilespmem:$0x1E568] =	vst v1  }
.LBB2_4:
0x69: {  	p3 =	sne.s32 s2, $0xFC0;
	[tilespmem:s22+$0x1E578] =	vst v0;
	s22 =	smov.u32 s2;
	s2 =	sadd.s32 $0x40, s2  }
.Ltmp3:
0x6a: {  	(pc) =	sbr.rel @p3 .LBB2_4-.Ltmp3, $2  }
0x6b: {  	_ =	sdelay $0x2  }
0x6c: {  	s22 =	sshra.s32 s22, $0x2  }
0x6d: {  	[tilespmem:s22+$0x1E578] =	vst v0  }
0x6e: {  	[spmem:s9] =	stream.linear.scatter [tilespmem:s31], [sflag:$0x2], $0x3400, $0x38;
	[tilespmem:$0x1E978] =	vst v63  }
0x6f: {  	s2 =	rddreg [dreg:$0x7]  }
0x70: {  	[spmem:s2] =	stream.linear.scatter [tilespmem:s31], [sflag:$0x2], $0x3400, $0x38;
	[tilespmem:$0x1E978] =	vst v63  }
0x71: {  	s26 =	rddreg [dreg:$0x8]  }
0x72: {  	[spmem:s26] =	stream.linear.scatter [tilespmem:s31], [sflag:$0x2], $0x3400, $0x38;
	[tilespmem:$0x1E978] =	vst v63  }
0x73: {  	s28 =	rddreg [dreg:$0x9]  }
0x74: {  	[spmem:s28] =	stream.linear.scatter [tilespmem:s31], [sflag:$0x2], $0x3400, $0x38;
	[tilespmem:$0x1E978] =	vst v63  }
.Ltmp4:
0x75: {  	_ = 	snop;
	(pc) =	sbr.rel @!p1 .LBB2_6-.Ltmp4, $4  }
0x76: {  	s29 =	rddreg [dreg:$0xa]  }
0x77: {  	[spmem:s29] =	stream.linear.scatter [tilespmem:s31], [sflag:$0x2], $0x3400, $0x38;
	[tilespmem:$0x1E978] =	vst v63  }
0x78: {  	s30 =	rddreg [dreg:$0xb]  }
0x79: {  	[spmem:s30] =	stream.linear.scatter [tilespmem:s31], [sflag:$0x2], $0x3400, $0x38;
	[tilespmem:$0x1E978] =	vst v63  }
.Ltmp5:
0x7a: {  	(pc) =	sbr.rel @p2 .LBB2_9-.Ltmp5, $4  }
.Ltmp6:
0x7b: {  	(pc) =	sbr.rel @!p2 .LBB2_8-.Ltmp6, $4  }
0x7c: {  	_ = 	snop  }
0x7d: {  	_ = 	snop  }
0x7e: {  	p3 =	por $0x0, $0x0  }
0x7f: {  	_ = 	snop  }
.LBB2_6:
0x80: {  	s2 =	rddreg [dreg:$0x17]  }
0x81: {  	[spmem:s2] =	stream.linear.scatter [tilespmem:s31], [sflag:$0x5], $0x800, $0x38;
	[tilespmem:$0x1E978] =	vst v63  }
0x82: {  	_ =	swait.ge [sflag:s0], $0x800  }
0x83: {  	[sflag:s0] =	ssyncset.done $0x0  }
0x84: {  	[sflag:s0] =	ssyncadd.s32 $0xFFFFF800  }
.LBB2_8:
0x85: {  	s2 =	rddreg [dreg:$0xc];
	s5 =	simm.s32 $0x1E578  }
0x86: {  	[spmem:s2] =	stream.linear.scatter [tilespmem:s5], [sflag:$0x5], $0x3E8, $0x38;
	[tilespmem:$0x1E978] =	vst v63  }
0x87: {  	_ =	swait.ge [sflag:s0], $0x3E8  }
0x88: {  	[sflag:s0] =	ssyncset.done $0x0  }
0x89: {  	p3 =	por $0x1, $0x1;
	[sflag:s0] =	ssyncadd.s32 $0xFFFFFC18  }
.LBB2_9:
0x8a: {  	_ =	swait.ge [sflag:s4], $0x3400  }
0x8b: {  	[sflag:s4] =	ssyncset.done $0x0  }
0x8c: {  	[sflag:s4] =	ssyncadd.s32 $0xFFFFCC00  }
0x8d: {  	_ =	swait.ge [sflag:s4], $0x3400  }
0x8e: {  	[sflag:s4] =	ssyncset.done $0x0  }
0x8f: {  	[sflag:s4] =	ssyncadd.s32 $0xFFFFCC00  }
0x90: {  	_ =	swait.ge [sflag:s4], $0x3400  }
0x91: {  	[sflag:s4] =	ssyncset.done $0x0  }
0x92: {  	[sflag:s4] =	ssyncadd.s32 $0xFFFFCC00  }
0x93: {  	_ =	swait.ge [sflag:s4], $0x3400  }
0x94: {  	[sflag:s4] =	ssyncset.done $0x0  }
0x95: {  	[sflag:s4] =	ssyncadd.s32 $0xFFFFCC00  }
0x96: {  	_ =	swait.ge [sflag:s4], $0x3400  }
0x97: {  	[sflag:s4] =	ssyncset.done $0x0  }
0x98: {  	[sflag:s4] =	ssyncadd.s32 $0xFFFFCC00  }
0x99: {  	_ =	swait.ge [sflag:s4], $0x3400  }
0x9a: {  	[sflag:s4] =	ssyncset.done $0x0  }
0x9b: {  	[sflag:s4] =	ssyncadd.s32 $0xFFFFCC00  }
0x9c: {  	_ =	swait.ge [sflag:s8], $0x2710  }
0x9d: {  	[sflag:s8] =	ssyncset.done $0x0  }
0x9e: {  	[sflag:s8] =	ssyncadd.s32 $0xFFFFD8F0  }
0x9f: {  	[bflag:$0x0] =	sbarrier.arrive $0xFFFF  }
0xa0: {  	s5 =	rddreg [dreg:$0xd]  }
0xa1: {  	s26 =	rddreg [dreg:$0x18]  }
0xa2: {  	s2 =	simm.s32 $0x0;
	s9 =	simm.s32 $0x16278;
	s25 =	rddreg [dreg:$0x16]  }
0xa3: {  	[tilespmem:s9], [sflag:$0x4] =	stream.linear.gather [hbm4b:s5+s2], $0x80, $0x38;
	[tilespmem:$0x1E978] =	vst v63  }
.Ltmp7:
0xa4: {  	s24 =	rddreg [dreg:$0x15];
	(pc) =	sbr.rel .LBB2_10-.Ltmp7, $4  }
0xa5: {  	s29 =	simm.s32 $0x162F8;
	s23 =	rddreg [dreg:$0x14]  }
0xa6: {  	[tilespmem:s29], [sflag:$0x4] =	stream.linear.gather [hbm4b:s26+s2], $0x80, $0x38;
	[tilespmem:$0x1E978] =	vst v63  }
0xa7: {  	s22 =	simm.s32 $0x3;
	s30 =	simm.s32 $0x13BF8;
	s28 =	rddreg [dreg:$0x13]  }
0xa8: {  	[tilespmem:s31], [sflag:$0x1] =	stream.indirect.gather [hbm4b:s6+s10], $0x80, s16, s10, $0xb8;
	[tilespmem:$0x1E978] =	vst v63  }
.LBB2_15:
0xa9: {  	_ =	swait.ge [sflag:s8], $0x80  }
0xaa: {  	[sflag:s8] =	ssyncset.done $0x0  }
0xab: {  	[sflag:s8] =	ssyncadd.s32 $0xFFFFFF80  }
0xac: {  	_ =	swait.ge [sflag:s11], $0x4000  }
0xad: {  	[sflag:s11] =	ssyncset.done $0x0  }
0xae: {  	[sflag:s11] =	ssyncadd.s32 $0xFFFFC000  }
0xaf: {  	[spmem:s1] =	stream.indirect.scatter.add.f32 [tilespmem:s18], [sflag:$0x2], $0x80, s17, s10, $0xb8;
	[tilespmem:$0x1E978] =	vst v63  }
0xb0: {  	_ = 	snop  }
0xb1: {  	[spmem:s3] =	stream.indirect.scatter.add.f32 [tilespmem:s13], [sflag:$0x3], $0x1, s17, s10, $0xb8;
	[tilespmem:$0x1E978] =	vst v63  }
.LBB2_17:
0xb2: {  	_ =	swait.ge [sflag:s14], $0x80  }
0xb3: {  	[sflag:s14] =	ssyncset.done $0x0  }
0xb4: {  	[sflag:s14] =	ssyncadd.s32 $0xFFFFFF80  }
.LBB2_18:
0xb5: {  	s22 =	sadd.s32 $0x4, s22  }
0xb6: {  	p4 =	sne.s32 s22, $0x57  }
.Ltmp8:
0xb7: {  	_ = 	snop;
	(pc) =	sbr.rel @!p4 .LBB2_19-.Ltmp8, $4  }
0xb8: {  	s5 =	simm.s32 @!p5 $0x0;
	s9 =	simm.s32 @!p5 $0x162F8  }
0xb9: {  	s2 =	sadd.s32 $0x1, s2;
	s30 =	sadd.s32 $0x200, s30;
	s23 =	sadd.s32 $0x40, s23  }
0xba: {  	[tilespmem:s9], [sflag:$0x4] =	stream.linear.gather @!p5 [hbm4b:s28+s5], $0x80, $0x38;
	[tilespmem:$0x1E978] =	vst v63  }
0xbb: {  	s24 =	sadd.s32 $0x40, s24;
	s25 =	sadd.s32 $0x200, s25;
	s28 =	sadd.s32 $0x40, s28  }
.LBB2_10:
0xbc: {  	s16 =	sadd.s32 $0xFFFFFFFB, s22  }
0xbd: {  	p6 =	sgt.u32 s16, $0x4D  }
0xbe: {  	s16 =	simm.s32 @!p6 $0x2  }
0xbf: {  	p4 =	seq.s32 s22, $0x53;
	_ =	swait.ge @!p6 [sflag:s16], $0x4000  }
0xc0: {  	s29 =	simm.s32 @!p4 $0x80;
	[sflag:s16] =	ssyncset.done @!p6 $0x0  }
0xc1: {  	s26 =	simm.s32 @!p4 $0x1A4F8;
	[sflag:s16] =	ssyncadd.s32 @!p6 $0xFFFFC000;
	s16 =	sadd.s32 @!p4 $0xFFFFFF80, s30  }
0xc2: {  	[tilespmem:s26], [sflag:$0x1] =	stream.indirect.gather @!p4 [hbm4b:s6+s29], $0x80, s16, s29, $0xb8;
	[tilespmem:$0x1E978] =	vst v63  }
0xc3: {  	s16 =	simm.s32 @!p4 $0x4  }
0xc4: {  	_ =	swait.ge @!p4 [sflag:s16], $0x80  }
0xc5: {  	[sflag:s16] =	ssyncset.done @!p4 $0x0  }
0xc6: {  	s19 =	simm.s32 @!p4 $0x1;
	[sflag:s16] =	ssyncadd.s32 @!p4 $0xFFFFFF80  }
0xc7: {  	_ =	swait.ge @!p4 [sflag:s19], $0x4000  }
0xc8: {  	[sflag:s19] =	ssyncset.done @!p4 $0x0  }
0xc9: {  	s15 =	simm.s32 @!p4 $0x16278;
	s20 =	simm.s32 @!p4 $0x164F8;
	[sflag:s19] =	ssyncadd.s32 @!p4 $0xFFFFC000  }
0xca: {  	[spmem:s1] =	stream.indirect.scatter.add.f32 @!p4 [tilespmem:s20], [sflag:$0x2], $0x80, s15, s29, $0xb8;
	[tilespmem:$0x1E978] =	vst v63  }
0xcb: {  	s20 =	simm.s32 @!p4 $0x1E4F8  }
0xcc: {  	[spmem:s3] =	stream.indirect.scatter.add.f32 @!p4 [tilespmem:s20], [sflag:$0x3], $0x1, s15, s29, $0xb8;
	[tilespmem:$0x1E978] =	vst v63  }
0xcd: {  	s5 =	sadd.s32 $0xFFFFFFFF, s22;
	s15 =	simm.s32 @!p6 $0x3  }
0xce: {  	p5 =	sgt.u32 s5, $0x4D;
	_ =	swait.ge @!p6 [sflag:s15], $0x80  }
0xcf: {  	s9 =	sadd.s32 $0xFFFFFFFE, s22;
	s21 =	simm.s32 @!p5 $0x16378;
	[sflag:s15] =	ssyncset.done @!p6 $0x0  }
0xd0: {  	[sflag:s15] =	ssyncadd.s32 @!p6 $0xFFFFFF80;
	s15 =	simm.s32 @!p5 $0x0;
	p6 =	sgt.u32 s9, $0x4E  }
0xd1: {  	[tilespmem:s21], [sflag:$0x4] =	stream.linear.gather @!p5 [hbm4b:s24+s15], $0x80, $0x38;
	[tilespmem:$0x1E978] =	vst v63  }
0xd2: {  	s9 =	simm.s32 @!p6 $0x2  }
0xd3: {  	_ =	swait.ge @!p6 [sflag:s9], $0x4000  }
0xd4: {  	[sflag:s9] =	ssyncset.done @!p6 $0x0  }
0xd5: {  	s15 =	simm.s32 @!p5 $0x164F8;
	[sflag:s9] =	ssyncadd.s32 @!p6 $0xFFFFC000;
	s9 =	simm.s32 @!p5 $0x80  }
0xd6: {  	[tilespmem:s15], [sflag:$0x1] =	stream.indirect.gather @!p5 [hbm4b:s6+s9], $0x80, s30, s9, $0xb8;
	[tilespmem:$0x1E978] =	vst v63  }
0xd7: {  	_ =	swait.ge @!p4 [sflag:s16], $0x80  }
0xd8: {  	[sflag:s16] =	ssyncset.done @!p4 $0x0  }
0xd9: {  	[sflag:s16] =	ssyncadd.s32 @!p4 $0xFFFFFF80  }
0xda: {  	_ =	swait.ge @!p4 [sflag:s19], $0x4000  }
0xdb: {  	[sflag:s19] =	ssyncset.done @!p4 $0x0  }
0xdc: {  	s9 =	simm.s32 @!p4 $0x162F8;
	[sflag:s19] =	ssyncadd.s32 @!p4 $0xFFFFC000  }
0xdd: {  	[spmem:s1] =	stream.indirect.scatter.add.f32 @!p4 [tilespmem:s26], [sflag:$0x2], $0x80, s9, s29, $0xb8;
	[tilespmem:$0x1E978] =	vst v63  }
0xde: {  	_ = 	snop  }
0xdf: {  	[spmem:s3] =	stream.indirect.scatter.add.f32 @!p4 [tilespmem:s20], [sflag:$0x3], $0x1, s9, s29, $0xb8;
	[tilespmem:$0x1E978] =	vst v63  }
0xe0: {  	s9 =	simm.s32 @!p6 $0x3  }
0xe1: {  	p4 =	sgt.u32 s22, $0x4D;
	_ =	swait.ge @!p6 [sflag:s9], $0x80  }
0xe2: {  	s15 =	simm.s32 @!p4 $0x163F8;
	[sflag:s9] =	ssyncset.done @!p6 $0x0  }
0xe3: {  	[sflag:s9] =	ssyncadd.s32 @!p6 $0xFFFFFF80;
	s9 =	simm.s32 @!p4 $0x0;
	p6 =	sgt.u32 s5, $0x4E  }
0xe4: {  	[tilespmem:s15], [sflag:$0x4] =	stream.linear.gather @!p4 [hbm4b:s23+s9], $0x80, $0x38;
	[tilespmem:$0x1E978] =	vst v63  }
.Ltmp9:
0xe5: {  	s5 =	simm.s32 @!p6 $0x2;
	(pc) =	sbr.rel @p5 .LBB2_12-.Ltmp9, $4  }
0xe6: {  	_ =	swait.ge @!p6 [sflag:s5], $0x4000  }
0xe7: {  	s9 =	simm.s32 @!p4 $0x80;
	[sflag:s5] =	ssyncset.done @!p6 $0x0  }
0xe8: {  	s15 =	simm.s32 @!p4 $0x1A4F8;
	[sflag:s5] =	ssyncadd.s32 @!p6 $0xFFFFC000;
	s5 =	sadd.s32 @!p4 $0x80, s30  }
0xe9: {  	[tilespmem:s15], [sflag:$0x1] =	stream.indirect.gather @!p4 [hbm4b:s6+s9], $0x80, s5, s9, $0xb8;
	[tilespmem:$0x1E978] =	vst v63  }
0xea: {  	_ =	swait.ge [sflag:s8], $0x80  }
0xeb: {  	[sflag:s8] =	ssyncset.done $0x0  }
0xec: {  	[sflag:s8] =	ssyncadd.s32 $0xFFFFFF80  }
0xed: {  	_ =	swait.ge [sflag:s11], $0x4000  }
.Ltmp10:
0xee: {  	[sflag:s11] =	ssyncset.done $0x0;
	(pc) =	sbr.rel .LBB2_13-.Ltmp10, $4  }
0xef: {  	[sflag:s11] =	ssyncadd.s32 $0xFFFFC000  }
0xf0: {  	[spmem:s1] =	stream.indirect.scatter.add.f32 [tilespmem:s31], [sflag:$0x2], $0x80, s12, s10, $0xb8;
	[tilespmem:$0x1E978] =	vst v63  }
0xf1: {  	_ = 	snop  }
0xf2: {  	[spmem:s3] =	stream.indirect.scatter.add.f32 [tilespmem:s13], [sflag:$0x3], $0x1, s12, s10, $0xb8;
	[tilespmem:$0x1E978] =	vst v63  }
.LBB2_12:
.Ltmp11:
0xf3: {  	(pc) =	sbr.rel @p6 .LBB2_14-.Ltmp11, $1  }
0xf4: {  	_ =	sdelay $0x3  }
.LBB2_13:
0xf5: {  	_ =	swait.ge [sflag:s14], $0x80  }
0xf6: {  	[sflag:s14] =	ssyncset.done $0x0  }
0xf7: {  	[sflag:s14] =	ssyncadd.s32 $0xFFFFFF80  }
.LBB2_14:
0xf8: {  	p5 =	sgt.u32 s2, $0x12  }
0xf9: {  	p6 =	sgt.u32 s22, $0x4E;
	s5 =	sshrl.u32 @!p5 s25, $0x3  }
0xfa: {  	s9 =	simm.s32 @!p5 $0x0;
	s15 =	simm.s32 @!p5 $0x16278;
	s5 =	sadd.s32 @!p5 s7, s5  }
0xfb: {  	[tilespmem:s15], [sflag:$0x4] =	stream.linear.gather @!p5 [hbm4b:s5+s9], $0x80, $0x38;
	[tilespmem:$0x1E978] =	vst v63  }
.Ltmp12:
0xfc: {  	s5 =	simm.s32 @!p6 $0x2;
	(pc) =	sbr.rel @!p4 .LBB2_15-.Ltmp12, $4  }
0xfd: {  	_ =	swait.ge @!p6 [sflag:s5], $0x4000  }
0xfe: {  	s9 =	simm.s32 @!p5 $0x80;
	[sflag:s5] =	ssyncset.done @!p6 $0x0  }
0xff: {  	s15 =	simm.s32 @!p5 $0x164F8;
	[sflag:s5] =	ssyncadd.s32 @!p6 $0xFFFFC000;
	s5 =	sadd.s32 @!p5 $0x100, s30  }
0x100: {  	[tilespmem:s15], [sflag:$0x1] =	stream.indirect.gather @!p5 [hbm4b:s6+s9], $0x80, s5, s9, $0xb8;
	[tilespmem:$0x1E978] =	vst v63  }
.Ltmp13:
0x101: {  	(pc) =	sbr.rel @p6 .LBB2_18-.Ltmp13, $4  }
.Ltmp14:
0x102: {  	(pc) =	sbr.rel @!p6 .LBB2_17-.Ltmp14, $4  }
0x103: {  	_ = 	snop  }
0x104: {  	_ = 	snop  }
0x105: {  	_ = 	snop  }
0x106: {  	_ = 	snop  }
.LBB2_20:
0x107: {  	_ =	sfence.sel $0x180000  }
0x108: {  	[bflag:$0x0] =	sbarrier.arrive $0xFFFF  }
0x109: {  	_ =	strace $0x90000047  }
0x10a: {  	[bflag:$0x2] =	sbarrier.arrive $0xFFFF  }
0x10b: {  	s0 =	rddreg [dreg:$0x3]  }
0x10c: {  	s0 =	sadd.s32 @!p1 $0x100000, s0  }
0x10d: {  	[sflag:s0] =	ssyncadd.tile.s32 @!p1 $0x1;
	_ =	shalt  }
.Lfunc_end2:
_tile_overlayer_lowered:
.L_overlay_start_2:
0x10e: {  	(tag) =	ssettag $0x2  }
0x10f: {  	s0 =	rddreg [dreg:$0x0];
	s2 =	stileid.u32  }
0x110: {  	s1 =	rddreg [dreg:$0x1];
	p0 =	sne.s32 s2, $0x0  }
0x111: {  	s3 =	rddreg [dreg:$0x2];
	[bflag:$0x3] =	sbarrier.arrive $0xFFFF;
	s2 =	simm.s32 @!p0 $0x1C05  }
0x112: {  	[timem:s3], [sflag:s2] =	dma.local @!p0 [hbm:s0], s1  }
0x113: {  	s0 =	simm.s32 @!p0 $0x5  }
0x114: {  	_ =	swait.ge @!p0 [sflag:s0], s1  }
0x115: {  	s1 =	ssub.s32 @!p0 $0x0, s1;
	[sflag:s0] =	ssyncset.done @!p0 $0x0  }
0x116: {  	[sflag:s0] =	ssyncadd.s32 @!p0 s1  }
0x117: {  	[bflag:$0x3] =	sbarrier.arrive $0xFFFF  }
0x118: {  	_ =	shalt  }

</sc_bundles>
